<compile_context>
chip_gen: v7x
topology: tpu7x:2x2x1
jax: 0.10.2.dev20260603
libtpu: 0.0.44.dev20260713+nightly
codegen_flags: <defaults>
</compile_context>

<pallas_src>
import functools

import jax
import jax.numpy as jnp
from jax import lax
from jax.experimental import pallas as pl
from jax.experimental.pallas import tpu as pltpu
from jax.experimental.pallas import tpu_sc as plsc

F32 = jnp.float32
NB = 16
DIM = 256
KC = 512
KH = 128
TT = 784
TCTX = 768
FW = 16
NC, NS = 2, 16
NW = NC * NS
ZQ_W = (NB * TT) // NW
GI_W = (NB * TCTX) // NW
GI_CH = 96


def _enc_body(x_ref, emb_ref, sel_ref, w1_ref, b1_ref, w2_ref, b2_ref, cb_ref,
              zt_ref, idx_ref, tt_ref, hc_ref):
    x2 = jnp.dot(x_ref[0, 0], emb_ref[0], preferred_element_type=F32)
    x2 = x2 + jnp.dot(x_ref[0, 1], emb_ref[1], preferred_element_type=F32)
    x2 = x2 + jnp.dot(x_ref[0, 2], emb_ref[2], preferred_element_type=F32)
    y0 = jnp.dot(sel_ref[0], x2, preferred_element_type=F32)
    y1 = jnp.dot(sel_ref[1], x2, preferred_element_type=F32)
    z0 = y0.reshape(57, 57, 6)
    z1 = y1.reshape(57, 57, 6)
    parts = []
    for dh in (0, 1):
        for dw in (0, 1):
            for zz in (z0, z1):
                parts.append(zz[dh:dh + 56, dw:dw + 56, :])
    a = jnp.concatenate(parts, axis=-1).reshape(3136, 48)
    hm = jnp.maximum(
        jnp.dot(a, w1_ref[...], preferred_element_type=F32) + b1_ref[0][None, :],
        0.0)

    h4 = hm.reshape(28, 2, 56, 256)
    he = h4[:, 0].reshape(28, 28, 2, 256)
    ho = h4[:, 1].reshape(28, 28, 2, 256)
    hc_ref[...] = jnp.zeros((29, 29, 4 * DIM), F32)
    hc_ref[1:29, 1:29, 0:256] = ho[:, :, 1, :]
    hc_ref[1:29, 0:28, 256:512] = ho[:, :, 0, :]
    hc_ref[0:28, 1:29, 512:768] = he[:, :, 1, :]
    hc_ref[0:28, 0:28, 768:1024] = he[:, :, 0, :]
    hc = hc_ref[...]

    w2 = w2_ref[...]
    z = jnp.dot(hc[0:28, 0:28, :].reshape(784, 1024), w2[0],
                preferred_element_type=F32)
    z = z + jnp.dot(hc[0:28, 1:29, :].reshape(784, 1024), w2[1],
                    preferred_element_type=F32)
    z = z + jnp.dot(hc[1:29, 0:28, :].reshape(784, 1024), w2[2],
                    preferred_element_type=F32)
    z = z + jnp.dot(hc[1:29, 1:29, :].reshape(784, 1024), w2[3],
                    preferred_element_type=F32)
    z = z + b2_ref[0][None, :]

    cb = cb_ref[...]
    zsq = jnp.sum(z * z, axis=-1, keepdims=True)
    csq = jnp.sum(cb * cb, axis=-1)
    s = lax.dot_general(z, cb, (((1,), (1,)), ((), ())),
                        preferred_element_type=F32)
    d2 = zsq - 2.0 * s + csq[None, :]
    m = jnp.min(d2, axis=-1, keepdims=True)
    io = lax.broadcasted_iota(jnp.int32, (784, KC), 1)
    idx = jnp.min(jnp.where(d2 <= m, io, KC), axis=-1)
    zt_ref[...] = z
    idx_ref[0, 0] = idx
    tt_ref[0] = z[TCTX:TT, :]


def _zmerge_body(zs_ref, o_ref):
    o_ref[...] = zs_ref[...].reshape(TT, 8, DIM)


def _gitab_body(cb_ref, wih_ref, bih_ref, o_ref):
    o_ref[...] = (jnp.dot(cb_ref[...], wih_ref[...], preferred_element_type=F32)
                  + bih_ref[0][None, :])


@functools.lru_cache(maxsize=1)
def _make_sc_gathers():
    mesh = plsc.VectorSubcoreMesh(core_axis_name="c", subcore_axis_name="s")

    @functools.partial(
        pl.kernel,
        out_type=jax.ShapeDtypeStruct((NB * TCTX, 3 * KH), F32),
        mesh=mesh,
        scratch_types=[
            pltpu.VMEM((GI_W // GI_CH, GI_CH), jnp.int32),
            pltpu.VMEM((GI_CH, 3 * KH), F32),
            pltpu.VMEM((GI_CH, 3 * KH), F32),
            pltpu.VMEM((GI_CH, 3 * KH), F32),
            pltpu.SemaphoreType.DMA,
            pltpu.SemaphoreType.DMA,
            pltpu.SemaphoreType.DMA,
            pltpu.SemaphoreType.DMA,
        ],
    )
    def gi_gather(gtab_hbm, idxc_hbm, gi_out, idxc_v, r0, r1, r2,
                  s0, s1, s2, so):
        wid = lax.axis_index("s") * NC + lax.axis_index("c")
        pltpu.sync_copy(idxc_hbm.at[wid], idxc_v)
        base = wid * GI_W
        bufs = (r0, r1, r2)
        sems = (s0, s1, s2)
        nch = GI_W // GI_CH
        cps = [pltpu.async_copy(gtab_hbm.at[idxc_v.at[j]], bufs[j], sems[j])
               for j in range(3)]
        outs = []
        drained = 0
        for j in range(nch):
            cps[j].wait()
            outs.append(pltpu.async_copy(
                bufs[j % 3], gi_out.at[pl.ds(base + j * GI_CH, GI_CH)], so))
            if j + 3 < nch:
                outs[j].wait()
                drained = j + 1
                cps.append(pltpu.async_copy(
                    gtab_hbm.at[idxc_v.at[j + 3]], bufs[j % 3], sems[j % 3]))
        for j in range(drained, nch):
            outs[j].wait()

    @functools.partial(
        pl.kernel,
        out_type=jax.ShapeDtypeStruct((NB * TT, DIM), F32),
        mesh=mesh,
        scratch_types=[
            pltpu.VMEM((ZQ_W,), jnp.int32),
            pltpu.VMEM((ZQ_W, DIM), F32),
            pltpu.SemaphoreType.DMA,
        ],
    )
    def zq_gather(cb_hbm, idxa_hbm, zq_out, idxa_v, rows, sem):
        wid = lax.axis_index("s") * NC + lax.axis_index("c")
        pltpu.sync_copy(idxa_hbm.at[wid], idxa_v)
        base = wid * ZQ_W
        pltpu.async_copy(cb_hbm.at[idxa_v], rows, sem).wait()
        pltpu.sync_copy(rows, zq_out.at[pl.ds(base, ZQ_W)])

    return gi_gather, zq_gather


def _gru_body(gi_ref, whh_ref, h0_ref, wp_ref, tt_ref, acc_ref, nce_ref):
    whh = whh_ref[...]

    def substep(gx, h):
        gh = jnp.dot(h, whh, preferred_element_type=F32)
        r = jax.nn.sigmoid(gx[:, 0:KH] + gh[:, 0:KH])
        zg = jax.nn.sigmoid(gx[:, KH:2 * KH] + gh[:, KH:2 * KH])
        n = jnp.tanh(gx[:, 2 * KH:3 * KH] + r * gh[:, 2 * KH:3 * KH])
        return (1.0 - zg) * n + zg * h

    def step(t, hs):
        ha, hb = hs
        gx = gi_ref[t]
        return substep(gx[0:8], ha), substep(gx[8:16], hb)

    h0 = h0_ref[...]
    ha, hb = lax.fori_loop(0, TCTX, step, (h0[0:8], h0[8:16]), unroll=4)
    h = jnp.concatenate([ha, hb], axis=0)

    tt = tt_ref[...]
    io = lax.broadcasted_iota(jnp.int32, (NB, NB), 1)
    lab = lax.broadcasted_iota(jnp.int32, (NB, NB), 0)
    eye = io == lab
    nce_sum = F32(0.0)
    acc_sum = F32(0.0)
    for k in range(FW):
        pred = jnp.dot(h, wp_ref[k], preferred_element_type=F32)
        tg = tt[:, k, :]
        sc = lax.dot_general(pred, tg, (((1,), (1,)), ((), ())),
                             preferred_element_type=F32)
        m = jnp.max(sc, axis=-1, keepdims=True)
        lse = m + jnp.log(jnp.sum(jnp.exp(sc - m), axis=-1, keepdims=True))
        diag = jnp.sum(jnp.where(eye, sc, 0.0), axis=-1, keepdims=True)
        nce_sum = nce_sum + jnp.sum(diag - lse)
        am = jnp.min(jnp.where(sc >= m, io, NB), axis=-1, keepdims=True)
        lab1 = lax.broadcasted_iota(jnp.int32, (NB, 1), 0)
        acc_sum = acc_sum + jnp.sum((am == lab1).astype(F32))
    nce_ref[...] = jnp.reshape(-nce_sum / F32(FW * NB), (1, 1))
    acc_ref[...] = jnp.reshape(acc_sum / F32(FW * NB), (1, 1))


def kernel(x, hidden, conv1_w, conv1_b, conv2_w, conv2_b, codebook,
           W_ih, W_hh, b_ih, b_hh, W_pred):
    w1 = (conv1_w.transpose(2, 3, 1, 0).reshape(2, 2, 2, 2, 3, DIM)
          .transpose(0, 2, 1, 3, 4, 5).reshape(48, DIM))
    w2 = (conv2_w.transpose(2, 3, 1, 0).reshape(2, 2, 2, 2, DIM, DIM)
          .transpose(0, 2, 1, 3, 4, 5).reshape(4, 4 * DIM, DIM))
    wsrc = jnp.arange(112)
    lane = jnp.arange(342)
    emb = jnp.stack([
        (lane[None, :] == 3 * (wsrc[:, None] + 1) + i).astype(F32)
        for i in range(3)])
    hp = jnp.arange(57)
    rows = jnp.arange(112)
    sel = jnp.stack([
        (rows[None, :] == 2 * hp[:, None] - 1).astype(F32),
        (rows[None, :] == 2 * hp[:, None]).astype(F32)])

    zt, idx3, tt = pl.pallas_call(
        _enc_body,
        grid=(NB,),
        in_specs=[
            pl.BlockSpec((1, 3, 112, 112), lambda b: (b, 0, 0, 0)),
            pl.BlockSpec((3, 112, 342), lambda b: (0, 0, 0)),
            pl.BlockSpec((2, 57, 112), lambda b: (0, 0, 0)),
            pl.BlockSpec((48, DIM), lambda b: (0, 0)),
            pl.BlockSpec((1, DIM), lambda b: (0, 0)),
            pl.BlockSpec((4, 4 * DIM, DIM), lambda b: (0, 0, 0)),
            pl.BlockSpec((1, DIM), lambda b: (0, 0)),
            pl.BlockSpec((KC, DIM), lambda b: (0, 0)),
        ],
        out_specs=[
            pl.BlockSpec((TT, DIM), lambda b: (0, b)),
            pl.BlockSpec((1, 1, TT), lambda b: (b, 0, 0)),
            pl.BlockSpec((1, FW, DIM), lambda b: (b, 0, 0)),
        ],
        out_shape=[
            jax.ShapeDtypeStruct((TT, NB * DIM), F32),
            jax.ShapeDtypeStruct((NB, 1, TT), jnp.int32),
            jax.ShapeDtypeStruct((NB, FW, DIM), F32),
        ],
        scratch_shapes=[pltpu.VMEM((29, 29, 4 * DIM), F32)],
    )(x, emb, sel, w1, conv1_b.reshape(1, DIM), w2, conv2_b.reshape(1, DIM),
      codebook)

    gi_tab = pl.pallas_call(
        _gitab_body,
        in_specs=[
            pl.BlockSpec((KC, DIM), lambda: (0, 0)),
            pl.BlockSpec((DIM, 3 * KH), lambda: (0, 0)),
            pl.BlockSpec((1, 3 * KH), lambda: (0, 0)),
        ],
        out_specs=pl.BlockSpec((KC, 3 * KH), lambda: (0, 0)),
        out_shape=jax.ShapeDtypeStruct((KC, 3 * KH), F32),
    )(codebook, W_ih.T, (b_ih + b_hh).reshape(1, 3 * KH))

    idx = idx3.reshape(NB, TT)
    idx_t = idx.T
    idx_all = idx_t.reshape(NW, ZQ_W)
    idx_ctx = idx_t[:TCTX].reshape(NW, GI_W // GI_CH, GI_CH)

    gi_gather, zq_gather = _make_sc_gathers()
    gi = gi_gather(gi_tab, idx_ctx)
    z_q_flat = zq_gather(codebook, idx_all)

    acc2, nce2 = pl.pallas_call(
        _gru_body,
        in_specs=[
            pl.BlockSpec((TCTX, NB, 3 * KH), lambda: (0, 0, 0)),
            pl.BlockSpec((KH, 3 * KH), lambda: (0, 0)),
            pl.BlockSpec((NB, KH), lambda: (0, 0)),
            pl.BlockSpec((FW, KH, DIM), lambda: (0, 0, 0)),
            pl.BlockSpec((NB, FW, DIM), lambda: (0, 0, 0)),
        ],
        out_specs=[
            pl.BlockSpec((1, 1), lambda: (0, 0)),
            pl.BlockSpec((1, 1), lambda: (0, 0)),
        ],
        out_shape=[
            jax.ShapeDtypeStruct((1, 1), F32),
            jax.ShapeDtypeStruct((1, 1), F32),
        ],
    )(gi.reshape(TCTX, NB, 3 * KH), W_hh.T, hidden[0], W_pred, tt)

    ze3 = pl.pallas_call(
        _zmerge_body,
        grid=(2,),
        in_specs=[pl.BlockSpec((TT, 8 * DIM), lambda g: (0, g))],
        out_specs=pl.BlockSpec((TT, 8, DIM), lambda g: (0, g, 0)),
        out_shape=jax.ShapeDtypeStruct((TT, NB, DIM), F32),
    )(zt)

    z_e_x = jnp.transpose(ze3.reshape(28, 28, NB, DIM), (2, 3, 0, 1))
    z_q_x = jnp.transpose(z_q_flat.reshape(28, 28, NB, DIM), (2, 3, 0, 1))
    return acc2[0, 0], nce2[0, 0], z_e_x, z_q_x

# --- scband reference (transcript-rebuilt; emitter-appended) ---
"""Pipeline reference for scband-cpcvqvae-28922309771358 (READ-ONLY COPY).

The authoritative reference and input builder live on the scoring server;
editing this copy changes nothing except your own understanding.
"""

import jax, jax.numpy as jnp
import numpy as np

B = 16
INPUT_DIM = 3
DIM = 256
K = 512
K_H = 128
IMG_WINDOW = 784
FUTURE_WINDOW = 16


def conv2d(x, w, b, stride, pad):
    out = jax.lax.conv_general_dilated(x, w, (stride, stride), [(pad, pad), (pad, pad)], dimension_numbers=('NCHW', 'OIHW', 'NCHW'))
    return out + b[None, :, None, None]


def gru_last(seq, h0, W_ih, W_hh, b_ih, b_hh):
    # seq: [T, B, D], h0: [B, K_H] -> final hidden [B, K_H]
    def step(h, x_t):
        gi = x_t @ W_ih.T + b_ih
        gh = h @ W_hh.T + b_hh
        i_r, i_z, i_n = jnp.split(gi, 3, axis=-1)
        h_r, h_z, h_n = jnp.split(gh, 3, axis=-1)
        r = jax.nn.sigmoid(i_r + h_r)
        z = jax.nn.sigmoid(i_z + h_z)
        n = jnp.tanh(i_n + r * h_n)
        h_new = (1.0 - z) * n + z * h
        return h_new, None
    hT, _ = jax.lax.scan(step, h0, seq)
    return hT


def setup_inputs(seed: int = 0):
    key = jax.random.key(seed)
    ks = jax.random.split(key, 8)
    inp = {}
    inp['x'] = jax.random.normal(ks[0], (B, INPUT_DIM, 112, 112), dtype=jnp.float32)
    inp['hidden'] = jnp.zeros((1, B, K_H), dtype=jnp.float32)
    inp['conv1_w'] = jax.random.normal(ks[1], (DIM, INPUT_DIM, 4, 4), dtype=jnp.float32) * 0.05
    inp['conv1_b'] = jnp.zeros((DIM,), dtype=jnp.float32)
    inp['conv2_w'] = jax.random.normal(ks[2], (DIM, DIM, 4, 4), dtype=jnp.float32) * 0.02
    inp['conv2_b'] = jnp.zeros((DIM,), dtype=jnp.float32)
    inp['codebook'] = jax.random.normal(ks[3], (K, DIM), dtype=jnp.float32) * 0.05
    inp['W_ih'] = jax.random.normal(ks[4], (3 * K_H, DIM), dtype=jnp.float32) * 0.05
    inp['W_hh'] = jax.random.normal(ks[5], (3 * K_H, K_H), dtype=jnp.float32) * 0.05
    inp['b_ih'] = jnp.zeros((3 * K_H,), dtype=jnp.float32)
    inp['b_hh'] = jnp.zeros((3 * K_H,), dtype=jnp.float32)
    inp['W_pred'] = jax.random.normal(ks[6], (FUTURE_WINDOW, K_H, DIM), dtype=jnp.float32) * 0.05
    return inp


def reference(x, hidden, conv1_w, conv1_b, conv2_w, conv2_b, codebook, W_ih, W_hh, b_ih, b_hh, W_pred):
    # --- VQVAEEncoder ---
    h = jax.nn.relu(conv2d(x, conv1_w, conv1_b, 2, 1))          # [B, DIM, 56, 56]
    z_e_x = conv2d(h, conv2_w, conv2_b, 2, 1)                   # [B, DIM, 28, 28]
    Bn, D, Hh, Ww = z_e_x.shape
    z_e_flat = z_e_x.transpose(0, 2, 3, 1).reshape(Bn, Hh * Ww, D)   # [B, T, D]
    d2 = (jnp.sum(z_e_flat ** 2, axis=-1, keepdims=True)
          - 2.0 * (z_e_flat @ codebook.T)
          + jnp.sum(codebook ** 2, axis=-1)[None, None, :])
    idx = jnp.argmin(d2, axis=-1)                               # [B, T]
    z_q_flat = jnp.take(codebook, idx, axis=0)                  # [B, T, D]
    z_q_st_flat = z_e_flat + jax.lax.stop_gradient(z_q_flat - z_e_flat)
    z_q_x = z_q_flat.reshape(Bn, Hh, Ww, D).transpose(0, 3, 1, 2)
    # --- CPCModule ---
    ctx_len = IMG_WINDOW - FUTURE_WINDOW
    ctx = z_q_st_flat[:, :ctx_len, :].transpose(1, 0, 2)        # [T_ctx, B, D]
    c_t = gru_last(ctx, hidden[0], W_ih, W_hh, b_ih, b_hh)      # [B, K_H]
    preds = jnp.einsum('bh,khd->kbd', c_t, W_pred)              # [k, B, D]
    targets = z_e_flat[:, ctx_len:ctx_len + FUTURE_WINDOW, :].transpose(1, 0, 2)  # [k, B, D]
    scores = jnp.einsum('kbd,kcd->kbc', preds, targets)         # [k, B, B]
    labels = jnp.arange(Bn)
    logsm = jax.nn.log_softmax(scores, axis=-1)
    nce = -jnp.mean(logsm[:, labels, labels])
    accuracy = jnp.mean((jnp.argmax(scores, axis=-1) == labels[None, :]).astype(jnp.float32))
    return accuracy, nce, z_e_x, z_q_x

if __name__ == "__main__":
    import jax
    _d = setup_inputs()
    print(jax.jit(kernel)(*tuple(_d.values())))

</pallas_src>

<mosaic_0001>
#map = affine_map<(d0, d1) -> (0, 0)>
#map1 = affine_map<(d0, d1) -> (0, 0, 0)>
module attributes {stable_mosaic.version = 14 : i64} {
  func.func @gi_gather(%arg0: i32, %arg1: i32, %arg2: memref<512x384xf32, #tpu.memory_space<hbm>>, %arg3: memref<32x4x96xi32, #tpu.memory_space<hbm>>, %arg4: memref<12288x384xf32, #tpu.memory_space<hbm>>, %arg5: memref<4x96xi32, #tpu.memory_space<vmem>>, %arg6: memref<96x384xf32, #tpu.memory_space<vmem>>, %arg7: memref<96x384xf32, #tpu.memory_space<vmem>>, %arg8: memref<96x384xf32, #tpu.memory_space<vmem>>, %arg9: memref<!tpu.dma_semaphore, #tpu.memory_space<semaphore_mem>>, %arg10: memref<!tpu.dma_semaphore, #tpu.memory_space<semaphore_mem>>, %arg11: memref<!tpu.dma_semaphore, #tpu.memory_space<semaphore_mem>>, %arg12: memref<!tpu.dma_semaphore, #tpu.memory_space<semaphore_mem>>) attributes {dimension_semantics = [#tpu.dimension_semantics<core_parallel>, #tpu.dimension_semantics<subcore_parallel>], iteration_bounds = array<i64: 2, 16>, scalar_prefetch = 0 : i64, scratch_operands = 8 : i64, tpu.core_type = #tpu.core_type<sc_vector_subcore>, window_params = [{transform_indices = #map}, {transform_indices = #map1}, {transform_indices = #map}]} {
    %mul3A = arith.constant 2 : i32
    %mul3A_0 = arith.muli %arg1, %mul3A : i32
    %add3A = arith.addi %mul3A_0, %arg0 : i32
    "tpu.region"() ({
      %run_scoped3A = tpu.sem_alloc : memref<!tpu.dma_semaphore, #tpu.memory_space<semaphore_mem>>
      %dma_start3A_97 = arith.constant 0 : i32
      %dma_start3A_98 = arith.constant 0 : i32
      %dma_start3A_99 = tpu.memref_slice %arg3[%add3A, %dma_start3A_97, %dma_start3A_98] : memref<32x4x96xi32, #tpu.memory_space<hbm>> -> memref<1x4x96xi32, #tpu.memory_space<hbm>>
      %dma_start3A_100 = tpu.memref_squeeze %dma_start3A_99 : memref<1x4x96xi32, #tpu.memory_space<hbm>> -> memref<4x96xi32, #tpu.memory_space<hbm>>
      %dma_start3A_101 = arith.constant 0 : i32
      %dma_start3A_102 = arith.constant 0 : i32
      %dma_start3A_103 = tpu.memref_slice %arg3[%add3A, %dma_start3A_101, %dma_start3A_102] : memref<32x4x96xi32, #tpu.memory_space<hbm>> -> memref<1x4x96xi32, #tpu.memory_space<hbm>>
      %dma_start3A_104 = tpu.memref_squeeze %dma_start3A_103 : memref<1x4x96xi32, #tpu.memory_space<hbm>> -> memref<4x96xi32, #tpu.memory_space<hbm>>
      tpu.enqueue_dma source(%dma_start3A_104 : memref<4x96xi32, #tpu.memory_space<hbm>>) target(%arg5 : memref<4x96xi32, #tpu.memory_space<vmem>>) target_semaphore(%run_scoped3A : memref<!tpu.dma_semaphore, #tpu.memory_space<semaphore_mem>>)
      %dma_wait3A_105 = arith.constant 0 : i32
      %dma_wait3A_106 = arith.constant 0 : i32
      %dma_wait3A_107 = tpu.memref_slice %arg3[%add3A, %dma_wait3A_105, %dma_wait3A_106] : memref<32x4x96xi32, #tpu.memory_space<hbm>> -> memref<1x4x96xi32, #tpu.memory_space<hbm>>
      %dma_wait3A_108 = tpu.memref_squeeze %dma_wait3A_107 : memref<1x4x96xi32, #tpu.memory_space<hbm>> -> memref<4x96xi32, #tpu.memory_space<hbm>>
      %dma_wait3A_109 = arith.constant 0 : i32
      %dma_wait3A_110 = arith.constant 0 : i32
      %dma_wait3A_111 = tpu.memref_slice %arg3[%add3A, %dma_wait3A_109, %dma_wait3A_110] : memref<32x4x96xi32, #tpu.memory_space<hbm>> -> memref<1x4x96xi32, #tpu.memory_space<hbm>>
      %dma_wait3A_112 = tpu.memref_squeeze %dma_wait3A_111 : memref<1x4x96xi32, #tpu.memory_space<hbm>> -> memref<4x96xi32, #tpu.memory_space<hbm>>
      tpu.wait_dma2 semaphore(%run_scoped3A : memref<!tpu.dma_semaphore, #tpu.memory_space<semaphore_mem>>) src(%dma_wait3A_112 : memref<4x96xi32, #tpu.memory_space<hbm>>) dst(%arg5 : memref<4x96xi32, #tpu.memory_space<vmem>>)
      tpu.yield
    }) : () -> ()
    %mul3A_1 = arith.constant 384 : i32
    %mul3A_2 = arith.muli %add3A, %mul3A_1 : i32
    %dma_start3A = arith.constant 0 : i32
    %dma_start3A_3 = arith.constant 0 : i32
    %dma_start3A_4 = tpu.memref_slice %arg5[%dma_start3A, %dma_start3A_3] : memref<4x96xi32, #tpu.memory_space<vmem>> -> memref<1x96xi32, #tpu.memory_space<vmem>>
    %dma_start3A_5 = tpu.memref_squeeze %dma_start3A_4 : memref<1x96xi32, #tpu.memory_space<vmem>> -> memref<96xi32, #tpu.memory_space<vmem>>
    %dma_start3A_6 = arith.constant 0 : i32
    %dma_start3A_7 = arith.constant 0 : i32
    %dma_start3A_8 = tpu.memref_slice %arg2[%dma_start3A_6, %dma_start3A_7] : memref<512x384xf32, #tpu.memory_space<hbm>> -> memref<512x384xf32, #tpu.memory_space<hbm>>
    tpu.enqueue_indirect_dma source(%dma_start3A_8 : memref<512x384xf32, #tpu.memory_space<hbm>>) target(%arg6 : memref<96x384xf32, #tpu.memory_space<vmem>>) offsets(%dma_start3A_5 : memref<96xi32, #tpu.memory_space<vmem>>) semaphore(%arg9 : memref<!tpu.dma_semaphore, #tpu.memory_space<semaphore_mem>>)
    %dma_start3A_9 = arith.constant 1 : i32
    %dma_start3A_10 = arith.constant 0 : i32
    %dma_start3A_11 = tpu.memref_slice %arg5[%dma_start3A_9, %dma_start3A_10] : memref<4x96xi32, #tpu.memory_space<vmem>> -> memref<1x96xi32, #tpu.memory_space<vmem>>
    %dma_start3A_12 = tpu.memref_squeeze %dma_start3A_11 : memref<1x96xi32, #tpu.memory_space<vmem>> -> memref<96xi32, #tpu.memory_space<vmem>>
    %dma_start3A_13 = arith.constant 0 : i32
    %dma_start3A_14 = arith.constant 0 : i32
    %dma_start3A_15 = tpu.memref_slice %arg2[%dma_start3A_13, %dma_start3A_14] : memref<512x384xf32, #tpu.memory_space<hbm>> -> memref<512x384xf32, #tpu.memory_space<hbm>>
    tpu.enqueue_indirect_dma source(%dma_start3A_15 : memref<512x384xf32, #tpu.memory_space<hbm>>) target(%arg7 : memref<96x384xf32, #tpu.memory_space<vmem>>) offsets(%dma_start3A_12 : memref<96xi32, #tpu.memory_space<vmem>>) semaphore(%arg10 : memref<!tpu.dma_semaphore, #tpu.memory_space<semaphore_mem>>)
    %dma_start3A_16 = arith.constant 2 : i32
    %dma_start3A_17 = arith.constant 0 : i32
    %dma_start3A_18 = tpu.memref_slice %arg5[%dma_start3A_16, %dma_start3A_17] : memref<4x96xi32, #tpu.memory_space<vmem>> -> memref<1x96xi32, #tpu.memory_space<vmem>>
    %dma_start3A_19 = tpu.memref_squeeze %dma_start3A_18 : memref<1x96xi32, #tpu.memory_space<vmem>> -> memref<96xi32, #tpu.memory_space<vmem>>
    %dma_start3A_20 = arith.constant 0 : i32
    %dma_start3A_21 = arith.constant 0 : i32
    %dma_start3A_22 = tpu.memref_slice %arg2[%dma_start3A_20, %dma_start3A_21] : memref<512x384xf32, #tpu.memory_space<hbm>> -> memref<512x384xf32, #tpu.memory_space<hbm>>
    tpu.enqueue_indirect_dma source(%dma_start3A_22 : memref<512x384xf32, #tpu.memory_space<hbm>>) target(%arg8 : memref<96x384xf32, #tpu.memory_space<vmem>>) offsets(%dma_start3A_19 : memref<96xi32, #tpu.memory_space<vmem>>) semaphore(%arg11 : memref<!tpu.dma_semaphore, #tpu.memory_space<semaphore_mem>>)
    %dma_wait3A = arith.constant 0 : i32
    %dma_wait3A_23 = arith.constant 0 : i32
    %dma_wait3A_24 = tpu.memref_slice %arg5[%dma_wait3A, %dma_wait3A_23] : memref<4x96xi32, #tpu.memory_space<vmem>> -> memref<1x96xi32, #tpu.memory_space<vmem>>
    %dma_wait3A_25 = tpu.memref_squeeze %dma_wait3A_24 : memref<1x96xi32, #tpu.memory_space<vmem>> -> memref<96xi32, #tpu.memory_space<vmem>>
    %dma_wait3A_26 = arith.constant 0 : i32
    %dma_wait3A_27 = arith.constant 0 : i32
    %dma_wait3A_28 = tpu.memref_slice %arg2[%dma_wait3A_26, %dma_wait3A_27] : memref<512x384xf32, #tpu.memory_space<hbm>> -> memref<512x384xf32, #tpu.memory_space<hbm>>
    tpu.wait_indirect_dma semaphore(%arg9 : memref<!tpu.dma_semaphore, #tpu.memory_space<semaphore_mem>>) src(%dma_wait3A_28 : memref<512x384xf32, #tpu.memory_space<hbm>>) dst(%arg6 : memref<96x384xf32, #tpu.memory_space<vmem>>)
    %add3A_29 = arith.constant 0 : i32
    %add3A_30 = arith.addi %mul3A_2, %add3A_29 : i32
    %dma_start3A_31 = arith.constant 0 : i32
    %dma_start3A_32 = tpu.memref_slice %arg4[%add3A_30, %dma_start3A_31] : memref<12288x384xf32, #tpu.memory_space<hbm>> -> memref<96x384xf32, #tpu.memory_space<hbm>>
    %dma_start3A_33 = arith.constant 0 : i32
    %dma_start3A_34 = tpu.memref_slice %arg4[%add3A_30, %dma_start3A_33] : memref<12288x384xf32, #tpu.memory_space<hbm>> -> memref<96x384xf32, #tpu.memory_space<hbm>>
    tpu.enqueue_dma source(%arg6 : memref<96x384xf32, #tpu.memory_space<vmem>>) target(%dma_start3A_34 : memref<96x384xf32, #tpu.memory_space<hbm>>) target_semaphore(%arg12 : memref<!tpu.dma_semaphore, #tpu.memory_space<semaphore_mem>>)
    %dma_wait3A_35 = arith.constant 0 : i32
    %dma_wait3A_36 = tpu.memref_slice %arg4[%add3A_30, %dma_wait3A_35] : memref<12288x384xf32, #tpu.memory_space<hbm>> -> memref<96x384xf32, #tpu.memory_space<hbm>>
    %dma_wait3A_37 = arith.constant 0 : i32
    %dma_wait3A_38 = tpu.memref_slice %arg4[%add3A_30, %dma_wait3A_37] : memref<12288x384xf32, #tpu.memory_space<hbm>> -> memref<96x384xf32, #tpu.memory_space<hbm>>
    tpu.wait_dma2 semaphore(%arg12 : memref<!tpu.dma_semaphore, #tpu.memory_space<semaphore_mem>>) src(%arg6 : memref<96x384xf32, #tpu.memory_space<vmem>>) dst(%dma_wait3A_38 : memref<96x384xf32, #tpu.memory_space<hbm>>)
    %dma_start3A_39 = arith.constant 3 : i32
    %dma_start3A_40 = arith.constant 0 : i32
    %dma_start3A_41 = tpu.memref_slice %arg5[%dma_start3A_39, %dma_start3A_40] : memref<4x96xi32, #tpu.memory_space<vmem>> -> memref<1x96xi32, #tpu.memory_space<vmem>>
    %dma_start3A_42 = tpu.memref_squeeze %dma_start3A_41 : memref<1x96xi32, #tpu.memory_space<vmem>> -> memref<96xi32, #tpu.memory_space<vmem>>
    %dma_start3A_43 = arith.constant 0 : i32
    %dma_start3A_44 = arith.constant 0 : i32
    %dma_start3A_45 = tpu.memref_slice %arg2[%dma_start3A_43, %dma_start3A_44] : memref<512x384xf32, #tpu.memory_space<hbm>> -> memref<512x384xf32, #tpu.memory_space<hbm>>
    tpu.enqueue_indirect_dma source(%dma_start3A_45 : memref<512x384xf32, #tpu.memory_space<hbm>>) target(%arg6 : memref<96x384xf32, #tpu.memory_space<vmem>>) offsets(%dma_start3A_42 : memref<96xi32, #tpu.memory_space<vmem>>) semaphore(%arg9 : memref<!tpu.dma_semaphore, #tpu.memory_space<semaphore_mem>>)
    %dma_wait3A_46 = arith.constant 1 : i32
    %dma_wait3A_47 = arith.constant 0 : i32
    %dma_wait3A_48 = tpu.memref_slice %arg5[%dma_wait3A_46, %dma_wait3A_47] : memref<4x96xi32, #tpu.memory_space<vmem>> -> memref<1x96xi32, #tpu.memory_space<vmem>>
    %dma_wait3A_49 = tpu.memref_squeeze %dma_wait3A_48 : memref<1x96xi32, #tpu.memory_space<vmem>> -> memref<96xi32, #tpu.memory_space<vmem>>
    %dma_wait3A_50 = arith.constant 0 : i32
    %dma_wait3A_51 = arith.constant 0 : i32
    %dma_wait3A_52 = tpu.memref_slice %arg2[%dma_wait3A_50, %dma_wait3A_51] : memref<512x384xf32, #tpu.memory_space<hbm>> -> memref<512x384xf32, #tpu.memory_space<hbm>>
    tpu.wait_indirect_dma semaphore(%arg10 : memref<!tpu.dma_semaphore, #tpu.memory_space<semaphore_mem>>) src(%dma_wait3A_52 : memref<512x384xf32, #tpu.memory_space<hbm>>) dst(%arg7 : memref<96x384xf32, #tpu.memory_space<vmem>>)
    %add3A_53 = arith.constant 96 : i32
    %add3A_54 = arith.addi %mul3A_2, %add3A_53 : i32
    %dma_start3A_55 = arith.constant 0 : i32
    %dma_start3A_56 = tpu.memref_slice %arg4[%add3A_54, %dma_start3A_55] : memref<12288x384xf32, #tpu.memory_space<hbm>> -> memref<96x384xf32, #tpu.memory_space<hbm>>
    %dma_start3A_57 = arith.constant 0 : i32
    %dma_start3A_58 = tpu.memref_slice %arg4[%add3A_54, %dma_start3A_57] : memref<12288x384xf32, #tpu.memory_space<hbm>> -> memref<96x384xf32, #tpu.memory_space<hbm>>
    tpu.enqueue_dma source(%arg7 : memref<96x384xf32, #tpu.memory_space<vmem>>) target(%dma_start3A_58 : memref<96x384xf32, #tpu.memory_space<hbm>>) target_semaphore(%arg12 : memref<!tpu.dma_semaphore, #tpu.memory_space<semaphore_mem>>)
    %dma_wait3A_59 = arith.constant 2 : i32
    %dma_wait3A_60 = arith.constant 0 : i32
    %dma_wait3A_61 = tpu.memref_slice %arg5[%dma_wait3A_59, %dma_wait3A_60] : memref<4x96xi32, #tpu.memory_space<vmem>> -> memref<1x96xi32, #tpu.memory_space<vmem>>
    %dma_wait3A_62 = tpu.memref_squeeze %dma_wait3A_61 : memref<1x96xi32, #tpu.memory_space<vmem>> -> memref<96xi32, #tpu.memory_space<vmem>>
    %dma_wait3A_63 = arith.constant 0 : i32
    %dma_wait3A_64 = arith.constant 0 : i32
    %dma_wait3A_65 = tpu.memref_slice %arg2[%dma_wait3A_63, %dma_wait3A_64] : memref<512x384xf32, #tpu.memory_space<hbm>> -> memref<512x384xf32, #tpu.memory_space<hbm>>
    tpu.wait_indirect_dma semaphore(%arg11 : memref<!tpu.dma_semaphore, #tpu.memory_space<semaphore_mem>>) src(%dma_wait3A_65 : memref<512x384xf32, #tpu.memory_space<hbm>>) dst(%arg8 : memref<96x384xf32, #tpu.memory_space<vmem>>)
    %add3A_66 = arith.constant 192 : i32
    %add3A_67 = arith.addi %mul3A_2, %add3A_66 : i32
    %dma_start3A_68 = arith.constant 0 : i32
    %dma_start3A_69 = tpu.memref_slice %arg4[%add3A_67, %dma_start3A_68] : memref<12288x384xf32, #tpu.memory_space<hbm>> -> memref<96x384xf32, #tpu.memory_space<hbm>>
    %dma_start3A_70 = arith.constant 0 : i32
    %dma_start3A_71 = tpu.memref_slice %arg4[%add3A_67, %dma_start3A_70] : memref<12288x384xf32, #tpu.memory_space<hbm>> -> memref<96x384xf32, #tpu.memory_space<hbm>>
    tpu.enqueue_dma source(%arg8 : memref<96x384xf32, #tpu.memory_space<vmem>>) target(%dma_start3A_71 : memref<96x384xf32, #tpu.memory_space<hbm>>) target_semaphore(%arg12 : memref<!tpu.dma_semaphore, #tpu.memory_space<semaphore_mem>>)
    %dma_wait3A_72 = arith.constant 3 : i32
    %dma_wait3A_73 = arith.constant 0 : i32
    %dma_wait3A_74 = tpu.memref_slice %arg5[%dma_wait3A_72, %dma_wait3A_73] : memref<4x96xi32, #tpu.memory_space<vmem>> -> memref<1x96xi32, #tpu.memory_space<vmem>>
    %dma_wait3A_75 = tpu.memref_squeeze %dma_wait3A_74 : memref<1x96xi32, #tpu.memory_space<vmem>> -> memref<96xi32, #tpu.memory_space<vmem>>
    %dma_wait3A_76 = arith.constant 0 : i32
    %dma_wait3A_77 = arith.constant 0 : i32
    %dma_wait3A_78 = tpu.memref_slice %arg2[%dma_wait3A_76, %dma_wait3A_77] : memref<512x384xf32, #tpu.memory_space<hbm>> -> memref<512x384xf32, #tpu.memory_space<hbm>>
    tpu.wait_indirect_dma semaphore(%arg9 : memref<!tpu.dma_semaphore, #tpu.memory_space<semaphore_mem>>) src(%dma_wait3A_78 : memref<512x384xf32, #tpu.memory_space<hbm>>) dst(%arg6 : memref<96x384xf32, #tpu.memory_space<vmem>>)
    %add3A_79 = arith.constant 288 : i32
    %add3A_80 = arith.addi %mul3A_2, %add3A_79 : i32
    %dma_start3A_81 = arith.constant 0 : i32
    %dma_start3A_82 = tpu.memref_slice %arg4[%add3A_80, %dma_start3A_81] : memref<12288x384xf32, #tpu.memory_space<hbm>> -> memref<96x384xf32, #tpu.memory_space<hbm>>
    %dma_start3A_83 = arith.constant 0 : i32
    %dma_start3A_84 = tpu.memref_slice %arg4[%add3A_80, %dma_start3A_83] : memref<12288x384xf32, #tpu.memory_space<hbm>> -> memref<96x384xf32, #tpu.memory_space<hbm>>
    tpu.enqueue_dma source(%arg6 : memref<96x384xf32, #tpu.memory_space<vmem>>) target(%dma_start3A_84 : memref<96x384xf32, #tpu.memory_space<hbm>>) target_semaphore(%arg12 : memref<!tpu.dma_semaphore, #tpu.memory_space<semaphore_mem>>)
    %dma_wait3A_85 = arith.constant 0 : i32
    %dma_wait3A_86 = tpu.memref_slice %arg4[%add3A_54, %dma_wait3A_85] : memref<12288x384xf32, #tpu.memory_space<hbm>> -> memref<96x384xf32, #tpu.memory_space<hbm>>
    %dma_wait3A_87 = arith.constant 0 : i32
    %dma_wait3A_88 = tpu.memref_slice %arg4[%add3A_54, %dma_wait3A_87] : memref<12288x384xf32, #tpu.memory_space<hbm>> -> memref<96x384xf32, #tpu.memory_space<hbm>>
    tpu.wait_dma2 semaphore(%arg12 : memref<!tpu.dma_semaphore, #tpu.memory_space<semaphore_mem>>) src(%arg7 : memref<96x384xf32, #tpu.memory_space<vmem>>) dst(%dma_wait3A_88 : memref<96x384xf32, #tpu.memory_space<hbm>>)
    %dma_wait3A_89 = arith.constant 0 : i32
    %dma_wait3A_90 = tpu.memref_slice %arg4[%add3A_67, %dma_wait3A_89] : memref<12288x384xf32, #tpu.memory_space<hbm>> -> memref<96x384xf32, #tpu.memory_space<hbm>>
    %dma_wait3A_91 = arith.constant 0 : i32
    %dma_wait3A_92 = tpu.memref_slice %arg4[%add3A_67, %dma_wait3A_91] : memref<12288x384xf32, #tpu.memory_space<hbm>> -> memref<96x384xf32, #tpu.memory_space<hbm>>
    tpu.wait_dma2 semaphore(%arg12 : memref<!tpu.dma_semaphore, #tpu.memory_space<semaphore_mem>>) src(%arg8 : memref<96x384xf32, #tpu.memory_space<vmem>>) dst(%dma_wait3A_92 : memref<96x384xf32, #tpu.memory_space<hbm>>)
    %dma_wait3A_93 = arith.constant 0 : i32
    %dma_wait3A_94 = tpu.memref_slice %arg4[%add3A_80, %dma_wait3A_93] : memref<12288x384xf32, #tpu.memory_space<hbm>> -> memref<96x384xf32, #tpu.memory_space<hbm>>
    %dma_wait3A_95 = arith.constant 0 : i32
    %dma_wait3A_96 = tpu.memref_slice %arg4[%add3A_80, %dma_wait3A_95] : memref<12288x384xf32, #tpu.memory_space<hbm>> -> memref<96x384xf32, #tpu.memory_space<hbm>>
    tpu.wait_dma2 semaphore(%arg12 : memref<!tpu.dma_semaphore, #tpu.memory_space<semaphore_mem>>) src(%arg6 : memref<96x384xf32, #tpu.memory_space<vmem>>) dst(%dma_wait3A_96 : memref<96x384xf32, #tpu.memory_space<hbm>>)
    return
  }
}

#map = affine_map<(d0, d1) -> (0, 0)>
module attributes {stable_mosaic.version = 14 : i64} {
  func.func @zq_gather(%arg0: i32, %arg1: i32, %arg2: memref<512x256xf32, #tpu.memory_space<hbm>>, %arg3: memref<32x392xi32, #tpu.memory_space<hbm>>, %arg4: memref<12544x256xf32, #tpu.memory_space<hbm>>, %arg5: memref<392xi32, #tpu.memory_space<vmem>>, %arg6: memref<392x256xf32, #tpu.memory_space<vmem>>, %arg7: memref<!tpu.dma_semaphore, #tpu.memory_space<semaphore_mem>>) attributes {dimension_semantics = [#tpu.dimension_semantics<core_parallel>, #tpu.dimension_semantics<subcore_parallel>], iteration_bounds = array<i64: 2, 16>, scalar_prefetch = 0 : i64, scratch_operands = 3 : i64, tpu.core_type = #tpu.core_type<sc_vector_subcore>, window_params = [{transform_indices = #map}, {transform_indices = #map}, {transform_indices = #map}]} {
    %mul3A = arith.constant 2 : i32
    %mul3A_0 = arith.muli %arg1, %mul3A : i32
    %add3A = arith.addi %mul3A_0, %arg0 : i32
    "tpu.region"() ({
      %run_scoped3A = tpu.sem_alloc : memref<!tpu.dma_semaphore, #tpu.memory_space<semaphore_mem>>
      %dma_start3A_7 = arith.constant 0 : i32
      %dma_start3A_8 = tpu.memref_slice %arg3[%add3A, %dma_start3A_7] : memref<32x392xi32, #tpu.memory_space<hbm>> -> memref<1x392xi32, #tpu.memory_space<hbm>>
      %dma_start3A_9 = tpu.memref_squeeze %dma_start3A_8 : memref<1x392xi32, #tpu.memory_space<hbm>> -> memref<392xi32, #tpu.memory_space<hbm>>
      %dma_start3A_10 = arith.constant 0 : i32
      %dma_start3A_11 = tpu.memref_slice %arg3[%add3A, %dma_start3A_10] : memref<32x392xi32, #tpu.memory_space<hbm>> -> memref<1x392xi32, #tpu.memory_space<hbm>>
      %dma_start3A_12 = tpu.memref_squeeze %dma_start3A_11 : memref<1x392xi32, #tpu.memory_space<hbm>> -> memref<392xi32, #tpu.memory_space<hbm>>
      tpu.enqueue_dma source(%dma_start3A_12 : memref<392xi32, #tpu.memory_space<hbm>>) target(%arg5 : memref<392xi32, #tpu.memory_space<vmem>>) target_semaphore(%run_scoped3A : memref<!tpu.dma_semaphore, #tpu.memory_space<semaphore_mem>>)
      %dma_wait3A_13 = arith.constant 0 : i32
      %dma_wait3A_14 = tpu.memref_slice %arg3[%add3A, %dma_wait3A_13] : memref<32x392xi32, #tpu.memory_space<hbm>> -> memref<1x392xi32, #tpu.memory_space<hbm>>
      %dma_wait3A_15 = tpu.memref_squeeze %dma_wait3A_14 : memref<1x392xi32, #tpu.memory_space<hbm>> -> memref<392xi32, #tpu.memory_space<hbm>>
      %dma_wait3A_16 = arith.constant 0 : i32
      %dma_wait3A_17 = tpu.memref_slice %arg3[%add3A, %dma_wait3A_16] : memref<32x392xi32, #tpu.memory_space<hbm>> -> memref<1x392xi32, #tpu.memory_space<hbm>>
      %dma_wait3A_18 = tpu.memref_squeeze %dma_wait3A_17 : memref<1x392xi32, #tpu.memory_space<hbm>> -> memref<392xi32, #tpu.memory_space<hbm>>
      tpu.wait_dma2 semaphore(%run_scoped3A : memref<!tpu.dma_semaphore, #tpu.memory_space<semaphore_mem>>) src(%dma_wait3A_18 : memref<392xi32, #tpu.memory_space<hbm>>) dst(%arg5 : memref<392xi32, #tpu.memory_space<vmem>>)
      tpu.yield
    }) : () -> ()
    %mul3A_1 = arith.constant 392 : i32
    %mul3A_2 = arith.muli %add3A, %mul3A_1 : i32
    %dma_start3A = arith.constant 0 : i32
    %dma_start3A_3 = arith.constant 0 : i32
    %dma_start3A_4 = tpu.memref_slice %arg2[%dma_start3A, %dma_start3A_3] : memref<512x256xf32, #tpu.memory_space<hbm>> -> memref<512x256xf32, #tpu.memory_space<hbm>>
    tpu.enqueue_indirect_dma source(%dma_start3A_4 : memref<512x256xf32, #tpu.memory_space<hbm>>) target(%arg6 : memref<392x256xf32, #tpu.memory_space<vmem>>) offsets(%arg5 : memref<392xi32, #tpu.memory_space<vmem>>) semaphore(%arg7 : memref<!tpu.dma_semaphore, #tpu.memory_space<semaphore_mem>>)
    %dma_wait3A = arith.constant 0 : i32
    %dma_wait3A_5 = arith.constant 0 : i32
    %dma_wait3A_6 = tpu.memref_slice %arg2[%dma_wait3A, %dma_wait3A_5] : memref<512x256xf32, #tpu.memory_space<hbm>> -> memref<512x256xf32, #tpu.memory_space<hbm>>
    tpu.wait_indirect_dma semaphore(%arg7 : memref<!tpu.dma_semaphore, #tpu.memory_space<semaphore_mem>>) src(%dma_wait3A_6 : memref<512x256xf32, #tpu.memory_space<hbm>>) dst(%arg6 : memref<392x256xf32, #tpu.memory_space<vmem>>)
    "tpu.region"() ({
      %run_scoped3A = tpu.sem_alloc : memref<!tpu.dma_semaphore, #tpu.memory_space<semaphore_mem>>
      %dma_start3A_7 = arith.constant 0 : i32
      %dma_start3A_8 = tpu.memref_slice %arg4[%mul3A_2, %dma_start3A_7] : memref<12544x256xf32, #tpu.memory_space<hbm>> -> memref<392x256xf32, #tpu.memory_space<hbm>>
      %dma_start3A_9 = arith.constant 0 : i32
      %dma_start3A_10 = tpu.memref_slice %arg4[%mul3A_2, %dma_start3A_9] : memref<12544x256xf32, #tpu.memory_space<hbm>> -> memref<392x256xf32, #tpu.memory_space<hbm>>
      tpu.enqueue_dma source(%arg6 : memref<392x256xf32, #tpu.memory_space<vmem>>) target(%dma_start3A_10 : memref<392x256xf32, #tpu.memory_space<hbm>>) target_semaphore(%run_scoped3A : memref<!tpu.dma_semaphore, #tpu.memory_space<semaphore_mem>>)
      %dma_wait3A_11 = arith.constant 0 : i32
      %dma_wait3A_12 = tpu.memref_slice %arg4[%mul3A_2, %dma_wait3A_11] : memref<12544x256xf32, #tpu.memory_space<hbm>> -> memref<392x256xf32, #tpu.memory_space<hbm>>
      %dma_wait3A_13 = arith.constant 0 : i32
      %dma_wait3A_14 = tpu.memref_slice %arg4[%mul3A_2, %dma_wait3A_13] : memref<12544x256xf32, #tpu.memory_space<hbm>> -> memref<392x256xf32, #tpu.memory_space<hbm>>
      tpu.wait_dma2 semaphore(%run_scoped3A : memref<!tpu.dma_semaphore, #tpu.memory_space<semaphore_mem>>) src(%arg6 : memref<392x256xf32, #tpu.memory_space<vmem>>) dst(%dma_wait3A_14 : memref<392x256xf32, #tpu.memory_space<hbm>>)
      tpu.yield
    }) : () -> ()
    return
  }
}

module attributes {stable_mosaic.version = 14 : i64} {
  func.func @_enc_body(%arg0: i32, %arg1: memref<1x3x112x112xf32, #tpu.memory_space<vmem>>, %arg2: memref<3x112x342xf32, #tpu.memory_space<vmem>>, %arg3: memref<2x57x112xf32, #tpu.memory_space<vmem>>, %arg4: memref<48x256xf32, #tpu.memory_space<vmem>>, %arg5: memref<1x256xf32, #tpu.memory_space<vmem>>, %arg6: memref<4x1024x256xf32, #tpu.memory_space<vmem>>, %arg7: memref<1x256xf32, #tpu.memory_space<vmem>>, %arg8: memref<512x256xf32, #tpu.memory_space<vmem>>, %arg9: memref<784x256xf32, #tpu.memory_space<vmem>>, %arg10: memref<1x1x784xi32, #tpu.memory_space<vmem>>, %arg11: memref<1x16x256xf32, #tpu.memory_space<vmem>>, %arg12: memref<29x29x1024xf32, #tpu.memory_space<vmem>>) attributes {dimension_semantics = [#tpu.dimension_semantics<arbitrary>], iteration_bounds = array<i64: 16>, scalar_prefetch = 0 : i64, scratch_operands = 1 : i64, tpu.core_type = #tpu.core_type<tc>, window_params = [{transform_indices = @transform_0, window_bounds = array<i64: 1, 3, 112, 112>}, {pipeline_mode = #tpu.pipeline_mode<synchronous>, transform_indices = @transform_1, window_bounds = array<i64: 3, 112, 342>}, {pipeline_mode = #tpu.pipeline_mode<synchronous>, transform_indices = @transform_2, window_bounds = array<i64: 2, 57, 112>}, {pipeline_mode = #tpu.pipeline_mode<synchronous>, transform_indices = @transform_3, window_bounds = array<i64: 48, 256>}, {pipeline_mode = #tpu.pipeline_mode<synchronous>, transform_indices = @transform_4, window_bounds = array<i64: 1, 256>}, {pipeline_mode = #tpu.pipeline_mode<synchronous>, transform_indices = @transform_5, window_bounds = array<i64: 4, 1024, 256>}, {pipeline_mode = #tpu.pipeline_mode<synchronous>, transform_indices = @transform_6, window_bounds = array<i64: 1, 256>}, {pipeline_mode = #tpu.pipeline_mode<synchronous>, transform_indices = @transform_7, window_bounds = array<i64: 512, 256>}, {transform_indices = @transform_8, window_bounds = array<i64: 784, 256>}, {transform_indices = @transform_9, window_bounds = array<i64: 1, 1, 784>}, {transform_indices = @transform_10, window_bounds = array<i64: 1, 16, 256>}]} {
    %get3A = arith.constant 0 : index
    %get3A_0 = arith.constant 0 : index
    %get3A_1 = arith.constant 0 : index
    %get3A_2 = arith.constant 0 : index
    %get3A_3 = vector.load %arg1[%get3A, %get3A_0, %get3A_1, %get3A_2] : memref<1x3x112x112xf32, #tpu.memory_space<vmem>>, vector<1x1x112x112xf32>
    %get3A_4 = vector.shape_cast %get3A_3 : vector<1x1x112x112xf32> to vector<112x112xf32>
    %get3A_5 = arith.constant 0 : index
    %get3A_6 = arith.constant 0 : index
    %get3A_7 = arith.constant 0 : index
    %get3A_8 = vector.load %arg2[%get3A_5, %get3A_6, %get3A_7] : memref<3x112x342xf32, #tpu.memory_space<vmem>>, vector<1x112x342xf32>
    %get3A_9 = vector.shape_cast %get3A_8 : vector<1x112x342xf32> to vector<112x342xf32>
    %dot_general3A = arith.constant dense<0.000000e+00> : vector<112x342xf32>
    %dot_general3A_10 = tpu.matmul %get3A_4, %get3A_9, %dot_general3A {dimension_numbers = #tpu.dot_dimension_numbers<[1], [0], [0], [1], [0, 0, 1, 1], [], []>, transpose_lhs_hint = false} : vector<112x112xf32>, vector<112x342xf32>, vector<112x342xf32> -> vector<112x342xf32>
    %get3A_11 = arith.constant 0 : index
    %get3A_12 = arith.constant 1 : index
    %get3A_13 = arith.constant 0 : index
    %get3A_14 = arith.constant 0 : index
    %get3A_15 = vector.load %arg1[%get3A_11, %get3A_12, %get3A_13, %get3A_14] : memref<1x3x112x112xf32, #tpu.memory_space<vmem>>, vector<1x1x112x112xf32>
    %get3A_16 = vector.shape_cast %get3A_15 : vector<1x1x112x112xf32> to vector<112x112xf32>
    %get3A_17 = arith.constant 1 : index
    %get3A_18 = arith.constant 0 : index
    %get3A_19 = arith.constant 0 : index
    %get3A_20 = vector.load %arg2[%get3A_17, %get3A_18, %get3A_19] : memref<3x112x342xf32, #tpu.memory_space<vmem>>, vector<1x112x342xf32>
    %get3A_21 = vector.shape_cast %get3A_20 : vector<1x112x342xf32> to vector<112x342xf32>
    %dot_general3A_22 = arith.constant dense<0.000000e+00> : vector<112x342xf32>
    %dot_general3A_23 = tpu.matmul %get3A_16, %get3A_21, %dot_general3A_22 {dimension_numbers = #tpu.dot_dimension_numbers<[1], [0], [0], [1], [0, 0, 1, 1], [], []>, transpose_lhs_hint = false} : vector<112x112xf32>, vector<112x342xf32>, vector<112x342xf32> -> vector<112x342xf32>
    %add3A = arith.addf %dot_general3A_10, %dot_general3A_23 : vector<112x342xf32>
    %get3A_24 = arith.constant 0 : index
    %get3A_25 = arith.constant 2 : index
    %get3A_26 = arith.constant 0 : index
    %get3A_27 = arith.constant 0 : index
    %get3A_28 = vector.load %arg1[%get3A_24, %get3A_25, %get3A_26, %get3A_27] : memref<1x3x112x112xf32, #tpu.memory_space<vmem>>, vector<1x1x112x112xf32>
    %get3A_29 = vector.shape_cast %get3A_28 : vector<1x1x112x112xf32> to vector<112x112xf32>
    %get3A_30 = arith.constant 2 : index
    %get3A_31 = arith.constant 0 : index
    %get3A_32 = arith.constant 0 : index
    %get3A_33 = vector.load %arg2[%get3A_30, %get3A_31, %get3A_32] : memref<3x112x342xf32, #tpu.memory_space<vmem>>, vector<1x112x342xf32>
    %get3A_34 = vector.shape_cast %get3A_33 : vector<1x112x342xf32> to vector<112x342xf32>
    %dot_general3A_35 = arith.constant dense<0.000000e+00> : vector<112x342xf32>
    %dot_general3A_36 = tpu.matmul %get3A_29, %get3A_34, %dot_general3A_35 {dimension_numbers = #tpu.dot_dimension_numbers<[1], [0], [0], [1], [0, 0, 1, 1], [], []>, transpose_lhs_hint = false} : vector<112x112xf32>, vector<112x342xf32>, vector<112x342xf32> -> vector<112x342xf32>
    %add3A_37 = arith.addf %add3A, %dot_general3A_36 : vector<112x342xf32>
    %get3A_38 = arith.constant 0 : index
    %get3A_39 = arith.constant 0 : index
    %get3A_40 = arith.constant 0 : index
    %get3A_41 = vector.load %arg3[%get3A_38, %get3A_39, %get3A_40] : memref<2x57x112xf32, #tpu.memory_space<vmem>>, vector<1x57x112xf32>
    %get3A_42 = vector.shape_cast %get3A_41 : vector<1x57x112xf32> to vector<57x112xf32>
    %dot_general3A_43 = arith.constant dense<0.000000e+00> : vector<57x342xf32>
    %dot_general3A_44 = tpu.matmul %get3A_42, %add3A_37, %dot_general3A_43 {dimension_numbers = #tpu.dot_dimension_numbers<[1], [0], [0], [1], [0, 0, 1, 1], [], []>, transpose_lhs_hint = false} : vector<57x112xf32>, vector<112x342xf32>, vector<57x342xf32> -> vector<57x342xf32>
    %get3A_45 = arith.constant 1 : index
    %get3A_46 = arith.constant 0 : index
    %get3A_47 = arith.constant 0 : index
    %get3A_48 = vector.load %arg3[%get3A_45, %get3A_46, %get3A_47] : memref<2x57x112xf32, #tpu.memory_space<vmem>>, vector<1x57x112xf32>
    %get3A_49 = vector.shape_cast %get3A_48 : vector<1x57x112xf32> to vector<57x112xf32>
    %dot_general3A_50 = arith.constant dense<0.000000e+00> : vector<57x342xf32>
    %dot_general3A_51 = tpu.matmul %get3A_49, %add3A_37, %dot_general3A_50 {dimension_numbers = #tpu.dot_dimension_numbers<[1], [0], [0], [1], [0, 0, 1, 1], [], []>, transpose_lhs_hint = false} : vector<57x112xf32>, vector<112x342xf32>, vector<57x342xf32> -> vector<57x342xf32>
    %reshape3A = vector.shape_cast %dot_general3A_44 : vector<57x342xf32> to vector<57x57x6xf32>
    %reshape3A_52 = vector.shape_cast %dot_general3A_51 : vector<57x342xf32> to vector<57x57x6xf32>
    %slice3A = vector.extract_strided_slice %reshape3A {offsets = [0, 0, 0], sizes = [56, 56, 6], strides = [1, 1, 1]} : vector<57x57x6xf32> to vector<56x56x6xf32>
    %slice3A_53 = vector.extract_strided_slice %reshape3A_52 {offsets = [0, 0, 0], sizes = [56, 56, 6], strides = [1, 1, 1]} : vector<57x57x6xf32> to vector<56x56x6xf32>
    %slice3A_54 = vector.extract_strided_slice %reshape3A {offsets = [0, 1, 0], sizes = [56, 56, 6], strides = [1, 1, 1]} : vector<57x57x6xf32> to vector<56x56x6xf32>
    %slice3A_55 = vector.extract_strided_slice %reshape3A_52 {offsets = [0, 1, 0], sizes = [56, 56, 6], strides = [1, 1, 1]} : vector<57x57x6xf32> to vector<56x56x6xf32>
    %slice3A_56 = vector.extract_strided_slice %reshape3A {offsets = [1, 0, 0], sizes = [56, 56, 6], strides = [1, 1, 1]} : vector<57x57x6xf32> to vector<56x56x6xf32>
    %slice3A_57 = vector.extract_strided_slice %reshape3A_52 {offsets = [1, 0, 0], sizes = [56, 56, 6], strides = [1, 1, 1]} : vector<57x57x6xf32> to vector<56x56x6xf32>
    %slice3A_58 = vector.extract_strided_slice %reshape3A {offsets = [1, 1, 0], sizes = [56, 56, 6], strides = [1, 1, 1]} : vector<57x57x6xf32> to vector<56x56x6xf32>
    %slice3A_59 = vector.extract_strided_slice %reshape3A_52 {offsets = [1, 1, 0], sizes = [56, 56, 6], strides = [1, 1, 1]} : vector<57x57x6xf32> to vector<56x56x6xf32>
    %concatenate3A = tpu.concatenate %slice3A, %slice3A_53, %slice3A_54, %slice3A_55, %slice3A_56, %slice3A_57, %slice3A_58, %slice3A_59 in 2 : vector<56x56x6xf32>, vector<56x56x6xf32>, vector<56x56x6xf32>, vector<56x56x6xf32>, vector<56x56x6xf32>, vector<56x56x6xf32>, vector<56x56x6xf32>, vector<56x56x6xf32> -> vector<56x56x48xf32>
    %reshape3A_60 = vector.shape_cast %concatenate3A : vector<56x56x48xf32> to vector<3136x48xf32>
    %get3A_61 = arith.constant 0 : index
    %get3A_62 = arith.constant 0 : index
    %get3A_63 = vector.load %arg4[%get3A_61, %get3A_62] : memref<48x256xf32, #tpu.memory_space<vmem>>, vector<48x256xf32>
    %dot_general3A_64 = arith.constant dense<0.000000e+00> : vector<3136x256xf32>
    %dot_general3A_65 = tpu.matmul %reshape3A_60, %get3A_63, %dot_general3A_64 {dimension_numbers = #tpu.dot_dimension_numbers<[1], [0], [0], [1], [0, 0, 1, 1], [], []>, transpose_lhs_hint = false} : vector<3136x48xf32>, vector<48x256xf32>, vector<3136x256xf32> -> vector<3136x256xf32>
    %get3A_66 = arith.constant 0 : index
    %get3A_67 = arith.constant 0 : index
    %get3A_68 = vector.load %arg5[%get3A_66, %get3A_67] : memref<1x256xf32, #tpu.memory_space<vmem>>, vector<1x256xf32>
    %get3A_69 = vector.shape_cast %get3A_68 : vector<1x256xf32> to vector<256xf32>
    %broadcast_in_dim3A = vector.shape_cast %get3A_69 : vector<256xf32> to vector<1x256xf32>
    %add3A_70 = vector.broadcast %broadcast_in_dim3A : vector<1x256xf32> to vector<3136x256xf32>
    %add3A_71 = arith.addf %dot_general3A_65, %add3A_70 : vector<3136x256xf32>
    %max3A = arith.constant 0.000000e+00 : f32
    %max3A_72 = vector.broadcast %max3A : f32 to vector<3136x256xf32>
    %max3A_73 = arith.maximumf %add3A_71, %max3A_72 : vector<3136x256xf32>
    %reshape3A_74 = vector.shape_cast %max3A_73 : vector<3136x256xf32> to vector<28x2x56x256xf32>
    %slice3A_75 = vector.extract_strided_slice %reshape3A_74 {offsets = [0, 0, 0, 0], sizes = [28, 1, 56, 256], strides = [1, 1, 1, 1]} : vector<28x2x56x256xf32> to vector<28x1x56x256xf32>
    %squeeze3A = vector.shape_cast %slice3A_75 : vector<28x1x56x256xf32> to vector<28x56x256xf32>
    %reshape3A_76 = vector.shape_cast %squeeze3A : vector<28x56x256xf32> to vector<28x28x2x256xf32>
    %slice3A_77 = vector.extract_strided_slice %reshape3A_74 {offsets = [0, 1, 0, 0], sizes = [28, 1, 56, 256], strides = [1, 1, 1, 1]} : vector<28x2x56x256xf32> to vector<28x1x56x256xf32>
    %squeeze3A_78 = vector.shape_cast %slice3A_77 : vector<28x1x56x256xf32> to vector<28x56x256xf32>
    %reshape3A_79 = vector.shape_cast %squeeze3A_78 : vector<28x56x256xf32> to vector<28x28x2x256xf32>
    %broadcast_in_dim3A_80 = arith.constant 0.000000e+00 : f32
    %broadcast_in_dim3A_81 = vector.broadcast %broadcast_in_dim3A_80 : f32 to vector<29x29x1024xf32>
    %swap3A = arith.constant 0 : index
    %swap3A_82 = arith.constant 0 : index
    %swap3A_83 = arith.constant 0 : index
    %swap3A_84 = vector.load %arg12[%swap3A, %swap3A_82, %swap3A_83] : memref<29x29x1024xf32, #tpu.memory_space<vmem>>, vector<29x29x1024xf32>
    tpu.vector_store %arg12[%swap3A, %swap3A_82, %swap3A_83], %broadcast_in_dim3A_81 {strides = array<i32>} : memref<29x29x1024xf32, #tpu.memory_space<vmem>>, vector<29x29x1024xf32>,
    %slice3A_85 = vector.extract_strided_slice %reshape3A_79 {offsets = [0, 0, 1, 0], sizes = [28, 28, 1, 256], strides = [1, 1, 1, 1]} : vector<28x28x2x256xf32> to vector<28x28x1x256xf32>
    %squeeze3A_86 = vector.shape_cast %slice3A_85 : vector<28x28x1x256xf32> to vector<28x28x256xf32>
    %swap3A_87 = arith.constant 1 : index
    %swap3A_88 = arith.constant 1 : index
    %swap3A_89 = arith.constant 0 : index
    %swap3A_90 = vector.load %arg12[%swap3A_87, %swap3A_88, %swap3A_89] : memref<29x29x1024xf32, #tpu.memory_space<vmem>>, vector<28x28x256xf32>
    tpu.vector_store %arg12[%swap3A_87, %swap3A_88, %swap3A_89], %squeeze3A_86 {strides = array<i32>} : memref<29x29x1024xf32, #tpu.memory_space<vmem>>, vector<28x28x256xf32>,
    %slice3A_91 = vector.extract_strided_slice %reshape3A_79 {offsets = [0, 0, 0, 0], sizes = [28, 28, 1, 256], strides = [1, 1, 1, 1]} : vector<28x28x2x256xf32> to vector<28x28x1x256xf32>
    %squeeze3A_92 = vector.shape_cast %slice3A_91 : vector<28x28x1x256xf32> to vector<28x28x256xf32>
    %swap3A_93 = arith.constant 1 : index
    %swap3A_94 = arith.constant 0 : index
    %swap3A_95 = arith.constant 256 : index
    %swap3A_96 = vector.load %arg12[%swap3A_93, %swap3A_94, %swap3A_95] : memref<29x29x1024xf32, #tpu.memory_space<vmem>>, vector<28x28x256xf32>
    tpu.vector_store %arg12[%swap3A_93, %swap3A_94, %swap3A_95], %squeeze3A_92 {strides = array<i32>} : memref<29x29x1024xf32, #tpu.memory_space<vmem>>, vector<28x28x256xf32>,
    %slice3A_97 = vector.extract_strided_slice %reshape3A_76 {offsets = [0, 0, 1, 0], sizes = [28, 28, 1, 256], strides = [1, 1, 1, 1]} : vector<28x28x2x256xf32> to vector<28x28x1x256xf32>
    %squeeze3A_98 = vector.shape_cast %slice3A_97 : vector<28x28x1x256xf32> to vector<28x28x256xf32>
    %swap3A_99 = arith.constant 0 : index
    %swap3A_100 = arith.constant 1 : index
    %swap3A_101 = arith.constant 512 : index
    %swap3A_102 = vector.load %arg12[%swap3A_99, %swap3A_100, %swap3A_101] : memref<29x29x1024xf32, #tpu.memory_space<vmem>>, vector<28x28x256xf32>
    tpu.vector_store %arg12[%swap3A_99, %swap3A_100, %swap3A_101], %squeeze3A_98 {strides = array<i32>} : memref<29x29x1024xf32, #tpu.memory_space<vmem>>, vector<28x28x256xf32>,
    %slice3A_103 = vector.extract_strided_slice %reshape3A_76 {offsets = [0, 0, 0, 0], sizes = [28, 28, 1, 256], strides = [1, 1, 1, 1]} : vector<28x28x2x256xf32> to vector<28x28x1x256xf32>
    %squeeze3A_104 = vector.shape_cast %slice3A_103 : vector<28x28x1x256xf32> to vector<28x28x256xf32>
    %swap3A_105 = arith.constant 0 : index
    %swap3A_106 = arith.constant 0 : index
    %swap3A_107 = arith.constant 768 : index
    %swap3A_108 = vector.load %arg12[%swap3A_105, %swap3A_106, %swap3A_107] : memref<29x29x1024xf32, #tpu.memory_space<vmem>>, vector<28x28x256xf32>
    tpu.vector_store %arg12[%swap3A_105, %swap3A_106, %swap3A_107], %squeeze3A_104 {strides = array<i32>} : memref<29x29x1024xf32, #tpu.memory_space<vmem>>, vector<28x28x256xf32>,
    %get3A_109 = arith.constant 0 : index
    %get3A_110 = arith.constant 0 : index
    %get3A_111 = arith.constant 0 : index
    %get3A_112 = vector.load %arg12[%get3A_109, %get3A_110, %get3A_111] : memref<29x29x1024xf32, #tpu.memory_space<vmem>>, vector<29x29x1024xf32>
    %get3A_113 = arith.constant 0 : index
    %get3A_114 = arith.constant 0 : index
    %get3A_115 = arith.constant 0 : index
    %get3A_116 = vector.load %arg6[%get3A_113, %get3A_114, %get3A_115] : memref<4x1024x256xf32, #tpu.memory_space<vmem>>, vector<4x1024x256xf32>
    %slice3A_117 = vector.extract_strided_slice %get3A_112 {offsets = [0, 0, 0], sizes = [28, 28, 1024], strides = [1, 1, 1]} : vector<29x29x1024xf32> to vector<28x28x1024xf32>
    %reshape3A_118 = vector.shape_cast %slice3A_117 : vector<28x28x1024xf32> to vector<784x1024xf32>
    %slice3A_119 = vector.extract_strided_slice %get3A_116 {offsets = [0, 0, 0], sizes = [1, 1024, 256], strides = [1, 1, 1]} : vector<4x1024x256xf32> to vector<1x1024x256xf32>
    %squeeze3A_120 = vector.shape_cast %slice3A_119 : vector<1x1024x256xf32> to vector<1024x256xf32>
    %dot_general3A_121 = arith.constant dense<0.000000e+00> : vector<784x256xf32>
    %dot_general3A_122 = tpu.matmul %reshape3A_118, %squeeze3A_120, %dot_general3A_121 {dimension_numbers = #tpu.dot_dimension_numbers<[1], [0], [0], [1], [0, 0, 1, 1], [], []>, transpose_lhs_hint = false} : vector<784x1024xf32>, vector<1024x256xf32>, vector<784x256xf32> -> vector<784x256xf32>
    %slice3A_123 = vector.extract_strided_slice %get3A_112 {offsets = [0, 1, 0], sizes = [28, 28, 1024], strides = [1, 1, 1]} : vector<29x29x1024xf32> to vector<28x28x1024xf32>
    %reshape3A_124 = vector.shape_cast %slice3A_123 : vector<28x28x1024xf32> to vector<784x1024xf32>
    %slice3A_125 = vector.extract_strided_slice %get3A_116 {offsets = [1, 0, 0], sizes = [1, 1024, 256], strides = [1, 1, 1]} : vector<4x1024x256xf32> to vector<1x1024x256xf32>
    %squeeze3A_126 = vector.shape_cast %slice3A_125 : vector<1x1024x256xf32> to vector<1024x256xf32>
    %dot_general3A_127 = arith.constant dense<0.000000e+00> : vector<784x256xf32>
    %dot_general3A_128 = tpu.matmul %reshape3A_124, %squeeze3A_126, %dot_general3A_127 {dimension_numbers = #tpu.dot_dimension_numbers<[1], [0], [0], [1], [0, 0, 1, 1], [], []>, transpose_lhs_hint = false} : vector<784x1024xf32>, vector<1024x256xf32>, vector<784x256xf32> -> vector<784x256xf32>
    %add3A_129 = arith.addf %dot_general3A_122, %dot_general3A_128 : vector<784x256xf32>
    %slice3A_130 = vector.extract_strided_slice %get3A_112 {offsets = [1, 0, 0], sizes = [28, 28, 1024], strides = [1, 1, 1]} : vector<29x29x1024xf32> to vector<28x28x1024xf32>
    %reshape3A_131 = vector.shape_cast %slice3A_130 : vector<28x28x1024xf32> to vector<784x1024xf32>
    %slice3A_132 = vector.extract_strided_slice %get3A_116 {offsets = [2, 0, 0], sizes = [1, 1024, 256], strides = [1, 1, 1]} : vector<4x1024x256xf32> to vector<1x1024x256xf32>
    %squeeze3A_133 = vector.shape_cast %slice3A_132 : vector<1x1024x256xf32> to vector<1024x256xf32>
    %dot_general3A_134 = arith.constant dense<0.000000e+00> : vector<784x256xf32>
    %dot_general3A_135 = tpu.matmul %reshape3A_131, %squeeze3A_133, %dot_general3A_134 {dimension_numbers = #tpu.dot_dimension_numbers<[1], [0], [0], [1], [0, 0, 1, 1], [], []>, transpose_lhs_hint = false} : vector<784x1024xf32>, vector<1024x256xf32>, vector<784x256xf32> -> vector<784x256xf32>
    %add3A_136 = arith.addf %add3A_129, %dot_general3A_135 : vector<784x256xf32>
    %slice3A_137 = vector.extract_strided_slice %get3A_112 {offsets = [1, 1, 0], sizes = [28, 28, 1024], strides = [1, 1, 1]} : vector<29x29x1024xf32> to vector<28x28x1024xf32>
    %reshape3A_138 = vector.shape_cast %slice3A_137 : vector<28x28x1024xf32> to vector<784x1024xf32>
    %slice3A_139 = vector.extract_strided_slice %get3A_116 {offsets = [3, 0, 0], sizes = [1, 1024, 256], strides = [1, 1, 1]} : vector<4x1024x256xf32> to vector<1x1024x256xf32>
    %squeeze3A_140 = vector.shape_cast %slice3A_139 : vector<1x1024x256xf32> to vector<1024x256xf32>
    %dot_general3A_141 = arith.constant dense<0.000000e+00> : vector<784x256xf32>
    %dot_general3A_142 = tpu.matmul %reshape3A_138, %squeeze3A_140, %dot_general3A_141 {dimension_numbers = #tpu.dot_dimension_numbers<[1], [0], [0], [1], [0, 0, 1, 1], [], []>, transpose_lhs_hint = false} : vector<784x1024xf32>, vector<1024x256xf32>, vector<784x256xf32> -> vector<784x256xf32>
    %add3A_143 = arith.addf %add3A_136, %dot_general3A_142 : vector<784x256xf32>
    %get3A_144 = arith.constant 0 : index
    %get3A_145 = arith.constant 0 : index
    %get3A_146 = vector.load %arg7[%get3A_144, %get3A_145] : memref<1x256xf32, #tpu.memory_space<vmem>>, vector<1x256xf32>
    %get3A_147 = vector.shape_cast %get3A_146 : vector<1x256xf32> to vector<256xf32>
    %broadcast_in_dim3A_148 = vector.shape_cast %get3A_147 : vector<256xf32> to vector<1x256xf32>
    %add3A_149 = vector.broadcast %broadcast_in_dim3A_148 : vector<1x256xf32> to vector<784x256xf32>
    %add3A_150 = arith.addf %add3A_143, %add3A_149 : vector<784x256xf32>
    %get3A_151 = arith.constant 0 : index
    %get3A_152 = arith.constant 0 : index
    %get3A_153 = vector.load %arg8[%get3A_151, %get3A_152] : memref<512x256xf32, #tpu.memory_space<vmem>>, vector<512x256xf32>
    %mul3A = arith.mulf %add3A_150, %add3A_150 : vector<784x256xf32>
    %reduce_sum3A = arith.constant dense<0.000000e+00> : vector<784xf32>
    %reduce_sum3A_154 = vector.multi_reduction <add>, %mul3A, %reduce_sum3A [1] : vector<784x256xf32> to vector<784xf32>
    %broadcast_in_dim3A_155 = vector.shape_cast %reduce_sum3A_154 : vector<784xf32> to vector<784x1xf32>
    %mul3A_156 = arith.mulf %get3A_153, %get3A_153 : vector<512x256xf32>
    %reduce_sum3A_157 = arith.constant dense<0.000000e+00> : vector<512xf32>
    %reduce_sum3A_158 = vector.multi_reduction <add>, %mul3A_156, %reduce_sum3A_157 [1] : vector<512x256xf32> to vector<512xf32>
    %dot_general3A_159 = arith.constant dense<0.000000e+00> : vector<784x512xf32>
    %dot_general3A_160 = tpu.matmul %add3A_150, %get3A_153, %dot_general3A_159 {dimension_numbers = #tpu.dot_dimension_numbers<[1], [1], [0], [0], [0, 0, 1, 0], [], []>, transpose_lhs_hint = false} : vector<784x256xf32>, vector<512x256xf32>, vector<784x512xf32> -> vector<784x512xf32>
    %mul3A_161 = arith.constant 2.000000e+00 : f32
    %mul3A_162 = vector.broadcast %mul3A_161 : f32 to vector<784x512xf32>
    %mul3A_163 = arith.mulf %mul3A_162, %dot_general3A_160 : vector<784x512xf32>
    %sub3A = vector.broadcast %broadcast_in_dim3A_155 : vector<784x1xf32> to vector<784x512xf32>
    %sub3A_164 = arith.subf %sub3A, %mul3A_163 : vector<784x512xf32>
    %broadcast_in_dim3A_165 = vector.shape_cast %reduce_sum3A_158 : vector<512xf32> to vector<1x512xf32>
    %add3A_166 = vector.broadcast %broadcast_in_dim3A_165 : vector<1x512xf32> to vector<784x512xf32>
    %add3A_167 = arith.addf %sub3A_164, %add3A_166 : vector<784x512xf32>
    %reduce_min3A = arith.constant dense<0x7F800000> : vector<784xf32>
    %reduce_min3A_168 = vector.multi_reduction <minimumf>, %add3A_167, %reduce_min3A [1] : vector<784x512xf32> to vector<784xf32>
    %broadcast_in_dim3A_169 = vector.shape_cast %reduce_min3A_168 : vector<784xf32> to vector<784x1xf32>
    %iota3A = tpu.iota {dimensions = array<i32: 1>} : vector<784x512xi32>
    %le3A = vector.broadcast %broadcast_in_dim3A_169 : vector<784x1xf32> to vector<784x512xf32>
    %le3A_170 = arith.cmpf ole, %add3A_167, %le3A : vector<784x512xf32>
    %jit3A = arith.constant 512 : i32
    %broadcast_in_dim3A_171 = vector.broadcast %jit3A : i32 to vector<784x512xi32>
    %select_n3A = arith.select %le3A_170, %iota3A, %broadcast_in_dim3A_171 : vector<784x512xi1>, vector<784x512xi32>
    %reduce_min3A_172 = arith.constant dense<2147483647> : vector<784xi32>
    %reduce_min3A_173 = vector.multi_reduction <minsi>, %select_n3A, %reduce_min3A_172 [1] : vector<784x512xi32> to vector<784xi32>
    %swap3A_174 = arith.constant 0 : index
    %swap3A_175 = arith.constant 0 : index
    %swap3A_176 = vector.load %arg9[%swap3A_174, %swap3A_175] : memref<784x256xf32, #tpu.memory_space<vmem>>, vector<784x256xf32>
    tpu.vector_store %arg9[%swap3A_174, %swap3A_175], %add3A_150 {strides = array<i32>} : memref<784x256xf32, #tpu.memory_space<vmem>>, vector<784x256xf32>,
    %swap3A_177 = arith.constant 0 : index
    %swap3A_178 = arith.constant 0 : index
    %swap3A_179 = arith.constant 0 : index
    %swap3A_180 = vector.load %arg10[%swap3A_177, %swap3A_178, %swap3A_179] : memref<1x1x784xi32, #tpu.memory_space<vmem>>, vector<1x1x784xi32>
    %swap3A_181 = vector.shape_cast %swap3A_180 : vector<1x1x784xi32> to vector<784xi32>
    %swap3A_182 = vector.shape_cast %reduce_min3A_173 : vector<784xi32> to vector<1x1x784xi32>
    tpu.vector_store %arg10[%swap3A_177, %swap3A_178, %swap3A_179], %swap3A_182 {strides = array<i32>} : memref<1x1x784xi32, #tpu.memory_space<vmem>>, vector<1x1x784xi32>,
    %slice3A_183 = vector.extract_strided_slice %add3A_150 {offsets = [768, 0], sizes = [16, 256], strides = [1, 1]} : vector<784x256xf32> to vector<16x256xf32>
    %swap3A_184 = arith.constant 0 : index
    %swap3A_185 = arith.constant 0 : index
    %swap3A_186 = arith.constant 0 : index
    %swap3A_187 = vector.load %arg11[%swap3A_184, %swap3A_185, %swap3A_186] : memref<1x16x256xf32, #tpu.memory_space<vmem>>, vector<1x16x256xf32>
    %swap3A_188 = vector.shape_cast %swap3A_187 : vector<1x16x256xf32> to vector<16x256xf32>
    %swap3A_189 = vector.shape_cast %slice3A_183 : vector<16x256xf32> to vector<1x16x256xf32>
    tpu.vector_store %arg11[%swap3A_184, %swap3A_185, %swap3A_186], %swap3A_189 {strides = array<i32>} : memref<1x16x256xf32, #tpu.memory_space<vmem>>, vector<1x16x256xf32>,
    return
  }
  func.func @transform_0(%arg0: i32) -> (i32, i32, i32, i32) {
    %c0_i32 = arith.constant 0 : i32
    %c0_i32_0 = arith.constant 0 : i32
    %c0_i32_1 = arith.constant 0 : i32
    %c0_i32_2 = arith.constant 0 : i32
    return %arg0, %c0_i32, %c0_i32_0, %c0_i32_1 : i32, i32, i32, i32
  }
  func.func @transform_1(%arg0: i32) -> (i32, i32, i32) {
    %c0_i32 = arith.constant 0 : i32
    %c0_i32_0 = arith.constant 0 : i32
    %c0_i32_1 = arith.constant 0 : i32
    %c0_i32_2 = arith.constant 0 : i32
    return %c0_i32, %c0_i32_0, %c0_i32_1 : i32, i32, i32
  }
  func.func @transform_2(%arg0: i32) -> (i32, i32, i32) {
    %c0_i32 = arith.constant 0 : i32
    %c0_i32_0 = arith.constant 0 : i32
    %c0_i32_1 = arith.constant 0 : i32
    %c0_i32_2 = arith.constant 0 : i32
    return %c0_i32, %c0_i32_0, %c0_i32_1 : i32, i32, i32
  }
  func.func @transform_3(%arg0: i32) -> (i32, i32) {
    %c0_i32 = arith.constant 0 : i32
    %c0_i32_0 = arith.constant 0 : i32
    %c0_i32_1 = arith.constant 0 : i32
    return %c0_i32, %c0_i32_0 : i32, i32
  }
  func.func @transform_4(%arg0: i32) -> (i32, i32) {
    %c0_i32 = arith.constant 0 : i32
    %c0_i32_0 = arith.constant 0 : i32
    %c0_i32_1 = arith.constant 0 : i32
    return %c0_i32, %c0_i32_0 : i32, i32
  }
  func.func @transform_5(%arg0: i32) -> (i32, i32, i32) {
    %c0_i32 = arith.constant 0 : i32
    %c0_i32_0 = arith.constant 0 : i32
    %c0_i32_1 = arith.constant 0 : i32
    %c0_i32_2 = arith.constant 0 : i32
    return %c0_i32, %c0_i32_0, %c0_i32_1 : i32, i32, i32
  }
  func.func @transform_6(%arg0: i32) -> (i32, i32) {
    %c0_i32 = arith.constant 0 : i32
    %c0_i32_0 = arith.constant 0 : i32
    %c0_i32_1 = arith.constant 0 : i32
    return %c0_i32, %c0_i32_0 : i32, i32
  }
  func.func @transform_7(%arg0: i32) -> (i32, i32) {
    %c0_i32 = arith.constant 0 : i32
    %c0_i32_0 = arith.constant 0 : i32
    %c0_i32_1 = arith.constant 0 : i32
    return %c0_i32, %c0_i32_0 : i32, i32
  }
  func.func @transform_8(%arg0: i32) -> (i32, i32) {
    %c0_i32 = arith.constant 0 : i32
    %c0_i32_0 = arith.constant 0 : i32
    return %c0_i32, %arg0 : i32, i32
  }
  func.func @transform_9(%arg0: i32) -> (i32, i32, i32) {
    %c0_i32 = arith.constant 0 : i32
    %c0_i32_0 = arith.constant 0 : i32
    %c0_i32_1 = arith.constant 0 : i32
    return %arg0, %c0_i32, %c0_i32_0 : i32, i32, i32
  }
  func.func @transform_10(%arg0: i32) -> (i32, i32, i32) {
    %c0_i32 = arith.constant 0 : i32
    %c0_i32_0 = arith.constant 0 : i32
    %c0_i32_1 = arith.constant 0 : i32
    return %arg0, %c0_i32, %c0_i32_0 : i32, i32, i32
  }
}

module attributes {stable_mosaic.version = 14 : i64} {
  func.func @_gitab_body(%arg0: memref<512x256xf32, #tpu.memory_space<vmem>>, %arg1: memref<256x384xf32, #tpu.memory_space<vmem>>, %arg2: memref<1x384xf32, #tpu.memory_space<vmem>>, %arg3: memref<512x384xf32, #tpu.memory_space<vmem>>) attributes {dimension_semantics = [], scalar_prefetch = 0 : i64, scratch_operands = 0 : i64, tpu.core_type = #tpu.core_type<tc>} {
    %get3A = arith.constant 0 : index
    %get3A_0 = arith.constant 0 : index
    %get3A_1 = vector.load %arg0[%get3A, %get3A_0] : memref<512x256xf32, #tpu.memory_space<vmem>>, vector<512x256xf32>
    %get3A_2 = arith.constant 0 : index
    %get3A_3 = arith.constant 0 : index
    %get3A_4 = vector.load %arg1[%get3A_2, %get3A_3] : memref<256x384xf32, #tpu.memory_space<vmem>>, vector<256x384xf32>
    %dot_general3A = arith.constant dense<0.000000e+00> : vector<512x384xf32>
    %dot_general3A_5 = tpu.matmul %get3A_1, %get3A_4, %dot_general3A {dimension_numbers = #tpu.dot_dimension_numbers<[1], [0], [0], [1], [0, 0, 1, 1], [], []>, transpose_lhs_hint = false} : vector<512x256xf32>, vector<256x384xf32>, vector<512x384xf32> -> vector<512x384xf32>
    %get3A_6 = arith.constant 0 : index
    %get3A_7 = arith.constant 0 : index
    %get3A_8 = vector.load %arg2[%get3A_6, %get3A_7] : memref<1x384xf32, #tpu.memory_space<vmem>>, vector<1x384xf32>
    %get3A_9 = vector.shape_cast %get3A_8 : vector<1x384xf32> to vector<384xf32>
    %broadcast_in_dim3A = vector.shape_cast %get3A_9 : vector<384xf32> to vector<1x384xf32>
    %add3A = vector.broadcast %broadcast_in_dim3A : vector<1x384xf32> to vector<512x384xf32>
    %add3A_10 = arith.addf %dot_general3A_5, %add3A : vector<512x384xf32>
    %swap3A = arith.constant 0 : index
    %swap3A_11 = arith.constant 0 : index
    %swap3A_12 = vector.load %arg3[%swap3A, %swap3A_11] : memref<512x384xf32, #tpu.memory_space<vmem>>, vector<512x384xf32>
    tpu.vector_store %arg3[%swap3A, %swap3A_11], %add3A_10 {strides = array<i32>} : memref<512x384xf32, #tpu.memory_space<vmem>>, vector<512x384xf32>,
    return
  }
}

module attributes {stable_mosaic.version = 14 : i64} {
  func.func @_zmerge_body(%arg0: i32, %arg1: memref<784x2048xf32, #tpu.memory_space<vmem>>, %arg2: memref<784x8x256xf32, #tpu.memory_space<vmem>>) attributes {dimension_semantics = [#tpu.dimension_semantics<arbitrary>], iteration_bounds = array<i64: 2>, scalar_prefetch = 0 : i64, scratch_operands = 0 : i64, tpu.core_type = #tpu.core_type<tc>, window_params = [{transform_indices = @transform_0, window_bounds = array<i64: 784, 2048>}, {transform_indices = @transform_1, window_bounds = array<i64: 784, 8, 256>}]} {
    %get3A = arith.constant 0 : index
    %get3A_0 = arith.constant 0 : index
    %get3A_1 = vector.load %arg1[%get3A, %get3A_0] : memref<784x2048xf32, #tpu.memory_space<vmem>>, vector<784x2048xf32>
    %reshape3A = vector.shape_cast %get3A_1 : vector<784x2048xf32> to vector<784x8x256xf32>
    %swap3A = arith.constant 0 : index
    %swap3A_2 = arith.constant 0 : index
    %swap3A_3 = arith.constant 0 : index
    %swap3A_4 = vector.load %arg2[%swap3A, %swap3A_2, %swap3A_3] : memref<784x8x256xf32, #tpu.memory_space<vmem>>, vector<784x8x256xf32>
    tpu.vector_store %arg2[%swap3A, %swap3A_2, %swap3A_3], %reshape3A {strides = array<i32>} : memref<784x8x256xf32, #tpu.memory_space<vmem>>, vector<784x8x256xf32>,
    return
  }
  func.func @transform_0(%arg0: i32) -> (i32, i32) {
    %c0_i32 = arith.constant 0 : i32
    %c0_i32_0 = arith.constant 0 : i32
    return %c0_i32, %arg0 : i32, i32
  }
  func.func @transform_1(%arg0: i32) -> (i32, i32, i32) {
    %c0_i32 = arith.constant 0 : i32
    %c0_i32_0 = arith.constant 0 : i32
    %c0_i32_1 = arith.constant 0 : i32
    return %c0_i32, %arg0, %c0_i32_0 : i32, i32, i32
  }
}

module attributes {stable_mosaic.version = 14 : i64} {
  func.func @_gru_body(%arg0: memref<768x16x384xf32, #tpu.memory_space<vmem>>, %arg1: memref<128x384xf32, #tpu.memory_space<vmem>>, %arg2: memref<16x128xf32, #tpu.memory_space<vmem>>, %arg3: memref<16x128x256xf32, #tpu.memory_space<vmem>>, %arg4: memref<16x16x256xf32, #tpu.memory_space<vmem>>, %arg5: memref<1x1xf32, #tpu.memory_space<vmem>>, %arg6: memref<1x1xf32, #tpu.memory_space<vmem>>) attributes {dimension_semantics = [], scalar_prefetch = 0 : i64, scratch_operands = 0 : i64, tpu.core_type = #tpu.core_type<tc>} {
    %get3A = arith.constant 0 : index
    %get3A_0 = arith.constant 0 : index
    %get3A_1 = vector.load %arg1[%get3A, %get3A_0] : memref<128x384xf32, #tpu.memory_space<vmem>>, vector<128x384xf32>
    %get3A_2 = arith.constant 0 : index
    %get3A_3 = arith.constant 0 : index
    %get3A_4 = vector.load %arg2[%get3A_2, %get3A_3] : memref<16x128xf32, #tpu.memory_space<vmem>>, vector<16x128xf32>
    %slice3A = vector.extract_strided_slice %get3A_4 {offsets = [0, 0], sizes = [8, 128], strides = [1, 1]} : vector<16x128xf32> to vector<8x128xf32>
    %slice3A_5 = vector.extract_strided_slice %get3A_4 {offsets = [8, 0], sizes = [8, 128], strides = [1, 1]} : vector<16x128xf32> to vector<8x128xf32>
    %scan3A = arith.constant 0 : i32
    %scan3A_6 = arith.constant 768 : i32
    %scan3A_7 = arith.addi %scan3A, %scan3A_6 : i32
    %scan3A_8 = arith.constant 4 : i32
    %scan3A_9:2 = scf.for %scan3A_862 = %scan3A to %scan3A_7 step %scan3A_8 iter_args(%scan3A_863 = %slice3A, %scan3A_864 = %slice3A_5) -> (vector<8x128xf32>, vector<8x128xf32>)  : i32 {
      %get3A_865 = arith.index_cast %scan3A_862 : i32 to index
      %get3A_866 = arith.constant 0 : index
      %get3A_867 = arith.constant 0 : index
      %get3A_868 = vector.load %arg0[%get3A_865, %get3A_866, %get3A_867] : memref<768x16x384xf32, #tpu.memory_space<vmem>>, vector<1x16x384xf32>
      %get3A_869 = vector.shape_cast %get3A_868 : vector<1x16x384xf32> to vector<16x384xf32>
      %slice3A_870 = vector.extract_strided_slice %get3A_869 {offsets = [0, 0], sizes = [8, 384], strides = [1, 1]} : vector<16x384xf32> to vector<8x384xf32>
      %dot_general3A_871 = arith.constant dense<0.000000e+00> : vector<8x384xf32>
      %dot_general3A_872 = tpu.matmul %scan3A_863, %get3A_1, %dot_general3A_871 {dimension_numbers = #tpu.dot_dimension_numbers<[1], [0], [0], [1], [0, 0, 1, 1], [], []>, transpose_lhs_hint = false} : vector<8x128xf32>, vector<128x384xf32>, vector<8x384xf32> -> vector<8x384xf32>
      %slice3A_873 = vector.extract_strided_slice %slice3A_870 {offsets = [0, 0], sizes = [8, 128], strides = [1, 1]} : vector<8x384xf32> to vector<8x128xf32>
      %slice3A_874 = vector.extract_strided_slice %dot_general3A_872 {offsets = [0, 0], sizes = [8, 128], strides = [1, 1]} : vector<8x384xf32> to vector<8x128xf32>
      %add3A_875 = arith.addf %slice3A_873, %slice3A_874 : vector<8x128xf32>
      %logistic3A = arith.negf %add3A_875 : vector<8x128xf32>
      %logistic3A_876 = math.exp %logistic3A : vector<8x128xf32>
      %logistic3A_877 = arith.constant 1.000000e+00 : f32
      %logistic3A_878 = vector.broadcast %logistic3A_877 : f32 to vector<8x128xf32>
      %logistic3A_879 = arith.addf %logistic3A_878, %logistic3A_876 : vector<8x128xf32>
      %logistic3A_880 = arith.divf %logistic3A_878, %logistic3A_879 : vector<8x128xf32>
      %slice3A_881 = vector.extract_strided_slice %slice3A_870 {offsets = [0, 128], sizes = [8, 128], strides = [1, 1]} : vector<8x384xf32> to vector<8x128xf32>
      %slice3A_882 = vector.extract_strided_slice %dot_general3A_872 {offsets = [0, 128], sizes = [8, 128], strides = [1, 1]} : vector<8x384xf32> to vector<8x128xf32>
      %add3A_883 = arith.addf %slice3A_881, %slice3A_882 : vector<8x128xf32>
      %logistic3A_884 = arith.negf %add3A_883 : vector<8x128xf32>
      %logistic3A_885 = math.exp %logistic3A_884 : vector<8x128xf32>
      %logistic3A_886 = arith.constant 1.000000e+00 : f32
      %logistic3A_887 = vector.broadcast %logistic3A_886 : f32 to vector<8x128xf32>
      %logistic3A_888 = arith.addf %logistic3A_887, %logistic3A_885 : vector<8x128xf32>
      %logistic3A_889 = arith.divf %logistic3A_887, %logistic3A_888 : vector<8x128xf32>
      %slice3A_890 = vector.extract_strided_slice %slice3A_870 {offsets = [0, 256], sizes = [8, 128], strides = [1, 1]} : vector<8x384xf32> to vector<8x128xf32>
      %slice3A_891 = vector.extract_strided_slice %dot_general3A_872 {offsets = [0, 256], sizes = [8, 128], strides = [1, 1]} : vector<8x384xf32> to vector<8x128xf32>
      %mul3A = arith.mulf %logistic3A_880, %slice3A_891 : vector<8x128xf32>
      %add3A_892 = arith.addf %slice3A_890, %mul3A : vector<8x128xf32>
      %tanh3A = math.tanh %add3A_892 : vector<8x128xf32>
      %sub3A_893 = arith.constant 1.000000e+00 : f32
      %sub3A_894 = vector.broadcast %sub3A_893 : f32 to vector<8x128xf32>
      %sub3A_895 = arith.subf %sub3A_894, %logistic3A_889 : vector<8x128xf32>
      %mul3A_896 = arith.mulf %sub3A_895, %tanh3A : vector<8x128xf32>
      %mul3A_897 = arith.mulf %logistic3A_889, %scan3A_863 : vector<8x128xf32>
      %add3A_898 = arith.addf %mul3A_896, %mul3A_897 : vector<8x128xf32>
      %slice3A_899 = vector.extract_strided_slice %get3A_869 {offsets = [8, 0], sizes = [8, 384], strides = [1, 1]} : vector<16x384xf32> to vector<8x384xf32>
      %dot_general3A_900 = arith.constant dense<0.000000e+00> : vector<8x384xf32>
      %dot_general3A_901 = tpu.matmul %scan3A_864, %get3A_1, %dot_general3A_900 {dimension_numbers = #tpu.dot_dimension_numbers<[1], [0], [0], [1], [0, 0, 1, 1], [], []>, transpose_lhs_hint = false} : vector<8x128xf32>, vector<128x384xf32>, vector<8x384xf32> -> vector<8x384xf32>
      %slice3A_902 = vector.extract_strided_slice %slice3A_899 {offsets = [0, 0], sizes = [8, 128], strides = [1, 1]} : vector<8x384xf32> to vector<8x128xf32>
      %slice3A_903 = vector.extract_strided_slice %dot_general3A_901 {offsets = [0, 0], sizes = [8, 128], strides = [1, 1]} : vector<8x384xf32> to vector<8x128xf32>
      %add3A_904 = arith.addf %slice3A_902, %slice3A_903 : vector<8x128xf32>
      %logistic3A_905 = arith.negf %add3A_904 : vector<8x128xf32>
      %logistic3A_906 = math.exp %logistic3A_905 : vector<8x128xf32>
      %logistic3A_907 = arith.constant 1.000000e+00 : f32
      %logistic3A_908 = vector.broadcast %logistic3A_907 : f32 to vector<8x128xf32>
      %logistic3A_909 = arith.addf %logistic3A_908, %logistic3A_906 : vector<8x128xf32>
      %logistic3A_910 = arith.divf %logistic3A_908, %logistic3A_909 : vector<8x128xf32>
      %slice3A_911 = vector.extract_strided_slice %slice3A_899 {offsets = [0, 128], sizes = [8, 128], strides = [1, 1]} : vector<8x384xf32> to vector<8x128xf32>
      %slice3A_912 = vector.extract_strided_slice %dot_general3A_901 {offsets = [0, 128], sizes = [8, 128], strides = [1, 1]} : vector<8x384xf32> to vector<8x128xf32>
      %add3A_913 = arith.addf %slice3A_911, %slice3A_912 : vector<8x128xf32>
      %logistic3A_914 = arith.negf %add3A_913 : vector<8x128xf32>
      %logistic3A_915 = math.exp %logistic3A_914 : vector<8x128xf32>
      %logistic3A_916 = arith.constant 1.000000e+00 : f32
      %logistic3A_917 = vector.broadcast %logistic3A_916 : f32 to vector<8x128xf32>
      %logistic3A_918 = arith.addf %logistic3A_917, %logistic3A_915 : vector<8x128xf32>
      %logistic3A_919 = arith.divf %logistic3A_917, %logistic3A_918 : vector<8x128xf32>
      %slice3A_920 = vector.extract_strided_slice %slice3A_899 {offsets = [0, 256], sizes = [8, 128], strides = [1, 1]} : vector<8x384xf32> to vector<8x128xf32>
      %slice3A_921 = vector.extract_strided_slice %dot_general3A_901 {offsets = [0, 256], sizes = [8, 128], strides = [1, 1]} : vector<8x384xf32> to vector<8x128xf32>
      %mul3A_922 = arith.mulf %logistic3A_910, %slice3A_921 : vector<8x128xf32>
      %add3A_923 = arith.addf %slice3A_920, %mul3A_922 : vector<8x128xf32>
      %tanh3A_924 = math.tanh %add3A_923 : vector<8x128xf32>
      %sub3A_925 = arith.constant 1.000000e+00 : f32
      %sub3A_926 = vector.broadcast %sub3A_925 : f32 to vector<8x128xf32>
      %sub3A_927 = arith.subf %sub3A_926, %logistic3A_919 : vector<8x128xf32>
      %mul3A_928 = arith.mulf %sub3A_927, %tanh3A_924 : vector<8x128xf32>
      %mul3A_929 = arith.mulf %logistic3A_919, %scan3A_864 : vector<8x128xf32>
      %add3A_930 = arith.addf %mul3A_928, %mul3A_929 : vector<8x128xf32>
      %scan3A_931 = arith.constant 1 : i32
      %scan3A_932 = arith.addi %scan3A_862, %scan3A_931 : i32
      %get3A_933 = arith.index_cast %scan3A_932 : i32 to index
      %get3A_934 = arith.constant 0 : index
      %get3A_935 = arith.constant 0 : index
      %get3A_936 = vector.load %arg0[%get3A_933, %get3A_934, %get3A_935] : memref<768x16x384xf32, #tpu.memory_space<vmem>>, vector<1x16x384xf32>
      %get3A_937 = vector.shape_cast %get3A_936 : vector<1x16x384xf32> to vector<16x384xf32>
      %slice3A_938 = vector.extract_strided_slice %get3A_937 {offsets = [0, 0], sizes = [8, 384], strides = [1, 1]} : vector<16x384xf32> to vector<8x384xf32>
      %dot_general3A_939 = arith.constant dense<0.000000e+00> : vector<8x384xf32>
      %dot_general3A_940 = tpu.matmul %add3A_898, %get3A_1, %dot_general3A_939 {dimension_numbers = #tpu.dot_dimension_numbers<[1], [0], [0], [1], [0, 0, 1, 1], [], []>, transpose_lhs_hint = false} : vector<8x128xf32>, vector<128x384xf32>, vector<8x384xf32> -> vector<8x384xf32>
      %slice3A_941 = vector.extract_strided_slice %slice3A_938 {offsets = [0, 0], sizes = [8, 128], strides = [1, 1]} : vector<8x384xf32> to vector<8x128xf32>
      %slice3A_942 = vector.extract_strided_slice %dot_general3A_940 {offsets = [0, 0], sizes = [8, 128], strides = [1, 1]} : vector<8x384xf32> to vector<8x128xf32>
      %add3A_943 = arith.addf %slice3A_941, %slice3A_942 : vector<8x128xf32>
      %logistic3A_944 = arith.negf %add3A_943 : vector<8x128xf32>
      %logistic3A_945 = math.exp %logistic3A_944 : vector<8x128xf32>
      %logistic3A_946 = arith.constant 1.000000e+00 : f32
      %logistic3A_947 = vector.broadcast %logistic3A_946 : f32 to vector<8x128xf32>
      %logistic3A_948 = arith.addf %logistic3A_947, %logistic3A_945 : vector<8x128xf32>
      %logistic3A_949 = arith.divf %logistic3A_947, %logistic3A_948 : vector<8x128xf32>
      %slice3A_950 = vector.extract_strided_slice %slice3A_938 {offsets = [0, 128], sizes = [8, 128], strides = [1, 1]} : vector<8x384xf32> to vector<8x128xf32>
      %slice3A_951 = vector.extract_strided_slice %dot_general3A_940 {offsets = [0, 128], sizes = [8, 128], strides = [1, 1]} : vector<8x384xf32> to vector<8x128xf32>
      %add3A_952 = arith.addf %slice3A_950, %slice3A_951 : vector<8x128xf32>
      %logistic3A_953 = arith.negf %add3A_952 : vector<8x128xf32>
      %logistic3A_954 = math.exp %logistic3A_953 : vector<8x128xf32>
      %logistic3A_955 = arith.constant 1.000000e+00 : f32
      %logistic3A_956 = vector.broadcast %logistic3A_955 : f32 to vector<8x128xf32>
      %logistic3A_957 = arith.addf %logistic3A_956, %logistic3A_954 : vector<8x128xf32>
      %logistic3A_958 = arith.divf %logistic3A_956, %logistic3A_957 : vector<8x128xf32>
      %slice3A_959 = vector.extract_strided_slice %slice3A_938 {offsets = [0, 256], sizes = [8, 128], strides = [1, 1]} : vector<8x384xf32> to vector<8x128xf32>
      %slice3A_960 = vector.extract_strided_slice %dot_general3A_940 {offsets = [0, 256], sizes = [8, 128], strides = [1, 1]} : vector<8x384xf32> to vector<8x128xf32>
      %mul3A_961 = arith.mulf %logistic3A_949, %slice3A_960 : vector<8x128xf32>
      %add3A_962 = arith.addf %slice3A_959, %mul3A_961 : vector<8x128xf32>
      %tanh3A_963 = math.tanh %add3A_962 : vector<8x128xf32>
      %sub3A_964 = arith.constant 1.000000e+00 : f32
      %sub3A_965 = vector.broadcast %sub3A_964 : f32 to vector<8x128xf32>
      %sub3A_966 = arith.subf %sub3A_965, %logistic3A_958 : vector<8x128xf32>
      %mul3A_967 = arith.mulf %sub3A_966, %tanh3A_963 : vector<8x128xf32>
      %mul3A_968 = arith.mulf %logistic3A_958, %add3A_898 : vector<8x128xf32>
      %add3A_969 = arith.addf %mul3A_967, %mul3A_968 : vector<8x128xf32>
      %slice3A_970 = vector.extract_strided_slice %get3A_937 {offsets = [8, 0], sizes = [8, 384], strides = [1, 1]} : vector<16x384xf32> to vector<8x384xf32>
      %dot_general3A_971 = arith.constant dense<0.000000e+00> : vector<8x384xf32>
      %dot_general3A_972 = tpu.matmul %add3A_930, %get3A_1, %dot_general3A_971 {dimension_numbers = #tpu.dot_dimension_numbers<[1], [0], [0], [1], [0, 0, 1, 1], [], []>, transpose_lhs_hint = false} : vector<8x128xf32>, vector<128x384xf32>, vector<8x384xf32> -> vector<8x384xf32>
      %slice3A_973 = vector.extract_strided_slice %slice3A_970 {offsets = [0, 0], sizes = [8, 128], strides = [1, 1]} : vector<8x384xf32> to vector<8x128xf32>
      %slice3A_974 = vector.extract_strided_slice %dot_general3A_972 {offsets = [0, 0], sizes = [8, 128], strides = [1, 1]} : vector<8x384xf32> to vector<8x128xf32>
      %add3A_975 = arith.addf %slice3A_973, %slice3A_974 : vector<8x128xf32>
      %logistic3A_976 = arith.negf %add3A_975 : vector<8x128xf32>
      %logistic3A_977 = math.exp %logistic3A_976 : vector<8x128xf32>
      %logistic3A_978 = arith.constant 1.000000e+00 : f32
      %logistic3A_979 = vector.broadcast %logistic3A_978 : f32 to vector<8x128xf32>
      %logistic3A_980 = arith.addf %logistic3A_979, %logistic3A_977 : vector<8x128xf32>
      %logistic3A_981 = arith.divf %logistic3A_979, %logistic3A_980 : vector<8x128xf32>
      %slice3A_982 = vector.extract_strided_slice %slice3A_970 {offsets = [0, 128], sizes = [8, 128], strides = [1, 1]} : vector<8x384xf32> to vector<8x128xf32>
      %slice3A_983 = vector.extract_strided_slice %dot_general3A_972 {offsets = [0, 128], sizes = [8, 128], strides = [1, 1]} : vector<8x384xf32> to vector<8x128xf32>
      %add3A_984 = arith.addf %slice3A_982, %slice3A_983 : vector<8x128xf32>
      %logistic3A_985 = arith.negf %add3A_984 : vector<8x128xf32>
      %logistic3A_986 = math.exp %logistic3A_985 : vector<8x128xf32>
      %logistic3A_987 = arith.constant 1.000000e+00 : f32
      %logistic3A_988 = vector.broadcast %logistic3A_987 : f32 to vector<8x128xf32>
      %logistic3A_989 = arith.addf %logistic3A_988, %logistic3A_986 : vector<8x128xf32>
      %logistic3A_990 = arith.divf %logistic3A_988, %logistic3A_989 : vector<8x128xf32>
      %slice3A_991 = vector.extract_strided_slice %slice3A_970 {offsets = [0, 256], sizes = [8, 128], strides = [1, 1]} : vector<8x384xf32> to vector<8x128xf32>
      %slice3A_992 = vector.extract_strided_slice %dot_general3A_972 {offsets = [0, 256], sizes = [8, 128], strides = [1, 1]} : vector<8x384xf32> to vector<8x128xf32>
      %mul3A_993 = arith.mulf %logistic3A_981, %slice3A_992 : vector<8x128xf32>
      %add3A_994 = arith.addf %slice3A_991, %mul3A_993 : vector<8x128xf32>
      %tanh3A_995 = math.tanh %add3A_994 : vector<8x128xf32>
      %sub3A_996 = arith.constant 1.000000e+00 : f32
      %sub3A_997 = vector.broadcast %sub3A_996 : f32 to vector<8x128xf32>
      %sub3A_998 = arith.subf %sub3A_997, %logistic3A_990 : vector<8x128xf32>
      %mul3A_999 = arith.mulf %sub3A_998, %tanh3A_995 : vector<8x128xf32>
      %mul3A_1000 = arith.mulf %logistic3A_990, %add3A_930 : vector<8x128xf32>
      %add3A_1001 = arith.addf %mul3A_999, %mul3A_1000 : vector<8x128xf32>
      %scan3A_1002 = arith.constant 2 : i32
      %scan3A_1003 = arith.addi %scan3A_862, %scan3A_1002 : i32
      %get3A_1004 = arith.index_cast %scan3A_1003 : i32 to index
      %get3A_1005 = arith.constant 0 : index
      %get3A_1006 = arith.constant 0 : index
      %get3A_1007 = vector.load %arg0[%get3A_1004, %get3A_1005, %get3A_1006] : memref<768x16x384xf32, #tpu.memory_space<vmem>>, vector<1x16x384xf32>
      %get3A_1008 = vector.shape_cast %get3A_1007 : vector<1x16x384xf32> to vector<16x384xf32>
      %slice3A_1009 = vector.extract_strided_slice %get3A_1008 {offsets = [0, 0], sizes = [8, 384], strides = [1, 1]} : vector<16x384xf32> to vector<8x384xf32>
      %dot_general3A_1010 = arith.constant dense<0.000000e+00> : vector<8x384xf32>
      %dot_general3A_1011 = tpu.matmul %add3A_969, %get3A_1, %dot_general3A_1010 {dimension_numbers = #tpu.dot_dimension_numbers<[1], [0], [0], [1], [0, 0, 1, 1], [], []>, transpose_lhs_hint = false} : vector<8x128xf32>, vector<128x384xf32>, vector<8x384xf32> -> vector<8x384xf32>
      %slice3A_1012 = vector.extract_strided_slice %slice3A_1009 {offsets = [0, 0], sizes = [8, 128], strides = [1, 1]} : vector<8x384xf32> to vector<8x128xf32>
      %slice3A_1013 = vector.extract_strided_slice %dot_general3A_1011 {offsets = [0, 0], sizes = [8, 128], strides = [1, 1]} : vector<8x384xf32> to vector<8x128xf32>
      %add3A_1014 = arith.addf %slice3A_1012, %slice3A_1013 : vector<8x128xf32>
      %logistic3A_1015 = arith.negf %add3A_1014 : vector<8x128xf32>
      %logistic3A_1016 = math.exp %logistic3A_1015 : vector<8x128xf32>
      %logistic3A_1017 = arith.constant 1.000000e+00 : f32
      %logistic3A_1018 = vector.broadcast %logistic3A_1017 : f32 to vector<8x128xf32>
      %logistic3A_1019 = arith.addf %logistic3A_1018, %logistic3A_1016 : vector<8x128xf32>
      %logistic3A_1020 = arith.divf %logistic3A_1018, %logistic3A_1019 : vector<8x128xf32>
      %slice3A_1021 = vector.extract_strided_slice %slice3A_1009 {offsets = [0, 128], sizes = [8, 128], strides = [1, 1]} : vector<8x384xf32> to vector<8x128xf32>
      %slice3A_1022 = vector.extract_strided_slice %dot_general3A_1011 {offsets = [0, 128], sizes = [8, 128], strides = [1, 1]} : vector<8x384xf32> to vector<8x128xf32>
      %add3A_1023 = arith.addf %slice3A_1021, %slice3A_1022 : vector<8x128xf32>
      %logistic3A_1024 = arith.negf %add3A_1023 : vector<8x128xf32>
      %logistic3A_1025 = math.exp %logistic3A_1024 : vector<8x128xf32>
      %logistic3A_1026 = arith.constant 1.000000e+00 : f32
      %logistic3A_1027 = vector.broadcast %logistic3A_1026 : f32 to vector<8x128xf32>
      %logistic3A_1028 = arith.addf %logistic3A_1027, %logistic3A_1025 : vector<8x128xf32>
      %logistic3A_1029 = arith.divf %logistic3A_1027, %logistic3A_1028 : vector<8x128xf32>
      %slice3A_1030 = vector.extract_strided_slice %slice3A_1009 {offsets = [0, 256], sizes = [8, 128], strides = [1, 1]} : vector<8x384xf32> to vector<8x128xf32>
      %slice3A_1031 = vector.extract_strided_slice %dot_general3A_1011 {offsets = [0, 256], sizes = [8, 128], strides = [1, 1]} : vector<8x384xf32> to vector<8x128xf32>
      %mul3A_1032 = arith.mulf %logistic3A_1020, %slice3A_1031 : vector<8x128xf32>
      %add3A_1033 = arith.addf %slice3A_1030, %mul3A_1032 : vector<8x128xf32>
      %tanh3A_1034 = math.tanh %add3A_1033 : vector<8x128xf32>
      %sub3A_1035 = arith.constant 1.000000e+00 : f32
      %sub3A_1036 = vector.broadcast %sub3A_1035 : f32 to vector<8x128xf32>
      %sub3A_1037 = arith.subf %sub3A_1036, %logistic3A_1029 : vector<8x128xf32>
      %mul3A_1038 = arith.mulf %sub3A_1037, %tanh3A_1034 : vector<8x128xf32>
      %mul3A_1039 = arith.mulf %logistic3A_1029, %add3A_969 : vector<8x128xf32>
      %add3A_1040 = arith.addf %mul3A_1038, %mul3A_1039 : vector<8x128xf32>
      %slice3A_1041 = vector.extract_strided_slice %get3A_1008 {offsets = [8, 0], sizes = [8, 384], strides = [1, 1]} : vector<16x384xf32> to vector<8x384xf32>
      %dot_general3A_1042 = arith.constant dense<0.000000e+00> : vector<8x384xf32>
      %dot_general3A_1043 = tpu.matmul %add3A_1001, %get3A_1, %dot_general3A_1042 {dimension_numbers = #tpu.dot_dimension_numbers<[1], [0], [0], [1], [0, 0, 1, 1], [], []>, transpose_lhs_hint = false} : vector<8x128xf32>, vector<128x384xf32>, vector<8x384xf32> -> vector<8x384xf32>
      %slice3A_1044 = vector.extract_strided_slice %slice3A_1041 {offsets = [0, 0], sizes = [8, 128], strides = [1, 1]} : vector<8x384xf32> to vector<8x128xf32>
      %slice3A_1045 = vector.extract_strided_slice %dot_general3A_1043 {offsets = [0, 0], sizes = [8, 128], strides = [1, 1]} : vector<8x384xf32> to vector<8x128xf32>
      %add3A_1046 = arith.addf %slice3A_1044, %slice3A_1045 : vector<8x128xf32>
      %logistic3A_1047 = arith.negf %add3A_1046 : vector<8x128xf32>
      %logistic3A_1048 = math.exp %logistic3A_1047 : vector<8x128xf32>
      %logistic3A_1049 = arith.constant 1.000000e+00 : f32
      %logistic3A_1050 = vector.broadcast %logistic3A_1049 : f32 to vector<8x128xf32>
      %logistic3A_1051 = arith.addf %logistic3A_1050, %logistic3A_1048 : vector<8x128xf32>
      %logistic3A_1052 = arith.divf %logistic3A_1050, %logistic3A_1051 : vector<8x128xf32>
      %slice3A_1053 = vector.extract_strided_slice %slice3A_1041 {offsets = [0, 128], sizes = [8, 128], strides = [1, 1]} : vector<8x384xf32> to vector<8x128xf32>
      %slice3A_1054 = vector.extract_strided_slice %dot_general3A_1043 {offsets = [0, 128], sizes = [8, 128], strides = [1, 1]} : vector<8x384xf32> to vector<8x128xf32>
      %add3A_1055 = arith.addf %slice3A_1053, %slice3A_1054 : vector<8x128xf32>
      %logistic3A_1056 = arith.negf %add3A_1055 : vector<8x128xf32>
      %logistic3A_1057 = math.exp %logistic3A_1056 : vector<8x128xf32>
      %logistic3A_1058 = arith.constant 1.000000e+00 : f32
      %logistic3A_1059 = vector.broadcast %logistic3A_1058 : f32 to vector<8x128xf32>
      %logistic3A_1060 = arith.addf %logistic3A_1059, %logistic3A_1057 : vector<8x128xf32>
      %logistic3A_1061 = arith.divf %logistic3A_1059, %logistic3A_1060 : vector<8x128xf32>
      %slice3A_1062 = vector.extract_strided_slice %slice3A_1041 {offsets = [0, 256], sizes = [8, 128], strides = [1, 1]} : vector<8x384xf32> to vector<8x128xf32>
      %slice3A_1063 = vector.extract_strided_slice %dot_general3A_1043 {offsets = [0, 256], sizes = [8, 128], strides = [1, 1]} : vector<8x384xf32> to vector<8x128xf32>
      %mul3A_1064 = arith.mulf %logistic3A_1052, %slice3A_1063 : vector<8x128xf32>
      %add3A_1065 = arith.addf %slice3A_1062, %mul3A_1064 : vector<8x128xf32>
      %tanh3A_1066 = math.tanh %add3A_1065 : vector<8x128xf32>
      %sub3A_1067 = arith.constant 1.000000e+00 : f32
      %sub3A_1068 = vector.broadcast %sub3A_1067 : f32 to vector<8x128xf32>
      %sub3A_1069 = arith.subf %sub3A_1068, %logistic3A_1061 : vector<8x128xf32>
      %mul3A_1070 = arith.mulf %sub3A_1069, %tanh3A_1066 : vector<8x128xf32>
      %mul3A_1071 = arith.mulf %logistic3A_1061, %add3A_1001 : vector<8x128xf32>
      %add3A_1072 = arith.addf %mul3A_1070, %mul3A_1071 : vector<8x128xf32>
      %scan3A_1073 = arith.constant 3 : i32
      %scan3A_1074 = arith.addi %scan3A_862, %scan3A_1073 : i32
      %get3A_1075 = arith.index_cast %scan3A_1074 : i32 to index
      %get3A_1076 = arith.constant 0 : index
      %get3A_1077 = arith.constant 0 : index
      %get3A_1078 = vector.load %arg0[%get3A_1075, %get3A_1076, %get3A_1077] : memref<768x16x384xf32, #tpu.memory_space<vmem>>, vector<1x16x384xf32>
      %get3A_1079 = vector.shape_cast %get3A_1078 : vector<1x16x384xf32> to vector<16x384xf32>
      %slice3A_1080 = vector.extract_strided_slice %get3A_1079 {offsets = [0, 0], sizes = [8, 384], strides = [1, 1]} : vector<16x384xf32> to vector<8x384xf32>
      %dot_general3A_1081 = arith.constant dense<0.000000e+00> : vector<8x384xf32>
      %dot_general3A_1082 = tpu.matmul %add3A_1040, %get3A_1, %dot_general3A_1081 {dimension_numbers = #tpu.dot_dimension_numbers<[1], [0], [0], [1], [0, 0, 1, 1], [], []>, transpose_lhs_hint = false} : vector<8x128xf32>, vector<128x384xf32>, vector<8x384xf32> -> vector<8x384xf32>
      %slice3A_1083 = vector.extract_strided_slice %slice3A_1080 {offsets = [0, 0], sizes = [8, 128], strides = [1, 1]} : vector<8x384xf32> to vector<8x128xf32>
      %slice3A_1084 = vector.extract_strided_slice %dot_general3A_1082 {offsets = [0, 0], sizes = [8, 128], strides = [1, 1]} : vector<8x384xf32> to vector<8x128xf32>
      %add3A_1085 = arith.addf %slice3A_1083, %slice3A_1084 : vector<8x128xf32>
      %logistic3A_1086 = arith.negf %add3A_1085 : vector<8x128xf32>
      %logistic3A_1087 = math.exp %logistic3A_1086 : vector<8x128xf32>
      %logistic3A_1088 = arith.constant 1.000000e+00 : f32
      %logistic3A_1089 = vector.broadcast %logistic3A_1088 : f32 to vector<8x128xf32>
      %logistic3A_1090 = arith.addf %logistic3A_1089, %logistic3A_1087 : vector<8x128xf32>
      %logistic3A_1091 = arith.divf %logistic3A_1089, %logistic3A_1090 : vector<8x128xf32>
      %slice3A_1092 = vector.extract_strided_slice %slice3A_1080 {offsets = [0, 128], sizes = [8, 128], strides = [1, 1]} : vector<8x384xf32> to vector<8x128xf32>
      %slice3A_1093 = vector.extract_strided_slice %dot_general3A_1082 {offsets = [0, 128], sizes = [8, 128], strides = [1, 1]} : vector<8x384xf32> to vector<8x128xf32>
      %add3A_1094 = arith.addf %slice3A_1092, %slice3A_1093 : vector<8x128xf32>
      %logistic3A_1095 = arith.negf %add3A_1094 : vector<8x128xf32>
      %logistic3A_1096 = math.exp %logistic3A_1095 : vector<8x128xf32>
      %logistic3A_1097 = arith.constant 1.000000e+00 : f32
      %logistic3A_1098 = vector.broadcast %logistic3A_1097 : f32 to vector<8x128xf32>
      %logistic3A_1099 = arith.addf %logistic3A_1098, %logistic3A_1096 : vector<8x128xf32>
      %logistic3A_1100 = arith.divf %logistic3A_1098, %logistic3A_1099 : vector<8x128xf32>
      %slice3A_1101 = vector.extract_strided_slice %slice3A_1080 {offsets = [0, 256], sizes = [8, 128], strides = [1, 1]} : vector<8x384xf32> to vector<8x128xf32>
      %slice3A_1102 = vector.extract_strided_slice %dot_general3A_1082 {offsets = [0, 256], sizes = [8, 128], strides = [1, 1]} : vector<8x384xf32> to vector<8x128xf32>
      %mul3A_1103 = arith.mulf %logistic3A_1091, %slice3A_1102 : vector<8x128xf32>
      %add3A_1104 = arith.addf %slice3A_1101, %mul3A_1103 : vector<8x128xf32>
      %tanh3A_1105 = math.tanh %add3A_1104 : vector<8x128xf32>
      %sub3A_1106 = arith.constant 1.000000e+00 : f32
      %sub3A_1107 = vector.broadcast %sub3A_1106 : f32 to vector<8x128xf32>
      %sub3A_1108 = arith.subf %sub3A_1107, %logistic3A_1100 : vector<8x128xf32>
      %mul3A_1109 = arith.mulf %sub3A_1108, %tanh3A_1105 : vector<8x128xf32>
      %mul3A_1110 = arith.mulf %logistic3A_1100, %add3A_1040 : vector<8x128xf32>
      %add3A_1111 = arith.addf %mul3A_1109, %mul3A_1110 : vector<8x128xf32>
      %slice3A_1112 = vector.extract_strided_slice %get3A_1079 {offsets = [8, 0], sizes = [8, 384], strides = [1, 1]} : vector<16x384xf32> to vector<8x384xf32>
      %dot_general3A_1113 = arith.constant dense<0.000000e+00> : vector<8x384xf32>
      %dot_general3A_1114 = tpu.matmul %add3A_1072, %get3A_1, %dot_general3A_1113 {dimension_numbers = #tpu.dot_dimension_numbers<[1], [0], [0], [1], [0, 0, 1, 1], [], []>, transpose_lhs_hint = false} : vector<8x128xf32>, vector<128x384xf32>, vector<8x384xf32> -> vector<8x384xf32>
      %slice3A_1115 = vector.extract_strided_slice %slice3A_1112 {offsets = [0, 0], sizes = [8, 128], strides = [1, 1]} : vector<8x384xf32> to vector<8x128xf32>
      %slice3A_1116 = vector.extract_strided_slice %dot_general3A_1114 {offsets = [0, 0], sizes = [8, 128], strides = [1, 1]} : vector<8x384xf32> to vector<8x128xf32>
      %add3A_1117 = arith.addf %slice3A_1115, %slice3A_1116 : vector<8x128xf32>
      %logistic3A_1118 = arith.negf %add3A_1117 : vector<8x128xf32>
      %logistic3A_1119 = math.exp %logistic3A_1118 : vector<8x128xf32>
      %logistic3A_1120 = arith.constant 1.000000e+00 : f32
      %logistic3A_1121 = vector.broadcast %logistic3A_1120 : f32 to vector<8x128xf32>
      %logistic3A_1122 = arith.addf %logistic3A_1121, %logistic3A_1119 : vector<8x128xf32>
      %logistic3A_1123 = arith.divf %logistic3A_1121, %logistic3A_1122 : vector<8x128xf32>
      %slice3A_1124 = vector.extract_strided_slice %slice3A_1112 {offsets = [0, 128], sizes = [8, 128], strides = [1, 1]} : vector<8x384xf32> to vector<8x128xf32>
      %slice3A_1125 = vector.extract_strided_slice %dot_general3A_1114 {offsets = [0, 128], sizes = [8, 128], strides = [1, 1]} : vector<8x384xf32> to vector<8x128xf32>
      %add3A_1126 = arith.addf %slice3A_1124, %slice3A_1125 : vector<8x128xf32>
      %logistic3A_1127 = arith.negf %add3A_1126 : vector<8x128xf32>
      %logistic3A_1128 = math.exp %logistic3A_1127 : vector<8x128xf32>
      %logistic3A_1129 = arith.constant 1.000000e+00 : f32
      %logistic3A_1130 = vector.broadcast %logistic3A_1129 : f32 to vector<8x128xf32>
      %logistic3A_1131 = arith.addf %logistic3A_1130, %logistic3A_1128 : vector<8x128xf32>
      %logistic3A_1132 = arith.divf %logistic3A_1130, %logistic3A_1131 : vector<8x128xf32>
      %slice3A_1133 = vector.extract_strided_slice %slice3A_1112 {offsets = [0, 256], sizes = [8, 128], strides = [1, 1]} : vector<8x384xf32> to vector<8x128xf32>
      %slice3A_1134 = vector.extract_strided_slice %dot_general3A_1114 {offsets = [0, 256], sizes = [8, 128], strides = [1, 1]} : vector<8x384xf32> to vector<8x128xf32>
      %mul3A_1135 = arith.mulf %logistic3A_1123, %slice3A_1134 : vector<8x128xf32>
      %add3A_1136 = arith.addf %slice3A_1133, %mul3A_1135 : vector<8x128xf32>
      %tanh3A_1137 = math.tanh %add3A_1136 : vector<8x128xf32>
      %sub3A_1138 = arith.constant 1.000000e+00 : f32
      %sub3A_1139 = vector.broadcast %sub3A_1138 : f32 to vector<8x128xf32>
      %sub3A_1140 = arith.subf %sub3A_1139, %logistic3A_1132 : vector<8x128xf32>
      %mul3A_1141 = arith.mulf %sub3A_1140, %tanh3A_1137 : vector<8x128xf32>
      %mul3A_1142 = arith.mulf %logistic3A_1132, %add3A_1072 : vector<8x128xf32>
      %add3A_1143 = arith.addf %mul3A_1141, %mul3A_1142 : vector<8x128xf32>
      scf.yield %add3A_1111, %add3A_1143 : vector<8x128xf32>, vector<8x128xf32>
    }
    %scan3A_10 = arith.constant 768 : i32
    %concatenate3A = tpu.concatenate %scan3A_9#0, %scan3A_9#1 in 0 : vector<8x128xf32>, vector<8x128xf32> -> vector<16x128xf32>
    %get3A_11 = arith.constant 0 : index
    %get3A_12 = arith.constant 0 : index
    %get3A_13 = arith.constant 0 : index
    %get3A_14 = vector.load %arg4[%get3A_11, %get3A_12, %get3A_13] : memref<16x16x256xf32, #tpu.memory_space<vmem>>, vector<16x16x256xf32>
    %iota3A = tpu.iota {dimensions = array<i32: 1>} : vector<16x16xi32>
    %iota3A_15 = tpu.iota {dimensions = array<i32: 0>} : vector<16x16xi32>
    %eq3A = arith.cmpi eq, %iota3A, %iota3A_15 : vector<16x16xi32>
    %get3A_16 = arith.constant 0 : index
    %get3A_17 = arith.constant 0 : index
    %get3A_18 = arith.constant 0 : index
    %get3A_19 = vector.load %arg3[%get3A_16, %get3A_17, %get3A_18] : memref<16x128x256xf32, #tpu.memory_space<vmem>>, vector<1x128x256xf32>
    %get3A_20 = vector.shape_cast %get3A_19 : vector<1x128x256xf32> to vector<128x256xf32>
    %dot_general3A = arith.constant dense<0.000000e+00> : vector<16x256xf32>
    %dot_general3A_21 = tpu.matmul %concatenate3A, %get3A_20, %dot_general3A {dimension_numbers = #tpu.dot_dimension_numbers<[1], [0], [0], [1], [0, 0, 1, 1], [], []>, transpose_lhs_hint = false} : vector<16x128xf32>, vector<128x256xf32>, vector<16x256xf32> -> vector<16x256xf32>
    %slice3A_22 = vector.extract_strided_slice %get3A_14 {offsets = [0, 0, 0], sizes = [16, 1, 256], strides = [1, 1, 1]} : vector<16x16x256xf32> to vector<16x1x256xf32>
    %squeeze3A = vector.shape_cast %slice3A_22 : vector<16x1x256xf32> to vector<16x256xf32>
    %dot_general3A_23 = arith.constant dense<0.000000e+00> : vector<16x16xf32>
    %dot_general3A_24 = tpu.matmul %dot_general3A_21, %squeeze3A, %dot_general3A_23 {dimension_numbers = #tpu.dot_dimension_numbers<[1], [1], [0], [0], [0, 0, 1, 0], [], []>, transpose_lhs_hint = false} : vector<16x256xf32>, vector<16x256xf32>, vector<16x16xf32> -> vector<16x16xf32>
    %reduce_max3A = arith.constant dense<0xFF800000> : vector<16xf32>
    %reduce_max3A_25 = vector.multi_reduction <maximumf>, %dot_general3A_24, %reduce_max3A [1] : vector<16x16xf32> to vector<16xf32>
    %broadcast_in_dim3A = vector.shape_cast %reduce_max3A_25 : vector<16xf32> to vector<16x1xf32>
    %sub3A = vector.broadcast %broadcast_in_dim3A : vector<16x1xf32> to vector<16x16xf32>
    %sub3A_26 = arith.subf %dot_general3A_24, %sub3A : vector<16x16xf32>
    %exp3A = math.exp %sub3A_26 : vector<16x16xf32>
    %reduce_sum3A = arith.constant dense<0.000000e+00> : vector<16xf32>
    %reduce_sum3A_27 = vector.multi_reduction <add>, %exp3A, %reduce_sum3A [1] : vector<16x16xf32> to vector<16xf32>
    %broadcast_in_dim3A_28 = vector.shape_cast %reduce_sum3A_27 : vector<16xf32> to vector<16x1xf32>
    %log3A = math.log %broadcast_in_dim3A_28 : vector<16x1xf32>
    %add3A = arith.addf %broadcast_in_dim3A, %log3A : vector<16x1xf32>
    %jit3A = arith.constant 0.000000e+00 : f32
    %broadcast_in_dim3A_29 = vector.broadcast %jit3A : f32 to vector<16x16xf32>
    %select_n3A = arith.select %eq3A, %dot_general3A_24, %broadcast_in_dim3A_29 : vector<16x16xi1>, vector<16x16xf32>
    %reduce_sum3A_30 = arith.constant dense<0.000000e+00> : vector<16xf32>
    %reduce_sum3A_31 = vector.multi_reduction <add>, %select_n3A, %reduce_sum3A_30 [1] : vector<16x16xf32> to vector<16xf32>
    %broadcast_in_dim3A_32 = vector.shape_cast %reduce_sum3A_31 : vector<16xf32> to vector<16x1xf32>
    %sub3A_33 = arith.subf %broadcast_in_dim3A_32, %add3A : vector<16x1xf32>
    %reduce_sum3A_34 = vector.shape_cast %sub3A_33 : vector<16x1xf32> to vector<1x16x1xf32>
    %reduce_sum3A_35 = arith.constant dense<0.000000e+00> : vector<1xf32>
    %reduce_sum3A_36 = vector.multi_reduction <add>, %reduce_sum3A_34, %reduce_sum3A_35 [1, 2] : vector<1x16x1xf32> to vector<1xf32>
    %reduce_sum3A_37 = vector.shape_cast %reduce_sum3A_36 : vector<1xf32> to vector<1x1x1xf32>
    %reduce_sum3A_38 = vector.extract %reduce_sum3A_37[0, 0, 0] : f32 from vector<1x1x1xf32>
    %add3A_39 = arith.constant 0.000000e+00 : f32
    %add3A_40 = arith.addf %add3A_39, %reduce_sum3A_38 : f32
    %ge3A = vector.broadcast %broadcast_in_dim3A : vector<16x1xf32> to vector<16x16xf32>
    %ge3A_41 = arith.cmpf oge, %dot_general3A_24, %ge3A : vector<16x16xf32>
    %jit3A_42 = arith.constant 16 : i32
    %broadcast_in_dim3A_43 = vector.broadcast %jit3A_42 : i32 to vector<16x16xi32>
    %select_n3A_44 = arith.select %ge3A_41, %iota3A, %broadcast_in_dim3A_43 : vector<16x16xi1>, vector<16x16xi32>
    %reduce_min3A = arith.constant dense<2147483647> : vector<16xi32>
    %reduce_min3A_45 = vector.multi_reduction <minsi>, %select_n3A_44, %reduce_min3A [1] : vector<16x16xi32> to vector<16xi32>
    %broadcast_in_dim3A_46 = vector.shape_cast %reduce_min3A_45 : vector<16xi32> to vector<16x1xi32>
    %iota3A_47 = tpu.iota {dimensions = array<i32: 0>} : vector<16x1xi32>
    %eq3A_48 = arith.cmpi eq, %broadcast_in_dim3A_46, %iota3A_47 : vector<16x1xi32>
    %convert_element_type3A = arith.extui %eq3A_48 : vector<16x1xi1> to vector<16x1xi32>
    %convert_element_type3A_49 = arith.sitofp %convert_element_type3A : vector<16x1xi32> to vector<16x1xf32>
    %reduce_sum3A_50 = vector.shape_cast %convert_element_type3A_49 : vector<16x1xf32> to vector<1x16x1xf32>
    %reduce_sum3A_51 = arith.constant dense<0.000000e+00> : vector<1xf32>
    %reduce_sum3A_52 = vector.multi_reduction <add>, %reduce_sum3A_50, %reduce_sum3A_51 [1, 2] : vector<1x16x1xf32> to vector<1xf32>
    %reduce_sum3A_53 = vector.shape_cast %reduce_sum3A_52 : vector<1xf32> to vector<1x1x1xf32>
    %reduce_sum3A_54 = vector.extract %reduce_sum3A_53[0, 0, 0] : f32 from vector<1x1x1xf32>
    %add3A_55 = arith.constant 0.000000e+00 : f32
    %add3A_56 = arith.addf %add3A_55, %reduce_sum3A_54 : f32
    %get3A_57 = arith.constant 1 : index
    %get3A_58 = arith.constant 0 : index
    %get3A_59 = arith.constant 0 : index
    %get3A_60 = vector.load %arg3[%get3A_57, %get3A_58, %get3A_59] : memref<16x128x256xf32, #tpu.memory_space<vmem>>, vector<1x128x256xf32>
    %get3A_61 = vector.shape_cast %get3A_60 : vector<1x128x256xf32> to vector<128x256xf32>
    %dot_general3A_62 = arith.constant dense<0.000000e+00> : vector<16x256xf32>
    %dot_general3A_63 = tpu.matmul %concatenate3A, %get3A_61, %dot_general3A_62 {dimension_numbers = #tpu.dot_dimension_numbers<[1], [0], [0], [1], [0, 0, 1, 1], [], []>, transpose_lhs_hint = false} : vector<16x128xf32>, vector<128x256xf32>, vector<16x256xf32> -> vector<16x256xf32>
    %slice3A_64 = vector.extract_strided_slice %get3A_14 {offsets = [0, 1, 0], sizes = [16, 1, 256], strides = [1, 1, 1]} : vector<16x16x256xf32> to vector<16x1x256xf32>
    %squeeze3A_65 = vector.shape_cast %slice3A_64 : vector<16x1x256xf32> to vector<16x256xf32>
    %dot_general3A_66 = arith.constant dense<0.000000e+00> : vector<16x16xf32>
    %dot_general3A_67 = tpu.matmul %dot_general3A_63, %squeeze3A_65, %dot_general3A_66 {dimension_numbers = #tpu.dot_dimension_numbers<[1], [1], [0], [0], [0, 0, 1, 0], [], []>, transpose_lhs_hint = false} : vector<16x256xf32>, vector<16x256xf32>, vector<16x16xf32> -> vector<16x16xf32>
    %reduce_max3A_68 = arith.constant dense<0xFF800000> : vector<16xf32>
    %reduce_max3A_69 = vector.multi_reduction <maximumf>, %dot_general3A_67, %reduce_max3A_68 [1] : vector<16x16xf32> to vector<16xf32>
    %broadcast_in_dim3A_70 = vector.shape_cast %reduce_max3A_69 : vector<16xf32> to vector<16x1xf32>
    %sub3A_71 = vector.broadcast %broadcast_in_dim3A_70 : vector<16x1xf32> to vector<16x16xf32>
    %sub3A_72 = arith.subf %dot_general3A_67, %sub3A_71 : vector<16x16xf32>
    %exp3A_73 = math.exp %sub3A_72 : vector<16x16xf32>
    %reduce_sum3A_74 = arith.constant dense<0.000000e+00> : vector<16xf32>
    %reduce_sum3A_75 = vector.multi_reduction <add>, %exp3A_73, %reduce_sum3A_74 [1] : vector<16x16xf32> to vector<16xf32>
    %broadcast_in_dim3A_76 = vector.shape_cast %reduce_sum3A_75 : vector<16xf32> to vector<16x1xf32>
    %log3A_77 = math.log %broadcast_in_dim3A_76 : vector<16x1xf32>
    %add3A_78 = arith.addf %broadcast_in_dim3A_70, %log3A_77 : vector<16x1xf32>
    %jit3A_79 = arith.constant 0.000000e+00 : f32
    %broadcast_in_dim3A_80 = vector.broadcast %jit3A_79 : f32 to vector<16x16xf32>
    %select_n3A_81 = arith.select %eq3A, %dot_general3A_67, %broadcast_in_dim3A_80 : vector<16x16xi1>, vector<16x16xf32>
    %reduce_sum3A_82 = arith.constant dense<0.000000e+00> : vector<16xf32>
    %reduce_sum3A_83 = vector.multi_reduction <add>, %select_n3A_81, %reduce_sum3A_82 [1] : vector<16x16xf32> to vector<16xf32>
    %broadcast_in_dim3A_84 = vector.shape_cast %reduce_sum3A_83 : vector<16xf32> to vector<16x1xf32>
    %sub3A_85 = arith.subf %broadcast_in_dim3A_84, %add3A_78 : vector<16x1xf32>
    %reduce_sum3A_86 = vector.shape_cast %sub3A_85 : vector<16x1xf32> to vector<1x16x1xf32>
    %reduce_sum3A_87 = arith.constant dense<0.000000e+00> : vector<1xf32>
    %reduce_sum3A_88 = vector.multi_reduction <add>, %reduce_sum3A_86, %reduce_sum3A_87 [1, 2] : vector<1x16x1xf32> to vector<1xf32>
    %reduce_sum3A_89 = vector.shape_cast %reduce_sum3A_88 : vector<1xf32> to vector<1x1x1xf32>
    %reduce_sum3A_90 = vector.extract %reduce_sum3A_89[0, 0, 0] : f32 from vector<1x1x1xf32>
    %add3A_91 = arith.addf %add3A_40, %reduce_sum3A_90 : f32
    %ge3A_92 = vector.broadcast %broadcast_in_dim3A_70 : vector<16x1xf32> to vector<16x16xf32>
    %ge3A_93 = arith.cmpf oge, %dot_general3A_67, %ge3A_92 : vector<16x16xf32>
    %jit3A_94 = arith.constant 16 : i32
    %broadcast_in_dim3A_95 = vector.broadcast %jit3A_94 : i32 to vector<16x16xi32>
    %select_n3A_96 = arith.select %ge3A_93, %iota3A, %broadcast_in_dim3A_95 : vector<16x16xi1>, vector<16x16xi32>
    %reduce_min3A_97 = arith.constant dense<2147483647> : vector<16xi32>
    %reduce_min3A_98 = vector.multi_reduction <minsi>, %select_n3A_96, %reduce_min3A_97 [1] : vector<16x16xi32> to vector<16xi32>
    %broadcast_in_dim3A_99 = vector.shape_cast %reduce_min3A_98 : vector<16xi32> to vector<16x1xi32>
    %iota3A_100 = tpu.iota {dimensions = array<i32: 0>} : vector<16x1xi32>
    %eq3A_101 = arith.cmpi eq, %broadcast_in_dim3A_99, %iota3A_100 : vector<16x1xi32>
    %convert_element_type3A_102 = arith.extui %eq3A_101 : vector<16x1xi1> to vector<16x1xi32>
    %convert_element_type3A_103 = arith.sitofp %convert_element_type3A_102 : vector<16x1xi32> to vector<16x1xf32>
    %reduce_sum3A_104 = vector.shape_cast %convert_element_type3A_103 : vector<16x1xf32> to vector<1x16x1xf32>
    %reduce_sum3A_105 = arith.constant dense<0.000000e+00> : vector<1xf32>
    %reduce_sum3A_106 = vector.multi_reduction <add>, %reduce_sum3A_104, %reduce_sum3A_105 [1, 2] : vector<1x16x1xf32> to vector<1xf32>
    %reduce_sum3A_107 = vector.shape_cast %reduce_sum3A_106 : vector<1xf32> to vector<1x1x1xf32>
    %reduce_sum3A_108 = vector.extract %reduce_sum3A_107[0, 0, 0] : f32 from vector<1x1x1xf32>
    %add3A_109 = arith.addf %add3A_56, %reduce_sum3A_108 : f32
    %get3A_110 = arith.constant 2 : index
    %get3A_111 = arith.constant 0 : index
    %get3A_112 = arith.constant 0 : index
    %get3A_113 = vector.load %arg3[%get3A_110, %get3A_111, %get3A_112] : memref<16x128x256xf32, #tpu.memory_space<vmem>>, vector<1x128x256xf32>
    %get3A_114 = vector.shape_cast %get3A_113 : vector<1x128x256xf32> to vector<128x256xf32>
    %dot_general3A_115 = arith.constant dense<0.000000e+00> : vector<16x256xf32>
    %dot_general3A_116 = tpu.matmul %concatenate3A, %get3A_114, %dot_general3A_115 {dimension_numbers = #tpu.dot_dimension_numbers<[1], [0], [0], [1], [0, 0, 1, 1], [], []>, transpose_lhs_hint = false} : vector<16x128xf32>, vector<128x256xf32>, vector<16x256xf32> -> vector<16x256xf32>
    %slice3A_117 = vector.extract_strided_slice %get3A_14 {offsets = [0, 2, 0], sizes = [16, 1, 256], strides = [1, 1, 1]} : vector<16x16x256xf32> to vector<16x1x256xf32>
    %squeeze3A_118 = vector.shape_cast %slice3A_117 : vector<16x1x256xf32> to vector<16x256xf32>
    %dot_general3A_119 = arith.constant dense<0.000000e+00> : vector<16x16xf32>
    %dot_general3A_120 = tpu.matmul %dot_general3A_116, %squeeze3A_118, %dot_general3A_119 {dimension_numbers = #tpu.dot_dimension_numbers<[1], [1], [0], [0], [0, 0, 1, 0], [], []>, transpose_lhs_hint = false} : vector<16x256xf32>, vector<16x256xf32>, vector<16x16xf32> -> vector<16x16xf32>
    %reduce_max3A_121 = arith.constant dense<0xFF800000> : vector<16xf32>
    %reduce_max3A_122 = vector.multi_reduction <maximumf>, %dot_general3A_120, %reduce_max3A_121 [1] : vector<16x16xf32> to vector<16xf32>
    %broadcast_in_dim3A_123 = vector.shape_cast %reduce_max3A_122 : vector<16xf32> to vector<16x1xf32>
    %sub3A_124 = vector.broadcast %broadcast_in_dim3A_123 : vector<16x1xf32> to vector<16x16xf32>
    %sub3A_125 = arith.subf %dot_general3A_120, %sub3A_124 : vector<16x16xf32>
    %exp3A_126 = math.exp %sub3A_125 : vector<16x16xf32>
    %reduce_sum3A_127 = arith.constant dense<0.000000e+00> : vector<16xf32>
    %reduce_sum3A_128 = vector.multi_reduction <add>, %exp3A_126, %reduce_sum3A_127 [1] : vector<16x16xf32> to vector<16xf32>
    %broadcast_in_dim3A_129 = vector.shape_cast %reduce_sum3A_128 : vector<16xf32> to vector<16x1xf32>
    %log3A_130 = math.log %broadcast_in_dim3A_129 : vector<16x1xf32>
    %add3A_131 = arith.addf %broadcast_in_dim3A_123, %log3A_130 : vector<16x1xf32>
    %jit3A_132 = arith.constant 0.000000e+00 : f32
    %broadcast_in_dim3A_133 = vector.broadcast %jit3A_132 : f32 to vector<16x16xf32>
    %select_n3A_134 = arith.select %eq3A, %dot_general3A_120, %broadcast_in_dim3A_133 : vector<16x16xi1>, vector<16x16xf32>
    %reduce_sum3A_135 = arith.constant dense<0.000000e+00> : vector<16xf32>
    %reduce_sum3A_136 = vector.multi_reduction <add>, %select_n3A_134, %reduce_sum3A_135 [1] : vector<16x16xf32> to vector<16xf32>
    %broadcast_in_dim3A_137 = vector.shape_cast %reduce_sum3A_136 : vector<16xf32> to vector<16x1xf32>
    %sub3A_138 = arith.subf %broadcast_in_dim3A_137, %add3A_131 : vector<16x1xf32>
    %reduce_sum3A_139 = vector.shape_cast %sub3A_138 : vector<16x1xf32> to vector<1x16x1xf32>
    %reduce_sum3A_140 = arith.constant dense<0.000000e+00> : vector<1xf32>
    %reduce_sum3A_141 = vector.multi_reduction <add>, %reduce_sum3A_139, %reduce_sum3A_140 [1, 2] : vector<1x16x1xf32> to vector<1xf32>
    %reduce_sum3A_142 = vector.shape_cast %reduce_sum3A_141 : vector<1xf32> to vector<1x1x1xf32>
    %reduce_sum3A_143 = vector.extract %reduce_sum3A_142[0, 0, 0] : f32 from vector<1x1x1xf32>
    %add3A_144 = arith.addf %add3A_91, %reduce_sum3A_143 : f32
    %ge3A_145 = vector.broadcast %broadcast_in_dim3A_123 : vector<16x1xf32> to vector<16x16xf32>
    %ge3A_146 = arith.cmpf oge, %dot_general3A_120, %ge3A_145 : vector<16x16xf32>
    %jit3A_147 = arith.constant 16 : i32
    %broadcast_in_dim3A_148 = vector.broadcast %jit3A_147 : i32 to vector<16x16xi32>
    %select_n3A_149 = arith.select %ge3A_146, %iota3A, %broadcast_in_dim3A_148 : vector<16x16xi1>, vector<16x16xi32>
    %reduce_min3A_150 = arith.constant dense<2147483647> : vector<16xi32>
    %reduce_min3A_151 = vector.multi_reduction <minsi>, %select_n3A_149, %reduce_min3A_150 [1] : vector<16x16xi32> to vector<16xi32>
    %broadcast_in_dim3A_152 = vector.shape_cast %reduce_min3A_151 : vector<16xi32> to vector<16x1xi32>
    %iota3A_153 = tpu.iota {dimensions = array<i32: 0>} : vector<16x1xi32>
    %eq3A_154 = arith.cmpi eq, %broadcast_in_dim3A_152, %iota3A_153 : vector<16x1xi32>
    %convert_element_type3A_155 = arith.extui %eq3A_154 : vector<16x1xi1> to vector<16x1xi32>
    %convert_element_type3A_156 = arith.sitofp %convert_element_type3A_155 : vector<16x1xi32> to vector<16x1xf32>
    %reduce_sum3A_157 = vector.shape_cast %convert_element_type3A_156 : vector<16x1xf32> to vector<1x16x1xf32>
    %reduce_sum3A_158 = arith.constant dense<0.000000e+00> : vector<1xf32>
    %reduce_sum3A_159 = vector.multi_reduction <add>, %reduce_sum3A_157, %reduce_sum3A_158 [1, 2] : vector<1x16x1xf32> to vector<1xf32>
    %reduce_sum3A_160 = vector.shape_cast %reduce_sum3A_159 : vector<1xf32> to vector<1x1x1xf32>
    %reduce_sum3A_161 = vector.extract %reduce_sum3A_160[0, 0, 0] : f32 from vector<1x1x1xf32>
    %add3A_162 = arith.addf %add3A_109, %reduce_sum3A_161 : f32
    %get3A_163 = arith.constant 3 : index
    %get3A_164 = arith.constant 0 : index
    %get3A_165 = arith.constant 0 : index
    %get3A_166 = vector.load %arg3[%get3A_163, %get3A_164, %get3A_165] : memref<16x128x256xf32, #tpu.memory_space<vmem>>, vector<1x128x256xf32>
    %get3A_167 = vector.shape_cast %get3A_166 : vector<1x128x256xf32> to vector<128x256xf32>
    %dot_general3A_168 = arith.constant dense<0.000000e+00> : vector<16x256xf32>
    %dot_general3A_169 = tpu.matmul %concatenate3A, %get3A_167, %dot_general3A_168 {dimension_numbers = #tpu.dot_dimension_numbers<[1], [0], [0], [1], [0, 0, 1, 1], [], []>, transpose_lhs_hint = false} : vector<16x128xf32>, vector<128x256xf32>, vector<16x256xf32> -> vector<16x256xf32>
    %slice3A_170 = vector.extract_strided_slice %get3A_14 {offsets = [0, 3, 0], sizes = [16, 1, 256], strides = [1, 1, 1]} : vector<16x16x256xf32> to vector<16x1x256xf32>
    %squeeze3A_171 = vector.shape_cast %slice3A_170 : vector<16x1x256xf32> to vector<16x256xf32>
    %dot_general3A_172 = arith.constant dense<0.000000e+00> : vector<16x16xf32>
    %dot_general3A_173 = tpu.matmul %dot_general3A_169, %squeeze3A_171, %dot_general3A_172 {dimension_numbers = #tpu.dot_dimension_numbers<[1], [1], [0], [0], [0, 0, 1, 0], [], []>, transpose_lhs_hint = false} : vector<16x256xf32>, vector<16x256xf32>, vector<16x16xf32> -> vector<16x16xf32>
    %reduce_max3A_174 = arith.constant dense<0xFF800000> : vector<16xf32>
    %reduce_max3A_175 = vector.multi_reduction <maximumf>, %dot_general3A_173, %reduce_max3A_174 [1] : vector<16x16xf32> to vector<16xf32>
    %broadcast_in_dim3A_176 = vector.shape_cast %reduce_max3A_175 : vector<16xf32> to vector<16x1xf32>
    %sub3A_177 = vector.broadcast %broadcast_in_dim3A_176 : vector<16x1xf32> to vector<16x16xf32>
    %sub3A_178 = arith.subf %dot_general3A_173, %sub3A_177 : vector<16x16xf32>
    %exp3A_179 = math.exp %sub3A_178 : vector<16x16xf32>
    %reduce_sum3A_180 = arith.constant dense<0.000000e+00> : vector<16xf32>
    %reduce_sum3A_181 = vector.multi_reduction <add>, %exp3A_179, %reduce_sum3A_180 [1] : vector<16x16xf32> to vector<16xf32>
    %broadcast_in_dim3A_182 = vector.shape_cast %reduce_sum3A_181 : vector<16xf32> to vector<16x1xf32>
    %log3A_183 = math.log %broadcast_in_dim3A_182 : vector<16x1xf32>
    %add3A_184 = arith.addf %broadcast_in_dim3A_176, %log3A_183 : vector<16x1xf32>
    %jit3A_185 = arith.constant 0.000000e+00 : f32
    %broadcast_in_dim3A_186 = vector.broadcast %jit3A_185 : f32 to vector<16x16xf32>
    %select_n3A_187 = arith.select %eq3A, %dot_general3A_173, %broadcast_in_dim3A_186 : vector<16x16xi1>, vector<16x16xf32>
    %reduce_sum3A_188 = arith.constant dense<0.000000e+00> : vector<16xf32>
    %reduce_sum3A_189 = vector.multi_reduction <add>, %select_n3A_187, %reduce_sum3A_188 [1] : vector<16x16xf32> to vector<16xf32>
    %broadcast_in_dim3A_190 = vector.shape_cast %reduce_sum3A_189 : vector<16xf32> to vector<16x1xf32>
    %sub3A_191 = arith.subf %broadcast_in_dim3A_190, %add3A_184 : vector<16x1xf32>
    %reduce_sum3A_192 = vector.shape_cast %sub3A_191 : vector<16x1xf32> to vector<1x16x1xf32>
    %reduce_sum3A_193 = arith.constant dense<0.000000e+00> : vector<1xf32>
    %reduce_sum3A_194 = vector.multi_reduction <add>, %reduce_sum3A_192, %reduce_sum3A_193 [1, 2] : vector<1x16x1xf32> to vector<1xf32>
    %reduce_sum3A_195 = vector.shape_cast %reduce_sum3A_194 : vector<1xf32> to vector<1x1x1xf32>
    %reduce_sum3A_196 = vector.extract %reduce_sum3A_195[0, 0, 0] : f32 from vector<1x1x1xf32>
    %add3A_197 = arith.addf %add3A_144, %reduce_sum3A_196 : f32
    %ge3A_198 = vector.broadcast %broadcast_in_dim3A_176 : vector<16x1xf32> to vector<16x16xf32>
    %ge3A_199 = arith.cmpf oge, %dot_general3A_173, %ge3A_198 : vector<16x16xf32>
    %jit3A_200 = arith.constant 16 : i32
    %broadcast_in_dim3A_201 = vector.broadcast %jit3A_200 : i32 to vector<16x16xi32>
    %select_n3A_202 = arith.select %ge3A_199, %iota3A, %broadcast_in_dim3A_201 : vector<16x16xi1>, vector<16x16xi32>
    %reduce_min3A_203 = arith.constant dense<2147483647> : vector<16xi32>
    %reduce_min3A_204 = vector.multi_reduction <minsi>, %select_n3A_202, %reduce_min3A_203 [1] : vector<16x16xi32> to vector<16xi32>
    %broadcast_in_dim3A_205 = vector.shape_cast %reduce_min3A_204 : vector<16xi32> to vector<16x1xi32>
    %iota3A_206 = tpu.iota {dimensions = array<i32: 0>} : vector<16x1xi32>
    %eq3A_207 = arith.cmpi eq, %broadcast_in_dim3A_205, %iota3A_206 : vector<16x1xi32>
    %convert_element_type3A_208 = arith.extui %eq3A_207 : vector<16x1xi1> to vector<16x1xi32>
    %convert_element_type3A_209 = arith.sitofp %convert_element_type3A_208 : vector<16x1xi32> to vector<16x1xf32>
    %reduce_sum3A_210 = vector.shape_cast %convert_element_type3A_209 : vector<16x1xf32> to vector<1x16x1xf32>
    %reduce_sum3A_211 = arith.constant dense<0.000000e+00> : vector<1xf32>
    %reduce_sum3A_212 = vector.multi_reduction <add>, %reduce_sum3A_210, %reduce_sum3A_211 [1, 2] : vector<1x16x1xf32> to vector<1xf32>
    %reduce_sum3A_213 = vector.shape_cast %reduce_sum3A_212 : vector<1xf32> to vector<1x1x1xf32>
    %reduce_sum3A_214 = vector.extract %reduce_sum3A_213[0, 0, 0] : f32 from vector<1x1x1xf32>
    %add3A_215 = arith.addf %add3A_162, %reduce_sum3A_214 : f32
    %get3A_216 = arith.constant 4 : index
    %get3A_217 = arith.constant 0 : index
    %get3A_218 = arith.constant 0 : index
    %get3A_219 = vector.load %arg3[%get3A_216, %get3A_217, %get3A_218] : memref<16x128x256xf32, #tpu.memory_space<vmem>>, vector<1x128x256xf32>
    %get3A_220 = vector.shape_cast %get3A_219 : vector<1x128x256xf32> to vector<128x256xf32>
    %dot_general3A_221 = arith.constant dense<0.000000e+00> : vector<16x256xf32>
    %dot_general3A_222 = tpu.matmul %concatenate3A, %get3A_220, %dot_general3A_221 {dimension_numbers = #tpu.dot_dimension_numbers<[1], [0], [0], [1], [0, 0, 1, 1], [], []>, transpose_lhs_hint = false} : vector<16x128xf32>, vector<128x256xf32>, vector<16x256xf32> -> vector<16x256xf32>
    %slice3A_223 = vector.extract_strided_slice %get3A_14 {offsets = [0, 4, 0], sizes = [16, 1, 256], strides = [1, 1, 1]} : vector<16x16x256xf32> to vector<16x1x256xf32>
    %squeeze3A_224 = vector.shape_cast %slice3A_223 : vector<16x1x256xf32> to vector<16x256xf32>
    %dot_general3A_225 = arith.constant dense<0.000000e+00> : vector<16x16xf32>
    %dot_general3A_226 = tpu.matmul %dot_general3A_222, %squeeze3A_224, %dot_general3A_225 {dimension_numbers = #tpu.dot_dimension_numbers<[1], [1], [0], [0], [0, 0, 1, 0], [], []>, transpose_lhs_hint = false} : vector<16x256xf32>, vector<16x256xf32>, vector<16x16xf32> -> vector<16x16xf32>
    %reduce_max3A_227 = arith.constant dense<0xFF800000> : vector<16xf32>
    %reduce_max3A_228 = vector.multi_reduction <maximumf>, %dot_general3A_226, %reduce_max3A_227 [1] : vector<16x16xf32> to vector<16xf32>
    %broadcast_in_dim3A_229 = vector.shape_cast %reduce_max3A_228 : vector<16xf32> to vector<16x1xf32>
    %sub3A_230 = vector.broadcast %broadcast_in_dim3A_229 : vector<16x1xf32> to vector<16x16xf32>
    %sub3A_231 = arith.subf %dot_general3A_226, %sub3A_230 : vector<16x16xf32>
    %exp3A_232 = math.exp %sub3A_231 : vector<16x16xf32>
    %reduce_sum3A_233 = arith.constant dense<0.000000e+00> : vector<16xf32>
    %reduce_sum3A_234 = vector.multi_reduction <add>, %exp3A_232, %reduce_sum3A_233 [1] : vector<16x16xf32> to vector<16xf32>
    %broadcast_in_dim3A_235 = vector.shape_cast %reduce_sum3A_234 : vector<16xf32> to vector<16x1xf32>
    %log3A_236 = math.log %broadcast_in_dim3A_235 : vector<16x1xf32>
    %add3A_237 = arith.addf %broadcast_in_dim3A_229, %log3A_236 : vector<16x1xf32>
    %jit3A_238 = arith.constant 0.000000e+00 : f32
    %broadcast_in_dim3A_239 = vector.broadcast %jit3A_238 : f32 to vector<16x16xf32>
    %select_n3A_240 = arith.select %eq3A, %dot_general3A_226, %broadcast_in_dim3A_239 : vector<16x16xi1>, vector<16x16xf32>
    %reduce_sum3A_241 = arith.constant dense<0.000000e+00> : vector<16xf32>
    %reduce_sum3A_242 = vector.multi_reduction <add>, %select_n3A_240, %reduce_sum3A_241 [1] : vector<16x16xf32> to vector<16xf32>
    %broadcast_in_dim3A_243 = vector.shape_cast %reduce_sum3A_242 : vector<16xf32> to vector<16x1xf32>
    %sub3A_244 = arith.subf %broadcast_in_dim3A_243, %add3A_237 : vector<16x1xf32>
    %reduce_sum3A_245 = vector.shape_cast %sub3A_244 : vector<16x1xf32> to vector<1x16x1xf32>
    %reduce_sum3A_246 = arith.constant dense<0.000000e+00> : vector<1xf32>
    %reduce_sum3A_247 = vector.multi_reduction <add>, %reduce_sum3A_245, %reduce_sum3A_246 [1, 2] : vector<1x16x1xf32> to vector<1xf32>
    %reduce_sum3A_248 = vector.shape_cast %reduce_sum3A_247 : vector<1xf32> to vector<1x1x1xf32>
    %reduce_sum3A_249 = vector.extract %reduce_sum3A_248[0, 0, 0] : f32 from vector<1x1x1xf32>
    %add3A_250 = arith.addf %add3A_197, %reduce_sum3A_249 : f32
    %ge3A_251 = vector.broadcast %broadcast_in_dim3A_229 : vector<16x1xf32> to vector<16x16xf32>
    %ge3A_252 = arith.cmpf oge, %dot_general3A_226, %ge3A_251 : vector<16x16xf32>
    %jit3A_253 = arith.constant 16 : i32
    %broadcast_in_dim3A_254 = vector.broadcast %jit3A_253 : i32 to vector<16x16xi32>
    %select_n3A_255 = arith.select %ge3A_252, %iota3A, %broadcast_in_dim3A_254 : vector<16x16xi1>, vector<16x16xi32>
    %reduce_min3A_256 = arith.constant dense<2147483647> : vector<16xi32>
    %reduce_min3A_257 = vector.multi_reduction <minsi>, %select_n3A_255, %reduce_min3A_256 [1] : vector<16x16xi32> to vector<16xi32>
    %broadcast_in_dim3A_258 = vector.shape_cast %reduce_min3A_257 : vector<16xi32> to vector<16x1xi32>
    %iota3A_259 = tpu.iota {dimensions = array<i32: 0>} : vector<16x1xi32>
    %eq3A_260 = arith.cmpi eq, %broadcast_in_dim3A_258, %iota3A_259 : vector<16x1xi32>
    %convert_element_type3A_261 = arith.extui %eq3A_260 : vector<16x1xi1> to vector<16x1xi32>
    %convert_element_type3A_262 = arith.sitofp %convert_element_type3A_261 : vector<16x1xi32> to vector<16x1xf32>
    %reduce_sum3A_263 = vector.shape_cast %convert_element_type3A_262 : vector<16x1xf32> to vector<1x16x1xf32>
    %reduce_sum3A_264 = arith.constant dense<0.000000e+00> : vector<1xf32>
    %reduce_sum3A_265 = vector.multi_reduction <add>, %reduce_sum3A_263, %reduce_sum3A_264 [1, 2] : vector<1x16x1xf32> to vector<1xf32>
    %reduce_sum3A_266 = vector.shape_cast %reduce_sum3A_265 : vector<1xf32> to vector<1x1x1xf32>
    %reduce_sum3A_267 = vector.extract %reduce_sum3A_266[0, 0, 0] : f32 from vector<1x1x1xf32>
    %add3A_268 = arith.addf %add3A_215, %reduce_sum3A_267 : f32
    %get3A_269 = arith.constant 5 : index
    %get3A_270 = arith.constant 0 : index
    %get3A_271 = arith.constant 0 : index
    %get3A_272 = vector.load %arg3[%get3A_269, %get3A_270, %get3A_271] : memref<16x128x256xf32, #tpu.memory_space<vmem>>, vector<1x128x256xf32>
    %get3A_273 = vector.shape_cast %get3A_272 : vector<1x128x256xf32> to vector<128x256xf32>
    %dot_general3A_274 = arith.constant dense<0.000000e+00> : vector<16x256xf32>
    %dot_general3A_275 = tpu.matmul %concatenate3A, %get3A_273, %dot_general3A_274 {dimension_numbers = #tpu.dot_dimension_numbers<[1], [0], [0], [1], [0, 0, 1, 1], [], []>, transpose_lhs_hint = false} : vector<16x128xf32>, vector<128x256xf32>, vector<16x256xf32> -> vector<16x256xf32>
    %slice3A_276 = vector.extract_strided_slice %get3A_14 {offsets = [0, 5, 0], sizes = [16, 1, 256], strides = [1, 1, 1]} : vector<16x16x256xf32> to vector<16x1x256xf32>
    %squeeze3A_277 = vector.shape_cast %slice3A_276 : vector<16x1x256xf32> to vector<16x256xf32>
    %dot_general3A_278 = arith.constant dense<0.000000e+00> : vector<16x16xf32>
    %dot_general3A_279 = tpu.matmul %dot_general3A_275, %squeeze3A_277, %dot_general3A_278 {dimension_numbers = #tpu.dot_dimension_numbers<[1], [1], [0], [0], [0, 0, 1, 0], [], []>, transpose_lhs_hint = false} : vector<16x256xf32>, vector<16x256xf32>, vector<16x16xf32> -> vector<16x16xf32>
    %reduce_max3A_280 = arith.constant dense<0xFF800000> : vector<16xf32>
    %reduce_max3A_281 = vector.multi_reduction <maximumf>, %dot_general3A_279, %reduce_max3A_280 [1] : vector<16x16xf32> to vector<16xf32>
    %broadcast_in_dim3A_282 = vector.shape_cast %reduce_max3A_281 : vector<16xf32> to vector<16x1xf32>
    %sub3A_283 = vector.broadcast %broadcast_in_dim3A_282 : vector<16x1xf32> to vector<16x16xf32>
    %sub3A_284 = arith.subf %dot_general3A_279, %sub3A_283 : vector<16x16xf32>
    %exp3A_285 = math.exp %sub3A_284 : vector<16x16xf32>
    %reduce_sum3A_286 = arith.constant dense<0.000000e+00> : vector<16xf32>
    %reduce_sum3A_287 = vector.multi_reduction <add>, %exp3A_285, %reduce_sum3A_286 [1] : vector<16x16xf32> to vector<16xf32>
    %broadcast_in_dim3A_288 = vector.shape_cast %reduce_sum3A_287 : vector<16xf32> to vector<16x1xf32>
    %log3A_289 = math.log %broadcast_in_dim3A_288 : vector<16x1xf32>
    %add3A_290 = arith.addf %broadcast_in_dim3A_282, %log3A_289 : vector<16x1xf32>
    %jit3A_291 = arith.constant 0.000000e+00 : f32
    %broadcast_in_dim3A_292 = vector.broadcast %jit3A_291 : f32 to vector<16x16xf32>
    %select_n3A_293 = arith.select %eq3A, %dot_general3A_279, %broadcast_in_dim3A_292 : vector<16x16xi1>, vector<16x16xf32>
    %reduce_sum3A_294 = arith.constant dense<0.000000e+00> : vector<16xf32>
    %reduce_sum3A_295 = vector.multi_reduction <add>, %select_n3A_293, %reduce_sum3A_294 [1] : vector<16x16xf32> to vector<16xf32>
    %broadcast_in_dim3A_296 = vector.shape_cast %reduce_sum3A_295 : vector<16xf32> to vector<16x1xf32>
    %sub3A_297 = arith.subf %broadcast_in_dim3A_296, %add3A_290 : vector<16x1xf32>
    %reduce_sum3A_298 = vector.shape_cast %sub3A_297 : vector<16x1xf32> to vector<1x16x1xf32>
    %reduce_sum3A_299 = arith.constant dense<0.000000e+00> : vector<1xf32>
    %reduce_sum3A_300 = vector.multi_reduction <add>, %reduce_sum3A_298, %reduce_sum3A_299 [1, 2] : vector<1x16x1xf32> to vector<1xf32>
    %reduce_sum3A_301 = vector.shape_cast %reduce_sum3A_300 : vector<1xf32> to vector<1x1x1xf32>
    %reduce_sum3A_302 = vector.extract %reduce_sum3A_301[0, 0, 0] : f32 from vector<1x1x1xf32>
    %add3A_303 = arith.addf %add3A_250, %reduce_sum3A_302 : f32
    %ge3A_304 = vector.broadcast %broadcast_in_dim3A_282 : vector<16x1xf32> to vector<16x16xf32>
    %ge3A_305 = arith.cmpf oge, %dot_general3A_279, %ge3A_304 : vector<16x16xf32>
    %jit3A_306 = arith.constant 16 : i32
    %broadcast_in_dim3A_307 = vector.broadcast %jit3A_306 : i32 to vector<16x16xi32>
    %select_n3A_308 = arith.select %ge3A_305, %iota3A, %broadcast_in_dim3A_307 : vector<16x16xi1>, vector<16x16xi32>
    %reduce_min3A_309 = arith.constant dense<2147483647> : vector<16xi32>
    %reduce_min3A_310 = vector.multi_reduction <minsi>, %select_n3A_308, %reduce_min3A_309 [1] : vector<16x16xi32> to vector<16xi32>
    %broadcast_in_dim3A_311 = vector.shape_cast %reduce_min3A_310 : vector<16xi32> to vector<16x1xi32>
    %iota3A_312 = tpu.iota {dimensions = array<i32: 0>} : vector<16x1xi32>
    %eq3A_313 = arith.cmpi eq, %broadcast_in_dim3A_311, %iota3A_312 : vector<16x1xi32>
    %convert_element_type3A_314 = arith.extui %eq3A_313 : vector<16x1xi1> to vector<16x1xi32>
    %convert_element_type3A_315 = arith.sitofp %convert_element_type3A_314 : vector<16x1xi32> to vector<16x1xf32>
    %reduce_sum3A_316 = vector.shape_cast %convert_element_type3A_315 : vector<16x1xf32> to vector<1x16x1xf32>
    %reduce_sum3A_317 = arith.constant dense<0.000000e+00> : vector<1xf32>
    %reduce_sum3A_318 = vector.multi_reduction <add>, %reduce_sum3A_316, %reduce_sum3A_317 [1, 2] : vector<1x16x1xf32> to vector<1xf32>
    %reduce_sum3A_319 = vector.shape_cast %reduce_sum3A_318 : vector<1xf32> to vector<1x1x1xf32>
    %reduce_sum3A_320 = vector.extract %reduce_sum3A_319[0, 0, 0] : f32 from vector<1x1x1xf32>
    %add3A_321 = arith.addf %add3A_268, %reduce_sum3A_320 : f32
    %get3A_322 = arith.constant 6 : index
    %get3A_323 = arith.constant 0 : index
    %get3A_324 = arith.constant 0 : index
    %get3A_325 = vector.load %arg3[%get3A_322, %get3A_323, %get3A_324] : memref<16x128x256xf32, #tpu.memory_space<vmem>>, vector<1x128x256xf32>
    %get3A_326 = vector.shape_cast %get3A_325 : vector<1x128x256xf32> to vector<128x256xf32>
    %dot_general3A_327 = arith.constant dense<0.000000e+00> : vector<16x256xf32>
    %dot_general3A_328 = tpu.matmul %concatenate3A, %get3A_326, %dot_general3A_327 {dimension_numbers = #tpu.dot_dimension_numbers<[1], [0], [0], [1], [0, 0, 1, 1], [], []>, transpose_lhs_hint = false} : vector<16x128xf32>, vector<128x256xf32>, vector<16x256xf32> -> vector<16x256xf32>
    %slice3A_329 = vector.extract_strided_slice %get3A_14 {offsets = [0, 6, 0], sizes = [16, 1, 256], strides = [1, 1, 1]} : vector<16x16x256xf32> to vector<16x1x256xf32>
    %squeeze3A_330 = vector.shape_cast %slice3A_329 : vector<16x1x256xf32> to vector<16x256xf32>
    %dot_general3A_331 = arith.constant dense<0.000000e+00> : vector<16x16xf32>
    %dot_general3A_332 = tpu.matmul %dot_general3A_328, %squeeze3A_330, %dot_general3A_331 {dimension_numbers = #tpu.dot_dimension_numbers<[1], [1], [0], [0], [0, 0, 1, 0], [], []>, transpose_lhs_hint = false} : vector<16x256xf32>, vector<16x256xf32>, vector<16x16xf32> -> vector<16x16xf32>
    %reduce_max3A_333 = arith.constant dense<0xFF800000> : vector<16xf32>
    %reduce_max3A_334 = vector.multi_reduction <maximumf>, %dot_general3A_332, %reduce_max3A_333 [1] : vector<16x16xf32> to vector<16xf32>
    %broadcast_in_dim3A_335 = vector.shape_cast %reduce_max3A_334 : vector<16xf32> to vector<16x1xf32>
    %sub3A_336 = vector.broadcast %broadcast_in_dim3A_335 : vector<16x1xf32> to vector<16x16xf32>
    %sub3A_337 = arith.subf %dot_general3A_332, %sub3A_336 : vector<16x16xf32>
    %exp3A_338 = math.exp %sub3A_337 : vector<16x16xf32>
    %reduce_sum3A_339 = arith.constant dense<0.000000e+00> : vector<16xf32>
    %reduce_sum3A_340 = vector.multi_reduction <add>, %exp3A_338, %reduce_sum3A_339 [1] : vector<16x16xf32> to vector<16xf32>
    %broadcast_in_dim3A_341 = vector.shape_cast %reduce_sum3A_340 : vector<16xf32> to vector<16x1xf32>
    %log3A_342 = math.log %broadcast_in_dim3A_341 : vector<16x1xf32>
    %add3A_343 = arith.addf %broadcast_in_dim3A_335, %log3A_342 : vector<16x1xf32>
    %jit3A_344 = arith.constant 0.000000e+00 : f32
    %broadcast_in_dim3A_345 = vector.broadcast %jit3A_344 : f32 to vector<16x16xf32>
    %select_n3A_346 = arith.select %eq3A, %dot_general3A_332, %broadcast_in_dim3A_345 : vector<16x16xi1>, vector<16x16xf32>
    %reduce_sum3A_347 = arith.constant dense<0.000000e+00> : vector<16xf32>
    %reduce_sum3A_348 = vector.multi_reduction <add>, %select_n3A_346, %reduce_sum3A_347 [1] : vector<16x16xf32> to vector<16xf32>
    %broadcast_in_dim3A_349 = vector.shape_cast %reduce_sum3A_348 : vector<16xf32> to vector<16x1xf32>
    %sub3A_350 = arith.subf %broadcast_in_dim3A_349, %add3A_343 : vector<16x1xf32>
    %reduce_sum3A_351 = vector.shape_cast %sub3A_350 : vector<16x1xf32> to vector<1x16x1xf32>
    %reduce_sum3A_352 = arith.constant dense<0.000000e+00> : vector<1xf32>
    %reduce_sum3A_353 = vector.multi_reduction <add>, %reduce_sum3A_351, %reduce_sum3A_352 [1, 2] : vector<1x16x1xf32> to vector<1xf32>
    %reduce_sum3A_354 = vector.shape_cast %reduce_sum3A_353 : vector<1xf32> to vector<1x1x1xf32>
    %reduce_sum3A_355 = vector.extract %reduce_sum3A_354[0, 0, 0] : f32 from vector<1x1x1xf32>
    %add3A_356 = arith.addf %add3A_303, %reduce_sum3A_355 : f32
    %ge3A_357 = vector.broadcast %broadcast_in_dim3A_335 : vector<16x1xf32> to vector<16x16xf32>
    %ge3A_358 = arith.cmpf oge, %dot_general3A_332, %ge3A_357 : vector<16x16xf32>
    %jit3A_359 = arith.constant 16 : i32
    %broadcast_in_dim3A_360 = vector.broadcast %jit3A_359 : i32 to vector<16x16xi32>
    %select_n3A_361 = arith.select %ge3A_358, %iota3A, %broadcast_in_dim3A_360 : vector<16x16xi1>, vector<16x16xi32>
    %reduce_min3A_362 = arith.constant dense<2147483647> : vector<16xi32>
    %reduce_min3A_363 = vector.multi_reduction <minsi>, %select_n3A_361, %reduce_min3A_362 [1] : vector<16x16xi32> to vector<16xi32>
    %broadcast_in_dim3A_364 = vector.shape_cast %reduce_min3A_363 : vector<16xi32> to vector<16x1xi32>
    %iota3A_365 = tpu.iota {dimensions = array<i32: 0>} : vector<16x1xi32>
    %eq3A_366 = arith.cmpi eq, %broadcast_in_dim3A_364, %iota3A_365 : vector<16x1xi32>
    %convert_element_type3A_367 = arith.extui %eq3A_366 : vector<16x1xi1> to vector<16x1xi32>
    %convert_element_type3A_368 = arith.sitofp %convert_element_type3A_367 : vector<16x1xi32> to vector<16x1xf32>
    %reduce_sum3A_369 = vector.shape_cast %convert_element_type3A_368 : vector<16x1xf32> to vector<1x16x1xf32>
    %reduce_sum3A_370 = arith.constant dense<0.000000e+00> : vector<1xf32>
    %reduce_sum3A_371 = vector.multi_reduction <add>, %reduce_sum3A_369, %reduce_sum3A_370 [1, 2] : vector<1x16x1xf32> to vector<1xf32>
    %reduce_sum3A_372 = vector.shape_cast %reduce_sum3A_371 : vector<1xf32> to vector<1x1x1xf32>
    %reduce_sum3A_373 = vector.extract %reduce_sum3A_372[0, 0, 0] : f32 from vector<1x1x1xf32>
    %add3A_374 = arith.addf %add3A_321, %reduce_sum3A_373 : f32
    %get3A_375 = arith.constant 7 : index
    %get3A_376 = arith.constant 0 : index
    %get3A_377 = arith.constant 0 : index
    %get3A_378 = vector.load %arg3[%get3A_375, %get3A_376, %get3A_377] : memref<16x128x256xf32, #tpu.memory_space<vmem>>, vector<1x128x256xf32>
    %get3A_379 = vector.shape_cast %get3A_378 : vector<1x128x256xf32> to vector<128x256xf32>
    %dot_general3A_380 = arith.constant dense<0.000000e+00> : vector<16x256xf32>
    %dot_general3A_381 = tpu.matmul %concatenate3A, %get3A_379, %dot_general3A_380 {dimension_numbers = #tpu.dot_dimension_numbers<[1], [0], [0], [1], [0, 0, 1, 1], [], []>, transpose_lhs_hint = false} : vector<16x128xf32>, vector<128x256xf32>, vector<16x256xf32> -> vector<16x256xf32>
    %slice3A_382 = vector.extract_strided_slice %get3A_14 {offsets = [0, 7, 0], sizes = [16, 1, 256], strides = [1, 1, 1]} : vector<16x16x256xf32> to vector<16x1x256xf32>
    %squeeze3A_383 = vector.shape_cast %slice3A_382 : vector<16x1x256xf32> to vector<16x256xf32>
    %dot_general3A_384 = arith.constant dense<0.000000e+00> : vector<16x16xf32>
    %dot_general3A_385 = tpu.matmul %dot_general3A_381, %squeeze3A_383, %dot_general3A_384 {dimension_numbers = #tpu.dot_dimension_numbers<[1], [1], [0], [0], [0, 0, 1, 0], [], []>, transpose_lhs_hint = false} : vector<16x256xf32>, vector<16x256xf32>, vector<16x16xf32> -> vector<16x16xf32>
    %reduce_max3A_386 = arith.constant dense<0xFF800000> : vector<16xf32>
    %reduce_max3A_387 = vector.multi_reduction <maximumf>, %dot_general3A_385, %reduce_max3A_386 [1] : vector<16x16xf32> to vector<16xf32>
    %broadcast_in_dim3A_388 = vector.shape_cast %reduce_max3A_387 : vector<16xf32> to vector<16x1xf32>
    %sub3A_389 = vector.broadcast %broadcast_in_dim3A_388 : vector<16x1xf32> to vector<16x16xf32>
    %sub3A_390 = arith.subf %dot_general3A_385, %sub3A_389 : vector<16x16xf32>
    %exp3A_391 = math.exp %sub3A_390 : vector<16x16xf32>
    %reduce_sum3A_392 = arith.constant dense<0.000000e+00> : vector<16xf32>
    %reduce_sum3A_393 = vector.multi_reduction <add>, %exp3A_391, %reduce_sum3A_392 [1] : vector<16x16xf32> to vector<16xf32>
    %broadcast_in_dim3A_394 = vector.shape_cast %reduce_sum3A_393 : vector<16xf32> to vector<16x1xf32>
    %log3A_395 = math.log %broadcast_in_dim3A_394 : vector<16x1xf32>
    %add3A_396 = arith.addf %broadcast_in_dim3A_388, %log3A_395 : vector<16x1xf32>
    %jit3A_397 = arith.constant 0.000000e+00 : f32
    %broadcast_in_dim3A_398 = vector.broadcast %jit3A_397 : f32 to vector<16x16xf32>
    %select_n3A_399 = arith.select %eq3A, %dot_general3A_385, %broadcast_in_dim3A_398 : vector<16x16xi1>, vector<16x16xf32>
    %reduce_sum3A_400 = arith.constant dense<0.000000e+00> : vector<16xf32>
    %reduce_sum3A_401 = vector.multi_reduction <add>, %select_n3A_399, %reduce_sum3A_400 [1] : vector<16x16xf32> to vector<16xf32>
    %broadcast_in_dim3A_402 = vector.shape_cast %reduce_sum3A_401 : vector<16xf32> to vector<16x1xf32>
    %sub3A_403 = arith.subf %broadcast_in_dim3A_402, %add3A_396 : vector<16x1xf32>
    %reduce_sum3A_404 = vector.shape_cast %sub3A_403 : vector<16x1xf32> to vector<1x16x1xf32>
    %reduce_sum3A_405 = arith.constant dense<0.000000e+00> : vector<1xf32>
    %reduce_sum3A_406 = vector.multi_reduction <add>, %reduce_sum3A_404, %reduce_sum3A_405 [1, 2] : vector<1x16x1xf32> to vector<1xf32>
    %reduce_sum3A_407 = vector.shape_cast %reduce_sum3A_406 : vector<1xf32> to vector<1x1x1xf32>
    %reduce_sum3A_408 = vector.extract %reduce_sum3A_407[0, 0, 0] : f32 from vector<1x1x1xf32>
    %add3A_409 = arith.addf %add3A_356, %reduce_sum3A_408 : f32
    %ge3A_410 = vector.broadcast %broadcast_in_dim3A_388 : vector<16x1xf32> to vector<16x16xf32>
    %ge3A_411 = arith.cmpf oge, %dot_general3A_385, %ge3A_410 : vector<16x16xf32>
    %jit3A_412 = arith.constant 16 : i32
    %broadcast_in_dim3A_413 = vector.broadcast %jit3A_412 : i32 to vector<16x16xi32>
    %select_n3A_414 = arith.select %ge3A_411, %iota3A, %broadcast_in_dim3A_413 : vector<16x16xi1>, vector<16x16xi32>
    %reduce_min3A_415 = arith.constant dense<2147483647> : vector<16xi32>
    %reduce_min3A_416 = vector.multi_reduction <minsi>, %select_n3A_414, %reduce_min3A_415 [1] : vector<16x16xi32> to vector<16xi32>
    %broadcast_in_dim3A_417 = vector.shape_cast %reduce_min3A_416 : vector<16xi32> to vector<16x1xi32>
    %iota3A_418 = tpu.iota {dimensions = array<i32: 0>} : vector<16x1xi32>
    %eq3A_419 = arith.cmpi eq, %broadcast_in_dim3A_417, %iota3A_418 : vector<16x1xi32>
    %convert_element_type3A_420 = arith.extui %eq3A_419 : vector<16x1xi1> to vector<16x1xi32>
    %convert_element_type3A_421 = arith.sitofp %convert_element_type3A_420 : vector<16x1xi32> to vector<16x1xf32>
    %reduce_sum3A_422 = vector.shape_cast %convert_element_type3A_421 : vector<16x1xf32> to vector<1x16x1xf32>
    %reduce_sum3A_423 = arith.constant dense<0.000000e+00> : vector<1xf32>
    %reduce_sum3A_424 = vector.multi_reduction <add>, %reduce_sum3A_422, %reduce_sum3A_423 [1, 2] : vector<1x16x1xf32> to vector<1xf32>
    %reduce_sum3A_425 = vector.shape_cast %reduce_sum3A_424 : vector<1xf32> to vector<1x1x1xf32>
    %reduce_sum3A_426 = vector.extract %reduce_sum3A_425[0, 0, 0] : f32 from vector<1x1x1xf32>
    %add3A_427 = arith.addf %add3A_374, %reduce_sum3A_426 : f32
    %get3A_428 = arith.constant 8 : index
    %get3A_429 = arith.constant 0 : index
    %get3A_430 = arith.constant 0 : index
    %get3A_431 = vector.load %arg3[%get3A_428, %get3A_429, %get3A_430] : memref<16x128x256xf32, #tpu.memory_space<vmem>>, vector<1x128x256xf32>
    %get3A_432 = vector.shape_cast %get3A_431 : vector<1x128x256xf32> to vector<128x256xf32>
    %dot_general3A_433 = arith.constant dense<0.000000e+00> : vector<16x256xf32>
    %dot_general3A_434 = tpu.matmul %concatenate3A, %get3A_432, %dot_general3A_433 {dimension_numbers = #tpu.dot_dimension_numbers<[1], [0], [0], [1], [0, 0, 1, 1], [], []>, transpose_lhs_hint = false} : vector<16x128xf32>, vector<128x256xf32>, vector<16x256xf32> -> vector<16x256xf32>
    %slice3A_435 = vector.extract_strided_slice %get3A_14 {offsets = [0, 8, 0], sizes = [16, 1, 256], strides = [1, 1, 1]} : vector<16x16x256xf32> to vector<16x1x256xf32>
    %squeeze3A_436 = vector.shape_cast %slice3A_435 : vector<16x1x256xf32> to vector<16x256xf32>
    %dot_general3A_437 = arith.constant dense<0.000000e+00> : vector<16x16xf32>
    %dot_general3A_438 = tpu.matmul %dot_general3A_434, %squeeze3A_436, %dot_general3A_437 {dimension_numbers = #tpu.dot_dimension_numbers<[1], [1], [0], [0], [0, 0, 1, 0], [], []>, transpose_lhs_hint = false} : vector<16x256xf32>, vector<16x256xf32>, vector<16x16xf32> -> vector<16x16xf32>
    %reduce_max3A_439 = arith.constant dense<0xFF800000> : vector<16xf32>
    %reduce_max3A_440 = vector.multi_reduction <maximumf>, %dot_general3A_438, %reduce_max3A_439 [1] : vector<16x16xf32> to vector<16xf32>
    %broadcast_in_dim3A_441 = vector.shape_cast %reduce_max3A_440 : vector<16xf32> to vector<16x1xf32>
    %sub3A_442 = vector.broadcast %broadcast_in_dim3A_441 : vector<16x1xf32> to vector<16x16xf32>
    %sub3A_443 = arith.subf %dot_general3A_438, %sub3A_442 : vector<16x16xf32>
    %exp3A_444 = math.exp %sub3A_443 : vector<16x16xf32>
    %reduce_sum3A_445 = arith.constant dense<0.000000e+00> : vector<16xf32>
    %reduce_sum3A_446 = vector.multi_reduction <add>, %exp3A_444, %reduce_sum3A_445 [1] : vector<16x16xf32> to vector<16xf32>
    %broadcast_in_dim3A_447 = vector.shape_cast %reduce_sum3A_446 : vector<16xf32> to vector<16x1xf32>
    %log3A_448 = math.log %broadcast_in_dim3A_447 : vector<16x1xf32>
    %add3A_449 = arith.addf %broadcast_in_dim3A_441, %log3A_448 : vector<16x1xf32>
    %jit3A_450 = arith.constant 0.000000e+00 : f32
    %broadcast_in_dim3A_451 = vector.broadcast %jit3A_450 : f32 to vector<16x16xf32>
    %select_n3A_452 = arith.select %eq3A, %dot_general3A_438, %broadcast_in_dim3A_451 : vector<16x16xi1>, vector<16x16xf32>
    %reduce_sum3A_453 = arith.constant dense<0.000000e+00> : vector<16xf32>
    %reduce_sum3A_454 = vector.multi_reduction <add>, %select_n3A_452, %reduce_sum3A_453 [1] : vector<16x16xf32> to vector<16xf32>
    %broadcast_in_dim3A_455 = vector.shape_cast %reduce_sum3A_454 : vector<16xf32> to vector<16x1xf32>
    %sub3A_456 = arith.subf %broadcast_in_dim3A_455, %add3A_449 : vector<16x1xf32>
    %reduce_sum3A_457 = vector.shape_cast %sub3A_456 : vector<16x1xf32> to vector<1x16x1xf32>
    %reduce_sum3A_458 = arith.constant dense<0.000000e+00> : vector<1xf32>
    %reduce_sum3A_459 = vector.multi_reduction <add>, %reduce_sum3A_457, %reduce_sum3A_458 [1, 2] : vector<1x16x1xf32> to vector<1xf32>
    %reduce_sum3A_460 = vector.shape_cast %reduce_sum3A_459 : vector<1xf32> to vector<1x1x1xf32>
    %reduce_sum3A_461 = vector.extract %reduce_sum3A_460[0, 0, 0] : f32 from vector<1x1x1xf32>
    %add3A_462 = arith.addf %add3A_409, %reduce_sum3A_461 : f32
    %ge3A_463 = vector.broadcast %broadcast_in_dim3A_441 : vector<16x1xf32> to vector<16x16xf32>
    %ge3A_464 = arith.cmpf oge, %dot_general3A_438, %ge3A_463 : vector<16x16xf32>
    %jit3A_465 = arith.constant 16 : i32
    %broadcast_in_dim3A_466 = vector.broadcast %jit3A_465 : i32 to vector<16x16xi32>
    %select_n3A_467 = arith.select %ge3A_464, %iota3A, %broadcast_in_dim3A_466 : vector<16x16xi1>, vector<16x16xi32>
    %reduce_min3A_468 = arith.constant dense<2147483647> : vector<16xi32>
    %reduce_min3A_469 = vector.multi_reduction <minsi>, %select_n3A_467, %reduce_min3A_468 [1] : vector<16x16xi32> to vector<16xi32>
    %broadcast_in_dim3A_470 = vector.shape_cast %reduce_min3A_469 : vector<16xi32> to vector<16x1xi32>
    %iota3A_471 = tpu.iota {dimensions = array<i32: 0>} : vector<16x1xi32>
    %eq3A_472 = arith.cmpi eq, %broadcast_in_dim3A_470, %iota3A_471 : vector<16x1xi32>
    %convert_element_type3A_473 = arith.extui %eq3A_472 : vector<16x1xi1> to vector<16x1xi32>
    %convert_element_type3A_474 = arith.sitofp %convert_element_type3A_473 : vector<16x1xi32> to vector<16x1xf32>
    %reduce_sum3A_475 = vector.shape_cast %convert_element_type3A_474 : vector<16x1xf32> to vector<1x16x1xf32>
    %reduce_sum3A_476 = arith.constant dense<0.000000e+00> : vector<1xf32>
    %reduce_sum3A_477 = vector.multi_reduction <add>, %reduce_sum3A_475, %reduce_sum3A_476 [1, 2] : vector<1x16x1xf32> to vector<1xf32>
    %reduce_sum3A_478 = vector.shape_cast %reduce_sum3A_477 : vector<1xf32> to vector<1x1x1xf32>
    %reduce_sum3A_479 = vector.extract %reduce_sum3A_478[0, 0, 0] : f32 from vector<1x1x1xf32>
    %add3A_480 = arith.addf %add3A_427, %reduce_sum3A_479 : f32
    %get3A_481 = arith.constant 9 : index
    %get3A_482 = arith.constant 0 : index
    %get3A_483 = arith.constant 0 : index
    %get3A_484 = vector.load %arg3[%get3A_481, %get3A_482, %get3A_483] : memref<16x128x256xf32, #tpu.memory_space<vmem>>, vector<1x128x256xf32>
    %get3A_485 = vector.shape_cast %get3A_484 : vector<1x128x256xf32> to vector<128x256xf32>
    %dot_general3A_486 = arith.constant dense<0.000000e+00> : vector<16x256xf32>
    %dot_general3A_487 = tpu.matmul %concatenate3A, %get3A_485, %dot_general3A_486 {dimension_numbers = #tpu.dot_dimension_numbers<[1], [0], [0], [1], [0, 0, 1, 1], [], []>, transpose_lhs_hint = false} : vector<16x128xf32>, vector<128x256xf32>, vector<16x256xf32> -> vector<16x256xf32>
    %slice3A_488 = vector.extract_strided_slice %get3A_14 {offsets = [0, 9, 0], sizes = [16, 1, 256], strides = [1, 1, 1]} : vector<16x16x256xf32> to vector<16x1x256xf32>
    %squeeze3A_489 = vector.shape_cast %slice3A_488 : vector<16x1x256xf32> to vector<16x256xf32>
    %dot_general3A_490 = arith.constant dense<0.000000e+00> : vector<16x16xf32>
    %dot_general3A_491 = tpu.matmul %dot_general3A_487, %squeeze3A_489, %dot_general3A_490 {dimension_numbers = #tpu.dot_dimension_numbers<[1], [1], [0], [0], [0, 0, 1, 0], [], []>, transpose_lhs_hint = false} : vector<16x256xf32>, vector<16x256xf32>, vector<16x16xf32> -> vector<16x16xf32>
    %reduce_max3A_492 = arith.constant dense<0xFF800000> : vector<16xf32>
    %reduce_max3A_493 = vector.multi_reduction <maximumf>, %dot_general3A_491, %reduce_max3A_492 [1] : vector<16x16xf32> to vector<16xf32>
    %broadcast_in_dim3A_494 = vector.shape_cast %reduce_max3A_493 : vector<16xf32> to vector<16x1xf32>
    %sub3A_495 = vector.broadcast %broadcast_in_dim3A_494 : vector<16x1xf32> to vector<16x16xf32>
    %sub3A_496 = arith.subf %dot_general3A_491, %sub3A_495 : vector<16x16xf32>
    %exp3A_497 = math.exp %sub3A_496 : vector<16x16xf32>
    %reduce_sum3A_498 = arith.constant dense<0.000000e+00> : vector<16xf32>
    %reduce_sum3A_499 = vector.multi_reduction <add>, %exp3A_497, %reduce_sum3A_498 [1] : vector<16x16xf32> to vector<16xf32>
    %broadcast_in_dim3A_500 = vector.shape_cast %reduce_sum3A_499 : vector<16xf32> to vector<16x1xf32>
    %log3A_501 = math.log %broadcast_in_dim3A_500 : vector<16x1xf32>
    %add3A_502 = arith.addf %broadcast_in_dim3A_494, %log3A_501 : vector<16x1xf32>
    %jit3A_503 = arith.constant 0.000000e+00 : f32
    %broadcast_in_dim3A_504 = vector.broadcast %jit3A_503 : f32 to vector<16x16xf32>
    %select_n3A_505 = arith.select %eq3A, %dot_general3A_491, %broadcast_in_dim3A_504 : vector<16x16xi1>, vector<16x16xf32>
    %reduce_sum3A_506 = arith.constant dense<0.000000e+00> : vector<16xf32>
    %reduce_sum3A_507 = vector.multi_reduction <add>, %select_n3A_505, %reduce_sum3A_506 [1] : vector<16x16xf32> to vector<16xf32>
    %broadcast_in_dim3A_508 = vector.shape_cast %reduce_sum3A_507 : vector<16xf32> to vector<16x1xf32>
    %sub3A_509 = arith.subf %broadcast_in_dim3A_508, %add3A_502 : vector<16x1xf32>
    %reduce_sum3A_510 = vector.shape_cast %sub3A_509 : vector<16x1xf32> to vector<1x16x1xf32>
    %reduce_sum3A_511 = arith.constant dense<0.000000e+00> : vector<1xf32>
    %reduce_sum3A_512 = vector.multi_reduction <add>, %reduce_sum3A_510, %reduce_sum3A_511 [1, 2] : vector<1x16x1xf32> to vector<1xf32>
    %reduce_sum3A_513 = vector.shape_cast %reduce_sum3A_512 : vector<1xf32> to vector<1x1x1xf32>
    %reduce_sum3A_514 = vector.extract %reduce_sum3A_513[0, 0, 0] : f32 from vector<1x1x1xf32>
    %add3A_515 = arith.addf %add3A_462, %reduce_sum3A_514 : f32
    %ge3A_516 = vector.broadcast %broadcast_in_dim3A_494 : vector<16x1xf32> to vector<16x16xf32>
    %ge3A_517 = arith.cmpf oge, %dot_general3A_491, %ge3A_516 : vector<16x16xf32>
    %jit3A_518 = arith.constant 16 : i32
    %broadcast_in_dim3A_519 = vector.broadcast %jit3A_518 : i32 to vector<16x16xi32>
    %select_n3A_520 = arith.select %ge3A_517, %iota3A, %broadcast_in_dim3A_519 : vector<16x16xi1>, vector<16x16xi32>
    %reduce_min3A_521 = arith.constant dense<2147483647> : vector<16xi32>
    %reduce_min3A_522 = vector.multi_reduction <minsi>, %select_n3A_520, %reduce_min3A_521 [1] : vector<16x16xi32> to vector<16xi32>
    %broadcast_in_dim3A_523 = vector.shape_cast %reduce_min3A_522 : vector<16xi32> to vector<16x1xi32>
    %iota3A_524 = tpu.iota {dimensions = array<i32: 0>} : vector<16x1xi32>
    %eq3A_525 = arith.cmpi eq, %broadcast_in_dim3A_523, %iota3A_524 : vector<16x1xi32>
    %convert_element_type3A_526 = arith.extui %eq3A_525 : vector<16x1xi1> to vector<16x1xi32>
    %convert_element_type3A_527 = arith.sitofp %convert_element_type3A_526 : vector<16x1xi32> to vector<16x1xf32>
    %reduce_sum3A_528 = vector.shape_cast %convert_element_type3A_527 : vector<16x1xf32> to vector<1x16x1xf32>
    %reduce_sum3A_529 = arith.constant dense<0.000000e+00> : vector<1xf32>
    %reduce_sum3A_530 = vector.multi_reduction <add>, %reduce_sum3A_528, %reduce_sum3A_529 [1, 2] : vector<1x16x1xf32> to vector<1xf32>
    %reduce_sum3A_531 = vector.shape_cast %reduce_sum3A_530 : vector<1xf32> to vector<1x1x1xf32>
    %reduce_sum3A_532 = vector.extract %reduce_sum3A_531[0, 0, 0] : f32 from vector<1x1x1xf32>
    %add3A_533 = arith.addf %add3A_480, %reduce_sum3A_532 : f32
    %get3A_534 = arith.constant 10 : index
    %get3A_535 = arith.constant 0 : index
    %get3A_536 = arith.constant 0 : index
    %get3A_537 = vector.load %arg3[%get3A_534, %get3A_535, %get3A_536] : memref<16x128x256xf32, #tpu.memory_space<vmem>>, vector<1x128x256xf32>
    %get3A_538 = vector.shape_cast %get3A_537 : vector<1x128x256xf32> to vector<128x256xf32>
    %dot_general3A_539 = arith.constant dense<0.000000e+00> : vector<16x256xf32>
    %dot_general3A_540 = tpu.matmul %concatenate3A, %get3A_538, %dot_general3A_539 {dimension_numbers = #tpu.dot_dimension_numbers<[1], [0], [0], [1], [0, 0, 1, 1], [], []>, transpose_lhs_hint = false} : vector<16x128xf32>, vector<128x256xf32>, vector<16x256xf32> -> vector<16x256xf32>
    %slice3A_541 = vector.extract_strided_slice %get3A_14 {offsets = [0, 10, 0], sizes = [16, 1, 256], strides = [1, 1, 1]} : vector<16x16x256xf32> to vector<16x1x256xf32>
    %squeeze3A_542 = vector.shape_cast %slice3A_541 : vector<16x1x256xf32> to vector<16x256xf32>
    %dot_general3A_543 = arith.constant dense<0.000000e+00> : vector<16x16xf32>
    %dot_general3A_544 = tpu.matmul %dot_general3A_540, %squeeze3A_542, %dot_general3A_543 {dimension_numbers = #tpu.dot_dimension_numbers<[1], [1], [0], [0], [0, 0, 1, 0], [], []>, transpose_lhs_hint = false} : vector<16x256xf32>, vector<16x256xf32>, vector<16x16xf32> -> vector<16x16xf32>
    %reduce_max3A_545 = arith.constant dense<0xFF800000> : vector<16xf32>
    %reduce_max3A_546 = vector.multi_reduction <maximumf>, %dot_general3A_544, %reduce_max3A_545 [1] : vector<16x16xf32> to vector<16xf32>
    %broadcast_in_dim3A_547 = vector.shape_cast %reduce_max3A_546 : vector<16xf32> to vector<16x1xf32>
    %sub3A_548 = vector.broadcast %broadcast_in_dim3A_547 : vector<16x1xf32> to vector<16x16xf32>
    %sub3A_549 = arith.subf %dot_general3A_544, %sub3A_548 : vector<16x16xf32>
    %exp3A_550 = math.exp %sub3A_549 : vector<16x16xf32>
    %reduce_sum3A_551 = arith.constant dense<0.000000e+00> : vector<16xf32>
    %reduce_sum3A_552 = vector.multi_reduction <add>, %exp3A_550, %reduce_sum3A_551 [1] : vector<16x16xf32> to vector<16xf32>
    %broadcast_in_dim3A_553 = vector.shape_cast %reduce_sum3A_552 : vector<16xf32> to vector<16x1xf32>
    %log3A_554 = math.log %broadcast_in_dim3A_553 : vector<16x1xf32>
    %add3A_555 = arith.addf %broadcast_in_dim3A_547, %log3A_554 : vector<16x1xf32>
    %jit3A_556 = arith.constant 0.000000e+00 : f32
    %broadcast_in_dim3A_557 = vector.broadcast %jit3A_556 : f32 to vector<16x16xf32>
    %select_n3A_558 = arith.select %eq3A, %dot_general3A_544, %broadcast_in_dim3A_557 : vector<16x16xi1>, vector<16x16xf32>
    %reduce_sum3A_559 = arith.constant dense<0.000000e+00> : vector<16xf32>
    %reduce_sum3A_560 = vector.multi_reduction <add>, %select_n3A_558, %reduce_sum3A_559 [1] : vector<16x16xf32> to vector<16xf32>
    %broadcast_in_dim3A_561 = vector.shape_cast %reduce_sum3A_560 : vector<16xf32> to vector<16x1xf32>
    %sub3A_562 = arith.subf %broadcast_in_dim3A_561, %add3A_555 : vector<16x1xf32>
    %reduce_sum3A_563 = vector.shape_cast %sub3A_562 : vector<16x1xf32> to vector<1x16x1xf32>
    %reduce_sum3A_564 = arith.constant dense<0.000000e+00> : vector<1xf32>
    %reduce_sum3A_565 = vector.multi_reduction <add>, %reduce_sum3A_563, %reduce_sum3A_564 [1, 2] : vector<1x16x1xf32> to vector<1xf32>
    %reduce_sum3A_566 = vector.shape_cast %reduce_sum3A_565 : vector<1xf32> to vector<1x1x1xf32>
    %reduce_sum3A_567 = vector.extract %reduce_sum3A_566[0, 0, 0] : f32 from vector<1x1x1xf32>
    %add3A_568 = arith.addf %add3A_515, %reduce_sum3A_567 : f32
    %ge3A_569 = vector.broadcast %broadcast_in_dim3A_547 : vector<16x1xf32> to vector<16x16xf32>
    %ge3A_570 = arith.cmpf oge, %dot_general3A_544, %ge3A_569 : vector<16x16xf32>
    %jit3A_571 = arith.constant 16 : i32
    %broadcast_in_dim3A_572 = vector.broadcast %jit3A_571 : i32 to vector<16x16xi32>
    %select_n3A_573 = arith.select %ge3A_570, %iota3A, %broadcast_in_dim3A_572 : vector<16x16xi1>, vector<16x16xi32>
    %reduce_min3A_574 = arith.constant dense<2147483647> : vector<16xi32>
    %reduce_min3A_575 = vector.multi_reduction <minsi>, %select_n3A_573, %reduce_min3A_574 [1] : vector<16x16xi32> to vector<16xi32>
    %broadcast_in_dim3A_576 = vector.shape_cast %reduce_min3A_575 : vector<16xi32> to vector<16x1xi32>
    %iota3A_577 = tpu.iota {dimensions = array<i32: 0>} : vector<16x1xi32>
    %eq3A_578 = arith.cmpi eq, %broadcast_in_dim3A_576, %iota3A_577 : vector<16x1xi32>
    %convert_element_type3A_579 = arith.extui %eq3A_578 : vector<16x1xi1> to vector<16x1xi32>
    %convert_element_type3A_580 = arith.sitofp %convert_element_type3A_579 : vector<16x1xi32> to vector<16x1xf32>
    %reduce_sum3A_581 = vector.shape_cast %convert_element_type3A_580 : vector<16x1xf32> to vector<1x16x1xf32>
    %reduce_sum3A_582 = arith.constant dense<0.000000e+00> : vector<1xf32>
    %reduce_sum3A_583 = vector.multi_reduction <add>, %reduce_sum3A_581, %reduce_sum3A_582 [1, 2] : vector<1x16x1xf32> to vector<1xf32>
    %reduce_sum3A_584 = vector.shape_cast %reduce_sum3A_583 : vector<1xf32> to vector<1x1x1xf32>
    %reduce_sum3A_585 = vector.extract %reduce_sum3A_584[0, 0, 0] : f32 from vector<1x1x1xf32>
    %add3A_586 = arith.addf %add3A_533, %reduce_sum3A_585 : f32
    %get3A_587 = arith.constant 11 : index
    %get3A_588 = arith.constant 0 : index
    %get3A_589 = arith.constant 0 : index
    %get3A_590 = vector.load %arg3[%get3A_587, %get3A_588, %get3A_589] : memref<16x128x256xf32, #tpu.memory_space<vmem>>, vector<1x128x256xf32>
    %get3A_591 = vector.shape_cast %get3A_590 : vector<1x128x256xf32> to vector<128x256xf32>
    %dot_general3A_592 = arith.constant dense<0.000000e+00> : vector<16x256xf32>
    %dot_general3A_593 = tpu.matmul %concatenate3A, %get3A_591, %dot_general3A_592 {dimension_numbers = #tpu.dot_dimension_numbers<[1], [0], [0], [1], [0, 0, 1, 1], [], []>, transpose_lhs_hint = false} : vector<16x128xf32>, vector<128x256xf32>, vector<16x256xf32> -> vector<16x256xf32>
    %slice3A_594 = vector.extract_strided_slice %get3A_14 {offsets = [0, 11, 0], sizes = [16, 1, 256], strides = [1, 1, 1]} : vector<16x16x256xf32> to vector<16x1x256xf32>
    %squeeze3A_595 = vector.shape_cast %slice3A_594 : vector<16x1x256xf32> to vector<16x256xf32>
    %dot_general3A_596 = arith.constant dense<0.000000e+00> : vector<16x16xf32>
    %dot_general3A_597 = tpu.matmul %dot_general3A_593, %squeeze3A_595, %dot_general3A_596 {dimension_numbers = #tpu.dot_dimension_numbers<[1], [1], [0], [0], [0, 0, 1, 0], [], []>, transpose_lhs_hint = false} : vector<16x256xf32>, vector<16x256xf32>, vector<16x16xf32> -> vector<16x16xf32>
    %reduce_max3A_598 = arith.constant dense<0xFF800000> : vector<16xf32>
    %reduce_max3A_599 = vector.multi_reduction <maximumf>, %dot_general3A_597, %reduce_max3A_598 [1] : vector<16x16xf32> to vector<16xf32>
    %broadcast_in_dim3A_600 = vector.shape_cast %reduce_max3A_599 : vector<16xf32> to vector<16x1xf32>
    %sub3A_601 = vector.broadcast %broadcast_in_dim3A_600 : vector<16x1xf32> to vector<16x16xf32>
    %sub3A_602 = arith.subf %dot_general3A_597, %sub3A_601 : vector<16x16xf32>
    %exp3A_603 = math.exp %sub3A_602 : vector<16x16xf32>
    %reduce_sum3A_604 = arith.constant dense<0.000000e+00> : vector<16xf32>
    %reduce_sum3A_605 = vector.multi_reduction <add>, %exp3A_603, %reduce_sum3A_604 [1] : vector<16x16xf32> to vector<16xf32>
    %broadcast_in_dim3A_606 = vector.shape_cast %reduce_sum3A_605 : vector<16xf32> to vector<16x1xf32>
    %log3A_607 = math.log %broadcast_in_dim3A_606 : vector<16x1xf32>
    %add3A_608 = arith.addf %broadcast_in_dim3A_600, %log3A_607 : vector<16x1xf32>
    %jit3A_609 = arith.constant 0.000000e+00 : f32
    %broadcast_in_dim3A_610 = vector.broadcast %jit3A_609 : f32 to vector<16x16xf32>
    %select_n3A_611 = arith.select %eq3A, %dot_general3A_597, %broadcast_in_dim3A_610 : vector<16x16xi1>, vector<16x16xf32>
    %reduce_sum3A_612 = arith.constant dense<0.000000e+00> : vector<16xf32>
    %reduce_sum3A_613 = vector.multi_reduction <add>, %select_n3A_611, %reduce_sum3A_612 [1] : vector<16x16xf32> to vector<16xf32>
    %broadcast_in_dim3A_614 = vector.shape_cast %reduce_sum3A_613 : vector<16xf32> to vector<16x1xf32>
    %sub3A_615 = arith.subf %broadcast_in_dim3A_614, %add3A_608 : vector<16x1xf32>
    %reduce_sum3A_616 = vector.shape_cast %sub3A_615 : vector<16x1xf32> to vector<1x16x1xf32>
    %reduce_sum3A_617 = arith.constant dense<0.000000e+00> : vector<1xf32>
    %reduce_sum3A_618 = vector.multi_reduction <add>, %reduce_sum3A_616, %reduce_sum3A_617 [1, 2] : vector<1x16x1xf32> to vector<1xf32>
    %reduce_sum3A_619 = vector.shape_cast %reduce_sum3A_618 : vector<1xf32> to vector<1x1x1xf32>
    %reduce_sum3A_620 = vector.extract %reduce_sum3A_619[0, 0, 0] : f32 from vector<1x1x1xf32>
    %add3A_621 = arith.addf %add3A_568, %reduce_sum3A_620 : f32
    %ge3A_622 = vector.broadcast %broadcast_in_dim3A_600 : vector<16x1xf32> to vector<16x16xf32>
    %ge3A_623 = arith.cmpf oge, %dot_general3A_597, %ge3A_622 : vector<16x16xf32>
    %jit3A_624 = arith.constant 16 : i32
    %broadcast_in_dim3A_625 = vector.broadcast %jit3A_624 : i32 to vector<16x16xi32>
    %select_n3A_626 = arith.select %ge3A_623, %iota3A, %broadcast_in_dim3A_625 : vector<16x16xi1>, vector<16x16xi32>
    %reduce_min3A_627 = arith.constant dense<2147483647> : vector<16xi32>
    %reduce_min3A_628 = vector.multi_reduction <minsi>, %select_n3A_626, %reduce_min3A_627 [1] : vector<16x16xi32> to vector<16xi32>
    %broadcast_in_dim3A_629 = vector.shape_cast %reduce_min3A_628 : vector<16xi32> to vector<16x1xi32>
    %iota3A_630 = tpu.iota {dimensions = array<i32: 0>} : vector<16x1xi32>
    %eq3A_631 = arith.cmpi eq, %broadcast_in_dim3A_629, %iota3A_630 : vector<16x1xi32>
    %convert_element_type3A_632 = arith.extui %eq3A_631 : vector<16x1xi1> to vector<16x1xi32>
    %convert_element_type3A_633 = arith.sitofp %convert_element_type3A_632 : vector<16x1xi32> to vector<16x1xf32>
    %reduce_sum3A_634 = vector.shape_cast %convert_element_type3A_633 : vector<16x1xf32> to vector<1x16x1xf32>
    %reduce_sum3A_635 = arith.constant dense<0.000000e+00> : vector<1xf32>
    %reduce_sum3A_636 = vector.multi_reduction <add>, %reduce_sum3A_634, %reduce_sum3A_635 [1, 2] : vector<1x16x1xf32> to vector<1xf32>
    %reduce_sum3A_637 = vector.shape_cast %reduce_sum3A_636 : vector<1xf32> to vector<1x1x1xf32>
    %reduce_sum3A_638 = vector.extract %reduce_sum3A_637[0, 0, 0] : f32 from vector<1x1x1xf32>
    %add3A_639 = arith.addf %add3A_586, %reduce_sum3A_638 : f32
    %get3A_640 = arith.constant 12 : index
    %get3A_641 = arith.constant 0 : index
    %get3A_642 = arith.constant 0 : index
    %get3A_643 = vector.load %arg3[%get3A_640, %get3A_641, %get3A_642] : memref<16x128x256xf32, #tpu.memory_space<vmem>>, vector<1x128x256xf32>
    %get3A_644 = vector.shape_cast %get3A_643 : vector<1x128x256xf32> to vector<128x256xf32>
    %dot_general3A_645 = arith.constant dense<0.000000e+00> : vector<16x256xf32>
    %dot_general3A_646 = tpu.matmul %concatenate3A, %get3A_644, %dot_general3A_645 {dimension_numbers = #tpu.dot_dimension_numbers<[1], [0], [0], [1], [0, 0, 1, 1], [], []>, transpose_lhs_hint = false} : vector<16x128xf32>, vector<128x256xf32>, vector<16x256xf32> -> vector<16x256xf32>
    %slice3A_647 = vector.extract_strided_slice %get3A_14 {offsets = [0, 12, 0], sizes = [16, 1, 256], strides = [1, 1, 1]} : vector<16x16x256xf32> to vector<16x1x256xf32>
    %squeeze3A_648 = vector.shape_cast %slice3A_647 : vector<16x1x256xf32> to vector<16x256xf32>
    %dot_general3A_649 = arith.constant dense<0.000000e+00> : vector<16x16xf32>
    %dot_general3A_650 = tpu.matmul %dot_general3A_646, %squeeze3A_648, %dot_general3A_649 {dimension_numbers = #tpu.dot_dimension_numbers<[1], [1], [0], [0], [0, 0, 1, 0], [], []>, transpose_lhs_hint = false} : vector<16x256xf32>, vector<16x256xf32>, vector<16x16xf32> -> vector<16x16xf32>
    %reduce_max3A_651 = arith.constant dense<0xFF800000> : vector<16xf32>
    %reduce_max3A_652 = vector.multi_reduction <maximumf>, %dot_general3A_650, %reduce_max3A_651 [1] : vector<16x16xf32> to vector<16xf32>
    %broadcast_in_dim3A_653 = vector.shape_cast %reduce_max3A_652 : vector<16xf32> to vector<16x1xf32>
    %sub3A_654 = vector.broadcast %broadcast_in_dim3A_653 : vector<16x1xf32> to vector<16x16xf32>
    %sub3A_655 = arith.subf %dot_general3A_650, %sub3A_654 : vector<16x16xf32>
    %exp3A_656 = math.exp %sub3A_655 : vector<16x16xf32>
    %reduce_sum3A_657 = arith.constant dense<0.000000e+00> : vector<16xf32>
    %reduce_sum3A_658 = vector.multi_reduction <add>, %exp3A_656, %reduce_sum3A_657 [1] : vector<16x16xf32> to vector<16xf32>
    %broadcast_in_dim3A_659 = vector.shape_cast %reduce_sum3A_658 : vector<16xf32> to vector<16x1xf32>
    %log3A_660 = math.log %broadcast_in_dim3A_659 : vector<16x1xf32>
    %add3A_661 = arith.addf %broadcast_in_dim3A_653, %log3A_660 : vector<16x1xf32>
    %jit3A_662 = arith.constant 0.000000e+00 : f32
    %broadcast_in_dim3A_663 = vector.broadcast %jit3A_662 : f32 to vector<16x16xf32>
    %select_n3A_664 = arith.select %eq3A, %dot_general3A_650, %broadcast_in_dim3A_663 : vector<16x16xi1>, vector<16x16xf32>
    %reduce_sum3A_665 = arith.constant dense<0.000000e+00> : vector<16xf32>
    %reduce_sum3A_666 = vector.multi_reduction <add>, %select_n3A_664, %reduce_sum3A_665 [1] : vector<16x16xf32> to vector<16xf32>
    %broadcast_in_dim3A_667 = vector.shape_cast %reduce_sum3A_666 : vector<16xf32> to vector<16x1xf32>
    %sub3A_668 = arith.subf %broadcast_in_dim3A_667, %add3A_661 : vector<16x1xf32>
    %reduce_sum3A_669 = vector.shape_cast %sub3A_668 : vector<16x1xf32> to vector<1x16x1xf32>
    %reduce_sum3A_670 = arith.constant dense<0.000000e+00> : vector<1xf32>
    %reduce_sum3A_671 = vector.multi_reduction <add>, %reduce_sum3A_669, %reduce_sum3A_670 [1, 2] : vector<1x16x1xf32> to vector<1xf32>
    %reduce_sum3A_672 = vector.shape_cast %reduce_sum3A_671 : vector<1xf32> to vector<1x1x1xf32>
    %reduce_sum3A_673 = vector.extract %reduce_sum3A_672[0, 0, 0] : f32 from vector<1x1x1xf32>
    %add3A_674 = arith.addf %add3A_621, %reduce_sum3A_673 : f32
    %ge3A_675 = vector.broadcast %broadcast_in_dim3A_653 : vector<16x1xf32> to vector<16x16xf32>
    %ge3A_676 = arith.cmpf oge, %dot_general3A_650, %ge3A_675 : vector<16x16xf32>
    %jit3A_677 = arith.constant 16 : i32
    %broadcast_in_dim3A_678 = vector.broadcast %jit3A_677 : i32 to vector<16x16xi32>
    %select_n3A_679 = arith.select %ge3A_676, %iota3A, %broadcast_in_dim3A_678 : vector<16x16xi1>, vector<16x16xi32>
    %reduce_min3A_680 = arith.constant dense<2147483647> : vector<16xi32>
    %reduce_min3A_681 = vector.multi_reduction <minsi>, %select_n3A_679, %reduce_min3A_680 [1] : vector<16x16xi32> to vector<16xi32>
    %broadcast_in_dim3A_682 = vector.shape_cast %reduce_min3A_681 : vector<16xi32> to vector<16x1xi32>
    %iota3A_683 = tpu.iota {dimensions = array<i32: 0>} : vector<16x1xi32>
    %eq3A_684 = arith.cmpi eq, %broadcast_in_dim3A_682, %iota3A_683 : vector<16x1xi32>
    %convert_element_type3A_685 = arith.extui %eq3A_684 : vector<16x1xi1> to vector<16x1xi32>
    %convert_element_type3A_686 = arith.sitofp %convert_element_type3A_685 : vector<16x1xi32> to vector<16x1xf32>
    %reduce_sum3A_687 = vector.shape_cast %convert_element_type3A_686 : vector<16x1xf32> to vector<1x16x1xf32>
    %reduce_sum3A_688 = arith.constant dense<0.000000e+00> : vector<1xf32>
    %reduce_sum3A_689 = vector.multi_reduction <add>, %reduce_sum3A_687, %reduce_sum3A_688 [1, 2] : vector<1x16x1xf32> to vector<1xf32>
    %reduce_sum3A_690 = vector.shape_cast %reduce_sum3A_689 : vector<1xf32> to vector<1x1x1xf32>
    %reduce_sum3A_691 = vector.extract %reduce_sum3A_690[0, 0, 0] : f32 from vector<1x1x1xf32>
    %add3A_692 = arith.addf %add3A_639, %reduce_sum3A_691 : f32
    %get3A_693 = arith.constant 13 : index
    %get3A_694 = arith.constant 0 : index
    %get3A_695 = arith.constant 0 : index
    %get3A_696 = vector.load %arg3[%get3A_693, %get3A_694, %get3A_695] : memref<16x128x256xf32, #tpu.memory_space<vmem>>, vector<1x128x256xf32>
    %get3A_697 = vector.shape_cast %get3A_696 : vector<1x128x256xf32> to vector<128x256xf32>
    %dot_general3A_698 = arith.constant dense<0.000000e+00> : vector<16x256xf32>
    %dot_general3A_699 = tpu.matmul %concatenate3A, %get3A_697, %dot_general3A_698 {dimension_numbers = #tpu.dot_dimension_numbers<[1], [0], [0], [1], [0, 0, 1, 1], [], []>, transpose_lhs_hint = false} : vector<16x128xf32>, vector<128x256xf32>, vector<16x256xf32> -> vector<16x256xf32>
    %slice3A_700 = vector.extract_strided_slice %get3A_14 {offsets = [0, 13, 0], sizes = [16, 1, 256], strides = [1, 1, 1]} : vector<16x16x256xf32> to vector<16x1x256xf32>
    %squeeze3A_701 = vector.shape_cast %slice3A_700 : vector<16x1x256xf32> to vector<16x256xf32>
    %dot_general3A_702 = arith.constant dense<0.000000e+00> : vector<16x16xf32>
    %dot_general3A_703 = tpu.matmul %dot_general3A_699, %squeeze3A_701, %dot_general3A_702 {dimension_numbers = #tpu.dot_dimension_numbers<[1], [1], [0], [0], [0, 0, 1, 0], [], []>, transpose_lhs_hint = false} : vector<16x256xf32>, vector<16x256xf32>, vector<16x16xf32> -> vector<16x16xf32>
    %reduce_max3A_704 = arith.constant dense<0xFF800000> : vector<16xf32>
    %reduce_max3A_705 = vector.multi_reduction <maximumf>, %dot_general3A_703, %reduce_max3A_704 [1] : vector<16x16xf32> to vector<16xf32>
    %broadcast_in_dim3A_706 = vector.shape_cast %reduce_max3A_705 : vector<16xf32> to vector<16x1xf32>
    %sub3A_707 = vector.broadcast %broadcast_in_dim3A_706 : vector<16x1xf32> to vector<16x16xf32>
    %sub3A_708 = arith.subf %dot_general3A_703, %sub3A_707 : vector<16x16xf32>
    %exp3A_709 = math.exp %sub3A_708 : vector<16x16xf32>
    %reduce_sum3A_710 = arith.constant dense<0.000000e+00> : vector<16xf32>
    %reduce_sum3A_711 = vector.multi_reduction <add>, %exp3A_709, %reduce_sum3A_710 [1] : vector<16x16xf32> to vector<16xf32>
    %broadcast_in_dim3A_712 = vector.shape_cast %reduce_sum3A_711 : vector<16xf32> to vector<16x1xf32>
    %log3A_713 = math.log %broadcast_in_dim3A_712 : vector<16x1xf32>
    %add3A_714 = arith.addf %broadcast_in_dim3A_706, %log3A_713 : vector<16x1xf32>
    %jit3A_715 = arith.constant 0.000000e+00 : f32
    %broadcast_in_dim3A_716 = vector.broadcast %jit3A_715 : f32 to vector<16x16xf32>
    %select_n3A_717 = arith.select %eq3A, %dot_general3A_703, %broadcast_in_dim3A_716 : vector<16x16xi1>, vector<16x16xf32>
    %reduce_sum3A_718 = arith.constant dense<0.000000e+00> : vector<16xf32>
    %reduce_sum3A_719 = vector.multi_reduction <add>, %select_n3A_717, %reduce_sum3A_718 [1] : vector<16x16xf32> to vector<16xf32>
    %broadcast_in_dim3A_720 = vector.shape_cast %reduce_sum3A_719 : vector<16xf32> to vector<16x1xf32>
    %sub3A_721 = arith.subf %broadcast_in_dim3A_720, %add3A_714 : vector<16x1xf32>
    %reduce_sum3A_722 = vector.shape_cast %sub3A_721 : vector<16x1xf32> to vector<1x16x1xf32>
    %reduce_sum3A_723 = arith.constant dense<0.000000e+00> : vector<1xf32>
    %reduce_sum3A_724 = vector.multi_reduction <add>, %reduce_sum3A_722, %reduce_sum3A_723 [1, 2] : vector<1x16x1xf32> to vector<1xf32>
    %reduce_sum3A_725 = vector.shape_cast %reduce_sum3A_724 : vector<1xf32> to vector<1x1x1xf32>
    %reduce_sum3A_726 = vector.extract %reduce_sum3A_725[0, 0, 0] : f32 from vector<1x1x1xf32>
    %add3A_727 = arith.addf %add3A_674, %reduce_sum3A_726 : f32
    %ge3A_728 = vector.broadcast %broadcast_in_dim3A_706 : vector<16x1xf32> to vector<16x16xf32>
    %ge3A_729 = arith.cmpf oge, %dot_general3A_703, %ge3A_728 : vector<16x16xf32>
    %jit3A_730 = arith.constant 16 : i32
    %broadcast_in_dim3A_731 = vector.broadcast %jit3A_730 : i32 to vector<16x16xi32>
    %select_n3A_732 = arith.select %ge3A_729, %iota3A, %broadcast_in_dim3A_731 : vector<16x16xi1>, vector<16x16xi32>
    %reduce_min3A_733 = arith.constant dense<2147483647> : vector<16xi32>
    %reduce_min3A_734 = vector.multi_reduction <minsi>, %select_n3A_732, %reduce_min3A_733 [1] : vector<16x16xi32> to vector<16xi32>
    %broadcast_in_dim3A_735 = vector.shape_cast %reduce_min3A_734 : vector<16xi32> to vector<16x1xi32>
    %iota3A_736 = tpu.iota {dimensions = array<i32: 0>} : vector<16x1xi32>
    %eq3A_737 = arith.cmpi eq, %broadcast_in_dim3A_735, %iota3A_736 : vector<16x1xi32>
    %convert_element_type3A_738 = arith.extui %eq3A_737 : vector<16x1xi1> to vector<16x1xi32>
    %convert_element_type3A_739 = arith.sitofp %convert_element_type3A_738 : vector<16x1xi32> to vector<16x1xf32>
    %reduce_sum3A_740 = vector.shape_cast %convert_element_type3A_739 : vector<16x1xf32> to vector<1x16x1xf32>
    %reduce_sum3A_741 = arith.constant dense<0.000000e+00> : vector<1xf32>
    %reduce_sum3A_742 = vector.multi_reduction <add>, %reduce_sum3A_740, %reduce_sum3A_741 [1, 2] : vector<1x16x1xf32> to vector<1xf32>
    %reduce_sum3A_743 = vector.shape_cast %reduce_sum3A_742 : vector<1xf32> to vector<1x1x1xf32>
    %reduce_sum3A_744 = vector.extract %reduce_sum3A_743[0, 0, 0] : f32 from vector<1x1x1xf32>
    %add3A_745 = arith.addf %add3A_692, %reduce_sum3A_744 : f32
    %get3A_746 = arith.constant 14 : index
    %get3A_747 = arith.constant 0 : index
    %get3A_748 = arith.constant 0 : index
    %get3A_749 = vector.load %arg3[%get3A_746, %get3A_747, %get3A_748] : memref<16x128x256xf32, #tpu.memory_space<vmem>>, vector<1x128x256xf32>
    %get3A_750 = vector.shape_cast %get3A_749 : vector<1x128x256xf32> to vector<128x256xf32>
    %dot_general3A_751 = arith.constant dense<0.000000e+00> : vector<16x256xf32>
    %dot_general3A_752 = tpu.matmul %concatenate3A, %get3A_750, %dot_general3A_751 {dimension_numbers = #tpu.dot_dimension_numbers<[1], [0], [0], [1], [0, 0, 1, 1], [], []>, transpose_lhs_hint = false} : vector<16x128xf32>, vector<128x256xf32>, vector<16x256xf32> -> vector<16x256xf32>
    %slice3A_753 = vector.extract_strided_slice %get3A_14 {offsets = [0, 14, 0], sizes = [16, 1, 256], strides = [1, 1, 1]} : vector<16x16x256xf32> to vector<16x1x256xf32>
    %squeeze3A_754 = vector.shape_cast %slice3A_753 : vector<16x1x256xf32> to vector<16x256xf32>
    %dot_general3A_755 = arith.constant dense<0.000000e+00> : vector<16x16xf32>
    %dot_general3A_756 = tpu.matmul %dot_general3A_752, %squeeze3A_754, %dot_general3A_755 {dimension_numbers = #tpu.dot_dimension_numbers<[1], [1], [0], [0], [0, 0, 1, 0], [], []>, transpose_lhs_hint = false} : vector<16x256xf32>, vector<16x256xf32>, vector<16x16xf32> -> vector<16x16xf32>
    %reduce_max3A_757 = arith.constant dense<0xFF800000> : vector<16xf32>
    %reduce_max3A_758 = vector.multi_reduction <maximumf>, %dot_general3A_756, %reduce_max3A_757 [1] : vector<16x16xf32> to vector<16xf32>
    %broadcast_in_dim3A_759 = vector.shape_cast %reduce_max3A_758 : vector<16xf32> to vector<16x1xf32>
    %sub3A_760 = vector.broadcast %broadcast_in_dim3A_759 : vector<16x1xf32> to vector<16x16xf32>
    %sub3A_761 = arith.subf %dot_general3A_756, %sub3A_760 : vector<16x16xf32>
    %exp3A_762 = math.exp %sub3A_761 : vector<16x16xf32>
    %reduce_sum3A_763 = arith.constant dense<0.000000e+00> : vector<16xf32>
    %reduce_sum3A_764 = vector.multi_reduction <add>, %exp3A_762, %reduce_sum3A_763 [1] : vector<16x16xf32> to vector<16xf32>
    %broadcast_in_dim3A_765 = vector.shape_cast %reduce_sum3A_764 : vector<16xf32> to vector<16x1xf32>
    %log3A_766 = math.log %broadcast_in_dim3A_765 : vector<16x1xf32>
    %add3A_767 = arith.addf %broadcast_in_dim3A_759, %log3A_766 : vector<16x1xf32>
    %jit3A_768 = arith.constant 0.000000e+00 : f32
    %broadcast_in_dim3A_769 = vector.broadcast %jit3A_768 : f32 to vector<16x16xf32>
    %select_n3A_770 = arith.select %eq3A, %dot_general3A_756, %broadcast_in_dim3A_769 : vector<16x16xi1>, vector<16x16xf32>
    %reduce_sum3A_771 = arith.constant dense<0.000000e+00> : vector<16xf32>
    %reduce_sum3A_772 = vector.multi_reduction <add>, %select_n3A_770, %reduce_sum3A_771 [1] : vector<16x16xf32> to vector<16xf32>
    %broadcast_in_dim3A_773 = vector.shape_cast %reduce_sum3A_772 : vector<16xf32> to vector<16x1xf32>
    %sub3A_774 = arith.subf %broadcast_in_dim3A_773, %add3A_767 : vector<16x1xf32>
    %reduce_sum3A_775 = vector.shape_cast %sub3A_774 : vector<16x1xf32> to vector<1x16x1xf32>
    %reduce_sum3A_776 = arith.constant dense<0.000000e+00> : vector<1xf32>
    %reduce_sum3A_777 = vector.multi_reduction <add>, %reduce_sum3A_775, %reduce_sum3A_776 [1, 2] : vector<1x16x1xf32> to vector<1xf32>
    %reduce_sum3A_778 = vector.shape_cast %reduce_sum3A_777 : vector<1xf32> to vector<1x1x1xf32>
    %reduce_sum3A_779 = vector.extract %reduce_sum3A_778[0, 0, 0] : f32 from vector<1x1x1xf32>
    %add3A_780 = arith.addf %add3A_727, %reduce_sum3A_779 : f32
    %ge3A_781 = vector.broadcast %broadcast_in_dim3A_759 : vector<16x1xf32> to vector<16x16xf32>
    %ge3A_782 = arith.cmpf oge, %dot_general3A_756, %ge3A_781 : vector<16x16xf32>
    %jit3A_783 = arith.constant 16 : i32
    %broadcast_in_dim3A_784 = vector.broadcast %jit3A_783 : i32 to vector<16x16xi32>
    %select_n3A_785 = arith.select %ge3A_782, %iota3A, %broadcast_in_dim3A_784 : vector<16x16xi1>, vector<16x16xi32>
    %reduce_min3A_786 = arith.constant dense<2147483647> : vector<16xi32>
    %reduce_min3A_787 = vector.multi_reduction <minsi>, %select_n3A_785, %reduce_min3A_786 [1] : vector<16x16xi32> to vector<16xi32>
    %broadcast_in_dim3A_788 = vector.shape_cast %reduce_min3A_787 : vector<16xi32> to vector<16x1xi32>
    %iota3A_789 = tpu.iota {dimensions = array<i32: 0>} : vector<16x1xi32>
    %eq3A_790 = arith.cmpi eq, %broadcast_in_dim3A_788, %iota3A_789 : vector<16x1xi32>
    %convert_element_type3A_791 = arith.extui %eq3A_790 : vector<16x1xi1> to vector<16x1xi32>
    %convert_element_type3A_792 = arith.sitofp %convert_element_type3A_791 : vector<16x1xi32> to vector<16x1xf32>
    %reduce_sum3A_793 = vector.shape_cast %convert_element_type3A_792 : vector<16x1xf32> to vector<1x16x1xf32>
    %reduce_sum3A_794 = arith.constant dense<0.000000e+00> : vector<1xf32>
    %reduce_sum3A_795 = vector.multi_reduction <add>, %reduce_sum3A_793, %reduce_sum3A_794 [1, 2] : vector<1x16x1xf32> to vector<1xf32>
    %reduce_sum3A_796 = vector.shape_cast %reduce_sum3A_795 : vector<1xf32> to vector<1x1x1xf32>
    %reduce_sum3A_797 = vector.extract %reduce_sum3A_796[0, 0, 0] : f32 from vector<1x1x1xf32>
    %add3A_798 = arith.addf %add3A_745, %reduce_sum3A_797 : f32
    %get3A_799 = arith.constant 15 : index
    %get3A_800 = arith.constant 0 : index
    %get3A_801 = arith.constant 0 : index
    %get3A_802 = vector.load %arg3[%get3A_799, %get3A_800, %get3A_801] : memref<16x128x256xf32, #tpu.memory_space<vmem>>, vector<1x128x256xf32>
    %get3A_803 = vector.shape_cast %get3A_802 : vector<1x128x256xf32> to vector<128x256xf32>
    %dot_general3A_804 = arith.constant dense<0.000000e+00> : vector<16x256xf32>
    %dot_general3A_805 = tpu.matmul %concatenate3A, %get3A_803, %dot_general3A_804 {dimension_numbers = #tpu.dot_dimension_numbers<[1], [0], [0], [1], [0, 0, 1, 1], [], []>, transpose_lhs_hint = false} : vector<16x128xf32>, vector<128x256xf32>, vector<16x256xf32> -> vector<16x256xf32>
    %slice3A_806 = vector.extract_strided_slice %get3A_14 {offsets = [0, 15, 0], sizes = [16, 1, 256], strides = [1, 1, 1]} : vector<16x16x256xf32> to vector<16x1x256xf32>
    %squeeze3A_807 = vector.shape_cast %slice3A_806 : vector<16x1x256xf32> to vector<16x256xf32>
    %dot_general3A_808 = arith.constant dense<0.000000e+00> : vector<16x16xf32>
    %dot_general3A_809 = tpu.matmul %dot_general3A_805, %squeeze3A_807, %dot_general3A_808 {dimension_numbers = #tpu.dot_dimension_numbers<[1], [1], [0], [0], [0, 0, 1, 0], [], []>, transpose_lhs_hint = false} : vector<16x256xf32>, vector<16x256xf32>, vector<16x16xf32> -> vector<16x16xf32>
    %reduce_max3A_810 = arith.constant dense<0xFF800000> : vector<16xf32>
    %reduce_max3A_811 = vector.multi_reduction <maximumf>, %dot_general3A_809, %reduce_max3A_810 [1] : vector<16x16xf32> to vector<16xf32>
    %broadcast_in_dim3A_812 = vector.shape_cast %reduce_max3A_811 : vector<16xf32> to vector<16x1xf32>
    %sub3A_813 = vector.broadcast %broadcast_in_dim3A_812 : vector<16x1xf32> to vector<16x16xf32>
    %sub3A_814 = arith.subf %dot_general3A_809, %sub3A_813 : vector<16x16xf32>
    %exp3A_815 = math.exp %sub3A_814 : vector<16x16xf32>
    %reduce_sum3A_816 = arith.constant dense<0.000000e+00> : vector<16xf32>
    %reduce_sum3A_817 = vector.multi_reduction <add>, %exp3A_815, %reduce_sum3A_816 [1] : vector<16x16xf32> to vector<16xf32>
    %broadcast_in_dim3A_818 = vector.shape_cast %reduce_sum3A_817 : vector<16xf32> to vector<16x1xf32>
    %log3A_819 = math.log %broadcast_in_dim3A_818 : vector<16x1xf32>
    %add3A_820 = arith.addf %broadcast_in_dim3A_812, %log3A_819 : vector<16x1xf32>
    %jit3A_821 = arith.constant 0.000000e+00 : f32
    %broadcast_in_dim3A_822 = vector.broadcast %jit3A_821 : f32 to vector<16x16xf32>
    %select_n3A_823 = arith.select %eq3A, %dot_general3A_809, %broadcast_in_dim3A_822 : vector<16x16xi1>, vector<16x16xf32>
    %reduce_sum3A_824 = arith.constant dense<0.000000e+00> : vector<16xf32>
    %reduce_sum3A_825 = vector.multi_reduction <add>, %select_n3A_823, %reduce_sum3A_824 [1] : vector<16x16xf32> to vector<16xf32>
    %broadcast_in_dim3A_826 = vector.shape_cast %reduce_sum3A_825 : vector<16xf32> to vector<16x1xf32>
    %sub3A_827 = arith.subf %broadcast_in_dim3A_826, %add3A_820 : vector<16x1xf32>
    %reduce_sum3A_828 = vector.shape_cast %sub3A_827 : vector<16x1xf32> to vector<1x16x1xf32>
    %reduce_sum3A_829 = arith.constant dense<0.000000e+00> : vector<1xf32>
    %reduce_sum3A_830 = vector.multi_reduction <add>, %reduce_sum3A_828, %reduce_sum3A_829 [1, 2] : vector<1x16x1xf32> to vector<1xf32>
    %reduce_sum3A_831 = vector.shape_cast %reduce_sum3A_830 : vector<1xf32> to vector<1x1x1xf32>
    %reduce_sum3A_832 = vector.extract %reduce_sum3A_831[0, 0, 0] : f32 from vector<1x1x1xf32>
    %add3A_833 = arith.addf %add3A_780, %reduce_sum3A_832 : f32
    %ge3A_834 = vector.broadcast %broadcast_in_dim3A_812 : vector<16x1xf32> to vector<16x16xf32>
    %ge3A_835 = arith.cmpf oge, %dot_general3A_809, %ge3A_834 : vector<16x16xf32>
    %jit3A_836 = arith.constant 16 : i32
    %broadcast_in_dim3A_837 = vector.broadcast %jit3A_836 : i32 to vector<16x16xi32>
    %select_n3A_838 = arith.select %ge3A_835, %iota3A, %broadcast_in_dim3A_837 : vector<16x16xi1>, vector<16x16xi32>
    %reduce_min3A_839 = arith.constant dense<2147483647> : vector<16xi32>
    %reduce_min3A_840 = vector.multi_reduction <minsi>, %select_n3A_838, %reduce_min3A_839 [1] : vector<16x16xi32> to vector<16xi32>
    %broadcast_in_dim3A_841 = vector.shape_cast %reduce_min3A_840 : vector<16xi32> to vector<16x1xi32>
    %iota3A_842 = tpu.iota {dimensions = array<i32: 0>} : vector<16x1xi32>
    %eq3A_843 = arith.cmpi eq, %broadcast_in_dim3A_841, %iota3A_842 : vector<16x1xi32>
    %convert_element_type3A_844 = arith.extui %eq3A_843 : vector<16x1xi1> to vector<16x1xi32>
    %convert_element_type3A_845 = arith.sitofp %convert_element_type3A_844 : vector<16x1xi32> to vector<16x1xf32>
    %reduce_sum3A_846 = vector.shape_cast %convert_element_type3A_845 : vector<16x1xf32> to vector<1x16x1xf32>
    %reduce_sum3A_847 = arith.constant dense<0.000000e+00> : vector<1xf32>
    %reduce_sum3A_848 = vector.multi_reduction <add>, %reduce_sum3A_846, %reduce_sum3A_847 [1, 2] : vector<1x16x1xf32> to vector<1xf32>
    %reduce_sum3A_849 = vector.shape_cast %reduce_sum3A_848 : vector<1xf32> to vector<1x1x1xf32>
    %reduce_sum3A_850 = vector.extract %reduce_sum3A_849[0, 0, 0] : f32 from vector<1x1x1xf32>
    %add3A_851 = arith.addf %add3A_798, %reduce_sum3A_850 : f32
    %neg3A = arith.constant 0.000000e+00 : f32
    %neg3A_852 = arith.subf %neg3A, %add3A_833 : f32
    %div3A = arith.constant 2.560000e+02 : f32
    %div3A_853 = arith.divf %neg3A_852, %div3A : f32
    %reshape3A = vector.broadcast %div3A_853 : f32 to vector<1x1xf32>
    %swap3A = arith.constant 0 : index
    %swap3A_854 = arith.constant 0 : index
    %swap3A_855 = vector.load %arg6[%swap3A, %swap3A_854] : memref<1x1xf32, #tpu.memory_space<vmem>>, vector<1x1xf32>
    tpu.vector_store %arg6[%swap3A, %swap3A_854], %reshape3A {strides = array<i32>} : memref<1x1xf32, #tpu.memory_space<vmem>>, vector<1x1xf32>,
    %div3A_856 = arith.constant 2.560000e+02 : f32
    %div3A_857 = arith.divf %add3A_851, %div3A_856 : f32
    %reshape3A_858 = vector.broadcast %div3A_857 : f32 to vector<1x1xf32>
    %swap3A_859 = arith.constant 0 : index
    %swap3A_860 = arith.constant 0 : index
    %swap3A_861 = vector.load %arg5[%swap3A_859, %swap3A_860] : memref<1x1xf32, #tpu.memory_space<vmem>>, vector<1x1xf32>
    tpu.vector_store %arg5[%swap3A_859, %swap3A_860], %reshape3A_858 {strides = array<i32>} : memref<1x1xf32, #tpu.memory_space<vmem>>, vector<1x1xf32>,
    return
  }
}

</mosaic_0001>

<sc_bundles>
// kernel: kernel.11.cloned.1.call-start
scs
__scs_entry_jumppad:
0x0: {  	(pc) =	sbr.rel $0x88, $3  }
0x1: {  	(tag) =	ssettag $0x0;
	lr =	simm.s32 $0x1  }
0x2: {  	[smem:$0x3F95] =	sst lr;
	_ =	strace $0xD0000000  }
0x3: {  	_ = 	snop  }
0x4: {  	_ = 	snop  }
0x5: {  	_ = 	snop  }
0x6: {  	_ = 	snop  }
0x7: {  	_ = 	snop  }
__scs_overlays_trampoline_lowered:
0x8: {  	[smem:$0x3FA4] =	sst s0  }
0x9: {  	[smem:$0x3FA5] =	sst s1  }
0xa: {  	[smem:$0x3FA6] =	sst s2  }
0xb: {  	[smem:$0x3FA7] =	sst s3  }
0xc: {  	[smem:$0x3FA8] =	sst s4  }
0xd: {  	[smem:$0x3FA9] =	sst s5  }
0xe: {  	[smem:$0x3FAA] =	sst s6  }
0xf: {  	[smem:$0x3FAB] =	sst s7  }
0x10: {  	[smem:$0x3FAC] =	sst s8  }
0x11: {  	[smem:$0x3FAD] =	sst s9;
	s0 =	simm.s32 @!p0 $0x0  }
0x12: {  	s1 =	sld [smem:$0x3F93];
	s0 =	simm.s32 @p0 $0x1  }
0x13: {  	[smem:$0x3FAE] =	sst s0;
	s0 =	simm.s32 @!p1 $0x0  }
0x14: {  	s2 =	sld [smem:$0x3F92];
	s0 =	simm.s32 @p1 $0x1  }
0x15: {  	[smem:$0x3FAF] =	sst s0;
	s0 =	simm.s32 @!p2 $0x0  }
0x16: {  	s3 =	sld [smem:$0x3FDB];
	s0 =	simm.s32 @p2 $0x1  }
0x17: {  	s4 =	simm.s32 $0x1BF5;
	[smem:$0x3FB1] =	sst s0  }
0x18: {  	s0 =	sld [smem:$0x3F94];
	_ =	swait.ge [sflag:s4], $0x0  }
0x19: {  	s7 =	sld [smem:$0x3F95]  }
0x1a: {  	s8 =	sadd.s32 $0xFFFFE003, lr  }
0x1b: {  	s9 =	sadd.s32 $0xFFFFFEF7, lr;
	s5 =	simm.s32 $0xFFFFFFFF;
	p2 =	slt.u32 s8, $0xFFFFF086  }
0x1c: {  	p1 =	slt.u32 s9, $0xF7A;
	s5 =	simm.s32 @!p2 $0x0  }
0x1d: {  	s5 =	simm.s32 @p1 $0x1;
	p0 =	seq.s32 s7, s2  }
0x1e: {  	s7 =	smul.u32 @!p0 $0xF7A, s2;
	p2 =	seq.s32 @!p0 s5, $0x0  }
0x1f: {  	s9 =	smul.u32 $0xF7A, s1;
	s8 =	simm.s32 @!p0 $0x1BF5;
	p2 =	por !p2, p0  }
0x20: {  	[sflag:s8] =	ssyncset.s32 @!p0 $0xFFFFF086;
	s6 =	sadd.s32 @!p0 s3, s7;
	s7 =	simm.s32 @!p0 $0x108  }
0x21: {  	s3 =	sadd.s32 s3, s9;
	s6 =	sadd.s32 @!p0 $0x88, s6;
	s7 =	simm.s32 @p2 $0x1082  }
0x22: {  	[simem:s7], [sflag:s8] =	dma.local @!p0 [hbm:s6], $0xF7A  }
0x23: {  	s9 =	sor.u32 $0xD0000000, s2;
	s6 =	simm.s32 $0x108;
	_ =	swait.ge @!p0 [sflag:s8], $0x0  }
0x24: {  	s3 =	sadd.s32 $0x88, s3;
	s6 =	simm.s32 @!p1 $0x1082;
	[sflag:s4] =	ssyncset.s32 $0xFFFFF086  }
0x25: {  	[simem:s6], [sflag:s4] =	dma.local [hbm:s3], $0xF7A  }
0x26: {  	[smem:$0x3F95] =	sst s1;
	(tag) =	ssettag s2;
	_ =	strace s9  }
0x27: {  	s1 =	sld [smem:$0x3FA5]  }
0x28: {  	s2 =	sld [smem:$0x3FA6]  }
0x29: {  	s4 =	sld [smem:$0x3FA8]  }
0x2a: {  	p0 =	seq.s32 s5, $0x0;
	s5 =	sld [smem:$0x3FA9]  }
0x2b: {  	s6 =	sld [smem:$0x3FAA]  }
0x2c: {  	s7 =	sld [smem:$0x3FAB]  }
0x2d: {  	s3 =	simm.s32 $0x108;
	s8 =	sld [smem:$0x3FAC]  }
0x2e: {  	s3 =	simm.s32 @!p0 $0x1082;
	s9 =	sld [smem:$0x3FAD]  }
0x2f: {  	lr =	sadd.s32 s0, s3;
	s0 =	sld [smem:$0x3FA4]  }
0x30: {  	s3 =	sld [smem:$0x3FA7]  }
0x31: {  	[smem:$0x3FB0] =	sst s10  }
0x32: {  	s10 =	sld [smem:$0x3FAE];
	_ =	sdelay $0x3  }
0x33: {  	p0 =	seq.s32 s10, $0x1;
	s10 =	sld [smem:$0x3FB0];
	_ =	sdelay $0x3  }
0x34: {  	[smem:$0x3FB0] =	sst s10  }
0x35: {  	s10 =	sld [smem:$0x3FAF];
	_ =	sdelay $0x3  }
0x36: {  	p1 =	seq.s32 s10, $0x1;
	s10 =	sld [smem:$0x3FB0];
	_ =	sdelay $0x3  }
0x37: {  	[smem:$0x3FB0] =	sst s10  }
0x38: {  	s10 =	sld [smem:$0x3FB1]  }
0x39: {  	_ = 	snop;
	(pc) =	sbr.ind lr, $3  }
0x3a: {  	_ = 	snop  }
0x3b: {  	_ = 	snop  }
0x3c: {  	p2 =	seq.s32 s10, $0x1;
	s10 =	sld [smem:$0x3FB0]  }
0x3d: {  	_ =	shalt  }
0x3e: {  	_ =	shalt  }
0x3f: {  	_ =	shalt  }
0x40: {  	_ =	shalt  }
0x41: {  	_ =	shalt  }
0x42: {  	_ =	shalt  }
0x43: {  	_ =	shalt  }
0x44: {  	_ =	shalt  }
0x45: {  	_ =	shalt  }
0x46: {  	_ =	shalt  }
0x47: {  	_ =	shalt  }
0x48: {  	_ =	shalt  }
0x49: {  	_ =	shalt  }
0x4a: {  	_ =	shalt  }
0x4b: {  	_ =	shalt  }
0x4c: {  	_ =	shalt  }
0x4d: {  	_ =	shalt  }
0x4e: {  	_ =	shalt  }
0x4f: {  	_ =	shalt  }
0x50: {  	_ =	shalt  }
0x51: {  	_ =	shalt  }
0x52: {  	_ =	shalt  }
0x53: {  	_ =	shalt  }
0x54: {  	_ =	shalt  }
0x55: {  	_ =	shalt  }
0x56: {  	_ =	shalt  }
0x57: {  	_ =	shalt  }
0x58: {  	_ =	shalt  }
0x59: {  	_ =	shalt  }
0x5a: {  	_ =	shalt  }
0x5b: {  	_ =	shalt  }
0x5c: {  	_ =	shalt  }
0x5d: {  	_ =	shalt  }
0x5e: {  	_ =	shalt  }
0x5f: {  	_ =	shalt  }
0x60: {  	_ =	shalt  }
0x61: {  	_ =	shalt  }
0x62: {  	_ =	shalt  }
0x63: {  	_ =	shalt  }
0x64: {  	_ =	shalt  }
0x65: {  	_ =	shalt  }
0x66: {  	_ =	shalt  }
0x67: {  	_ =	shalt  }
0x68: {  	_ =	shalt  }
0x69: {  	_ =	shalt  }
0x6a: {  	_ =	shalt  }
0x6b: {  	_ =	shalt  }
0x6c: {  	_ =	shalt  }
0x6d: {  	_ =	shalt  }
0x6e: {  	_ =	shalt  }
0x6f: {  	_ =	shalt  }
0x70: {  	_ =	shalt  }
0x71: {  	_ =	shalt  }
0x72: {  	_ =	shalt  }
0x73: {  	_ =	shalt  }
0x74: {  	_ =	shalt  }
0x75: {  	_ =	shalt  }
0x76: {  	_ =	shalt  }
0x77: {  	_ =	shalt  }
0x78: {  	_ =	shalt  }
0x79: {  	_ =	shalt  }
0x7a: {  	_ =	shalt  }
0x7b: {  	_ =	shalt  }
0x7c: {  	_ =	shalt  }
0x7d: {  	_ =	shalt  }
0x7e: {  	_ =	shalt  }
0x7f: {  	_ =	shalt  }
0x80: {  	_ =	shalt  }
0x81: {  	_ =	shalt  }
0x82: {  	_ =	shalt  }
0x83: {  	_ =	shalt  }
0x84: {  	_ =	shalt  }
0x85: {  	_ =	shalt  }
0x86: {  	_ =	shalt  }
0x87: {  	_ =	shalt  }
.Lfunc_end0:
.L_simem_size_0:
called_computation.1_lowered:
.L_overlay_start_0:
0x88: {  	s2 =	sld [smem:$0x3FD9]  }
0x89: {  	s3 =	sld [smem:$0x3FFE];
	_ =	sdelay $0x1  }
0x8a: {  	s1 =	srdreg.scid  }
0x8b: {  	s0 =	sand.u32 $0x1, s1  }
0x8c: {  	s15 =	sshll.u32 s0, $0xA;
	s2 =	sadd.s32 s3, s2  }
0x8d: {  	s2 =	sadd.s32 s2, s15  }
0x8e: {  	[smem:$0x3FBC] =	sst s2  }
0x8f: {  	_ = 	snop  }
0x90: {  	s16 =	sld [smem:$0x3FD0];
	_ =	sdelay $0x2  }
0x91: {  	s4 =	simm.s32 $0xB;
	s5 =	simm.s32 $0x10;
	s2 =	sld [smem:$0x3FC3]  }
0x92: {  	[smem:s5], [sflag:s4] =	dma.local [hbm:s16], $0x1  }
0x93: {  	_ =	swait.eq [sflag:s4], $0x1  }
0x94: {  	[sflag:s4] =	ssyncset.done $0x0  }
0x95: {  	[sflag:s4] =	ssyncadd.s32 $0xFFFFFFFF  }
0x96: {  	s17 =	sld [smem:$0x13];
	(tm) =	ssettm $0x1  }
0x97: {  	s18 =	sld [smem:$0x3FFB];
	_ =	sdelay $0x3  }
0x98: {  	_ =	strace s18  }
0x99: {  	s3 =	sld [smem:$0x3FFC];
	_ =	sdelay $0x3  }
0x9a: {  	_ =	strace s3  }
0x9b: {  	s3 =	sld [smem:$0x3FFD];
	_ =	sdelay $0x3  }
0x9c: {  	_ =	strace s3  }
0x9d: {  	_ =	strace $0x8FFFFFFF  }
0x9e: {  	s19 =	sld [smem:$0x3FDB];
	_ =	sdelay $0x1  }
0x9f: {  	s20 =	simm.s32 $_scs_section_size  }
0xa0: {  	s6 =	simm.s32 $_size__tile_overlayer_lowered;
	s7 =	simm.s32 $_tile_overlayer_lowered  }
0xa1: {  	s8 =	simm.s32 $0x1BFF;
	s21 =	sshll.u32 s7, $0x1;
	s5 =	sadd.s32 s20, s19  }
0xa2: {  	s22 =	simm.s32 $0x0;
	s6 =	sshll.u32 s6, $0x1;
	s7 =	sadd.s32 s21, s5  }
0xa3: {  	[timem:s22], [sflag:s8] =	dma.local [hbm:s7], s6  }
0xa4: {  	_ =	swait.ge [sflag:s8], s6  }
0xa5: {  	s6 =	ssub.s32 $0x0, s6;
	[sflag:s8] =	ssyncset.done $0x0  }
0xa6: {  	[sflag:s8] =	ssyncadd.s32 s6;
	_ =	sdelay $0x1  }
0xa7: {  	s23 =	simm.s32 $0x1B8B  }
0xa8: {  	_ =	swait.ge [sflag:s23], $0x1  }
0xa9: {  	[sflag:s23] =	ssyncset.done $0x0  }
0xaa: {  	[sflag:s23] =	ssyncadd.s32 $0xFFFFFFFF  }
0xab: {  	s6 =	sld [smem:$0x0]  }
0xac: {  	s7 =	sand.u32 $0xFFFFFFFE, s1  }
0xad: {  	p0 =	sne.s32 s1, s7  }
0xae: {  	s7 =	sshll.u32 @p0 s7, $0xE  }
0xaf: {  	s7 =	sadd.s32 @p0 $0x11B8D, s7;
	s8 =	sshll.u32 @p0 s6, $0x11  }
0xb0: {  	s7 =	sor.u32 @p0 s8, s7  }
0xb1: {  	[sflag:s7] =	ssyncadd.remote.s32 @p0 $0x1;
	_ =	sdelay $0x1  }
0xb2: {  	s7 =	simm.s32 @p0 $0x1B8D  }
0xb3: {  	_ =	swait.eq @p0 [sflag:s7], $0x1  }
0xb4: {  	[sflag:s7] =	ssyncadd.s32 @p0 $0xFFFFFFFF  }
0xb5: {  	s8 =	sshll.u32 @!p0 s1, $0xE  }
0xb6: {  	s8 =	sor.u32 @!p0 $0x4000, s8;
	s7 =	simm.s32 @!p0 $0x1B8D  }
0xb7: {  	s6 =	sshll.u32 @!p0 s6, $0x11;
	s8 =	sadd.s32 @!p0 $0x11B8D, s8;
	_ =	swait.eq @!p0 [sflag:s7], $0x1  }
0xb8: {  	s6 =	sor.u32 @!p0 s6, s8;
	[sflag:s7] =	ssyncadd.s32 @!p0 $0xFFFFFFFF  }
0xb9: {  	s25 =	simm.s32 $0x1B8E;
	s24 =	sld [smem:$0x3FFE];
	[sflag:s6] =	ssyncadd.remote.s32 @!p0 $0x1  }
0xba: {  	s26 =	simm.s32 $execute0_lowered;
	[smem:$0x3FD2] =	sst s25  }
0xbb: {  	s7 =	sshll.u32 s26, $0x1;
	_ =	strace $0x80000049;
	[dreg:$0x1] =	wrdreg $0xFFFFFFFF  }
0xbc: {  	s28 =	simm.s32 $_size_execute0_lowered;
	s5 =	sadd.s32 s5, s7;
	[dreg:$0x0] =	wrdreg $0x0  }
0xbd: {  	s7 =	sshll.u32 s28, $0x1;
	[dreg:$0x2] =	wrdreg s5  }
0xbe: {  	[dreg:$0x3] =	wrdreg s7  }
0xbf: {  	[dreg:$0x4] =	wrdreg $0xC0  }
0xc0: {  	_ =	task [dreg:s22], $0x5FFFF  }
0xc1: {  	[dreg:$0x1] =	wrdreg $0xFFFFFFFF  }
0xc2: {  	[dreg:$0x0] =	wrdreg $0x60  }
0xc3: {  	[dreg:$0x2] =	wrdreg s2  }
0xc4: {  	[dreg:$0x3] =	wrdreg s24  }
0xc5: {  	[dreg:$0x4] =	wrdreg s17  }
0xc6: {  	[dreg:$0x5] =	wrdreg $0xA  }
0xc7: {  	_ =	task.clear_ibuf [dreg:s22], $0x6FFFF;
	_ =	strace $0x90000049  }
0xc8: {  	s29 =	simm.s32 $0xA;
	_ =	strace $0x8000004B  }
0xc9: {  	_ =	swait.ge [sflag:s29], $0x1  }
0xca: {  	[sflag:s29] =	ssyncadd.s32 $0xFFFFFFFF  }
0xcb: {  	_ =	strace $0x9000004B  }
0xcc: {  	_ =	sfence  }
0xcd: {  	s30 =	sld [smem:$0x0];
	_ =	sdelay $0x2  }
0xce: {  	s31 =	sshll.u32 s1, $0xD;
	s1 =	sshrl.u32 s1, $0x2  }
0xcf: {  	s4 =	sand.u32 $0x4000, s31;
	s1 =	sadd.s32 s1, s30  }
0xd0: {  	s0 =	sor.u32 s4, s0;
	s1 =	sshll.u32 s1, $0x11  }
0xd1: {  	s0 =	sor.u32 s1, s0  }
0xd2: {  	s0 =	sadd.s32 $0x8F2B, s0  }
0xd3: {  	[sflag:s0] =	ssyncadd.remote.s32 $0x1  }
0xd4: {  	_ =	sfence.sel $0xFFFF  }
0xd5: {  	[dreg:$0x0] =	wrdreg $0xFFFFFFFF;
	(pc) =	sbr.abs _section_cstart, $3  }
0xd6: {  	[dreg:$0x1] =	wrdreg $0xFFFFFFFF  }
0xd7: {  	_ =	task.clear_ibuf [dreg:s22], $0x2FFFF;
	_ =	strace $0x9FFFFFFF  }
0xd8: {  	(tm) =	ssettm $0x7FFFFFFF  }
0xd9: {  	_ =	shalt  }
tec
execute0_lowered:
.L_overlay_start_1:
0x0: {  	(tag) =	ssettag $0x1  }
0x1: {  	s1 =	rddreg [dreg:$0x0]  }
0x2: {  	s0 =	stileid.u32;
	s2 =	srdreg.scid  }
0x3: {  	s4 =	rddreg [dreg:$0x1];
	s2 =	sand.u32 $0x1, s2;
	s3 =	sshll.u32 s0, $0x1  }
0x4: {  	s5 =	rddreg [dreg:$0x2];
	s7 =	sor.u32 s2, s3;
	s3 =	simm.s32 $0x0  }
0x5: {  	s23 =	simm.s32 $0x80;
	[smem:$0x7FF] =	sst s3  }
0x6: {  	s24 =	simm.s32 $0x400;
	_ =	strace $0x8000004A;
	[dreg:$0x6] =	wrdreg s23  }
0x7: {  	s25 =	simm.s32 $0xA00;
	s26 =	simm.s32 $0x1200;
	[dreg:$0x7] =	wrdreg s24  }
0x8: {  	s6 =	sshll.u32 s0, $0x7;
	s0 =	simm.s32 $0x1A00;
	[dreg:$0x8] =	wrdreg s25  }
0x9: {  	s6 =	sand.u32 $0x600, s6;
	s8 =	sshll.u32 s7, $0x4;
	[dreg:$0x9] =	wrdreg s26  }
0xa: {  	s4 =	sadd.s32 s6, s4;
	s6 =	simm.s32 $0x2A00;
	[dreg:$0xa] =	wrdreg s0  }
0xb: {  	s21 =	smul.u32 $0x3100, s7;
	s7 =	simm.s32 $0x3200;
	[dreg:$0xc] =	wrdreg s6  }
0xc: {  	s9 =	simm.s32 $0x4200;
	[dreg:$0xd] =	wrdreg s7  }
0xd: {  	s10 =	simm.s32 $0x4A00;
	[dreg:$0xf] =	wrdreg s9  }
0xe: {  	s11 =	simm.s32 $0x5200;
	[dreg:$0x10] =	wrdreg s10  }
0xf: {  	s12 =	simm.s32 $0x5A00;
	[dreg:$0x11] =	wrdreg s11  }
0x10: {  	s13 =	simm.s32 $0x6200;
	s14 =	simm.s32 $0x6A00;
	[dreg:$0x12] =	wrdreg s12  }
0x11: {  	s15 =	simm.s32 $0x7200;
	s16 =	simm.s32 $0x7A00;
	[dreg:$0x13] =	wrdreg s13  }
0x12: {  	s17 =	simm.s32 $0x8200;
	s18 =	simm.s32 $0x8A00;
	[dreg:$0x14] =	wrdreg s14  }
0x13: {  	s19 =	simm.s32 $0x9200;
	s28 =	simm.s32 $0x16A00;
	[dreg:$0x15] =	wrdreg s15  }
0x14: {  	s29 =	simm.s32 $0x17200;
	s30 =	simm.s32 $0x17A00;
	[dreg:$0x16] =	wrdreg s16  }
0x15: {  	s31 =	simm.s32 $0x18200;
	s2 =	ssub.s32 $0x2, s2;
	[dreg:$0x17] =	wrdreg s17  }
0x16: {  	s20 =	sand.u32 $0x70, s8;
	s8 =	simm.s32 $0x3A00;
	[dreg:$0x18] =	wrdreg s18  }
0x17: {  	[dreg:$0x19] =	wrdreg s19;
	s23 =	simm.s32 $0xAA00;
	s24 =	simm.s32 $0xB200  }
0x18: {  	s25 =	simm.s32 $0xBA00;
	s26 =	simm.s32 $0xC200;
	s6 =	simm.s32 $0x200  }
0x19: {  	s9 =	simm.s32 $0xDA00;
	s10 =	simm.s32 $0xE200;
	s11 =	simm.s32 $0xEA00  }
0x1a: {  	s12 =	simm.s32 $0xF200;
	s13 =	simm.s32 $0xFA00;
	s14 =	simm.s32 $0x10200  }
0x1b: {  	s15 =	simm.s32 $0x10A00;
	s16 =	simm.s32 $0x11200;
	[dreg:$0xe] =	wrdreg s8  }
0x1c: {  	s17 =	simm.s32 $0x11A00;
	s18 =	simm.s32 $0x12200;
	[dreg:$0x1c] =	wrdreg s23  }
0x1d: {  	s19 =	simm.s32 $0x12A00;
	s4 =	sadd.s32 s20, s4;
	[dreg:$0x1d] =	wrdreg s24  }
0x1e: {  	s22 =	sadd.s32 s5, s21;
	s5 =	simm.s32 $0x2200;
	[dreg:$0x1e] =	wrdreg s25  }
0x1f: {  	s20 =	simm.s32 $0x9A00;
	s21 =	simm.s32 $0xA200;
	[dreg:$0x1f] =	wrdreg s26  }
0x20: {  	s23 =	simm.s32 $0x14A00;
	s24 =	simm.s32 $0x15200;
	[dreg:$0x5] =	wrdreg s22  }
0x21: {  	s25 =	simm.s32 $0x15A00;
	s26 =	simm.s32 $0x16200;
	[dreg:$0xb] =	wrdreg s5  }
0x22: {  	s4 =	sadd.s32 $0x98A00, s4;
	[dreg:$0x1a] =	wrdreg s20;
	s22 =	sshrl.u32 s2, $0x1  }
0x23: {  	v2 =	vlaneseq.u32;
	[dreg:$0x1b] =	wrdreg s21;
	s5 =	simm.s32 $0x2;
	s20 =	simm.s32 $0x13200  }
0x24: {  	vm0 =	vmmov $0xffff;
	v1 =	vshrl.u32 v2, $0x3;
	s21 =	simm.s32 $0x13A00;
	[dreg:$0x4] =	wrdreg s4;
	s2 =	ssub.s32 s2, s22  }
0x25: {  	v0 =	vand.u32 $0x7, v2;
	v2 =	vor.u32 $0x8, v2;
	v1 =	vmul.u32 $0x8, v1;
	s22 =	simm.s32 $0x14200;
	s4 =	smax.u32 s2, $0x1;
	s2 =	simm.s32 $0x1  }
.LBB2_1:
0x26: {  	s0 =	rddreg [dreg:$0x4]  }
0x27: {  	s7 =	rddreg [dreg:$0x6]  }
0x28: {  	s8 =	rddreg [dreg:$0x7]  }
0x29: {  	[tilespmem:s3], [sflag:$0x2] =	stream.strided.gather [hbm4b:s0+s7], $0x200, s8, s7, $0x38;
	[tilespmem:$0x18A00] =	vst v63  }
0x2a: {  	_ =	swait.ge [sflag:s5], $0x200  }
0x2b: {  	[sflag:s5] =	ssyncset.done $0x0  }
0x2c: {  	[sflag:s5] =	ssyncadd.s32 $0xFFFFFE00  }
0x2d: {  	v3 =	vld [tilespmem:$0x0];
	_ =	sdelay $0x4  }
0x2e: {  	v4 =	vshll.u32 v3, $0x1  }
0x2f: {  	v3 =	vand.u32 $0x7, v3;
	v4 =	vand.u32 $0xFFFFFFF0, v4  }
0x30: {  	v3 =	vor.u32 v3, v4  }
0x31: {  	v4 =	vperm.xlane v3, v0;
	_ =	sdelay $0x1  }
0x32: {  	v3 =	vperm.xlane v3, v2;
	v4 =	vadd.s32 v1, v4;
	_ =	sdelay $0x1  }
0x33: {  	v3 =	vadd.s32 v1, v3;
	_ =	sdelay $0x2  }
0x34: {  	[tilespmem:s6], [sflag:$0x1] =	stream.indirect_vreg.gather [hbm4b:s1+s3], $0x80, v4, vm0, $0xb8;
	[tilespmem:$0x18A00] =	vst v63  }
0x35: {  	s8 =	rddreg [dreg:$0x8]  }
0x36: {  	[tilespmem:s8], [sflag:$0x1] =	stream.indirect_vreg.gather [hbm4b:s1+s3], $0x80, v3, vm0, $0xb8;
	[tilespmem:$0x18A00] =	vst v63  }
0x37: {  	v3 =	vld [tilespmem:$0x10];
	_ =	sdelay $0x4  }
0x38: {  	v40 =	vshll.u32 v3, $0x1  }
0x39: {  	v3 =	vand.u32 $0x7, v3;
	v4 =	vand.u32 $0xFFFFFFF0, v40  }
0x3a: {  	v3 =	vor.u32 v3, v4  }
0x3b: {  	v4 =	vperm.xlane v3, v0;
	_ =	sdelay $0x1  }
0x3c: {  	v3 =	vperm.xlane v3, v2;
	v4 =	vadd.s32 v1, v4;
	_ =	sdelay $0x1  }
0x3d: {  	v3 =	vadd.s32 v1, v3;
	_ =	sdelay $0x1  }
0x3e: {  	s7 =	rddreg [dreg:$0x9]  }
0x3f: {  	[tilespmem:s7], [sflag:$0x1] =	stream.indirect_vreg.gather [hbm4b:s1+s3], $0x80, v4, vm0, $0xb8;
	[tilespmem:$0x18A00] =	vst v63  }
0x40: {  	s8 =	rddreg [dreg:$0xa]  }
0x41: {  	[tilespmem:s8], [sflag:$0x1] =	stream.indirect_vreg.gather [hbm4b:s1+s3], $0x80, v3, vm0, $0xb8;
	[tilespmem:$0x18A00] =	vst v63  }
0x42: {  	v3 =	vld [tilespmem:$0x20];
	_ =	sdelay $0x4  }
0x43: {  	v41 =	vshll.u32 v3, $0x1  }
0x44: {  	v3 =	vand.u32 $0x7, v3;
	v4 =	vand.u32 $0xFFFFFFF0, v41  }
0x45: {  	v3 =	vor.u32 v3, v4  }
0x46: {  	v4 =	vperm.xlane v3, v0;
	_ =	sdelay $0x1  }
0x47: {  	v3 =	vperm.xlane v3, v2;
	v4 =	vadd.s32 v1, v4;
	_ =	sdelay $0x1  }
0x48: {  	v3 =	vadd.s32 v1, v3;
	_ =	sdelay $0x1  }
0x49: {  	s7 =	rddreg [dreg:$0xb]  }
0x4a: {  	[tilespmem:s7], [sflag:$0x1] =	stream.indirect_vreg.gather [hbm4b:s1+s3], $0x80, v4, vm0, $0xb8;
	[tilespmem:$0x18A00] =	vst v63  }
0x4b: {  	s8 =	rddreg [dreg:$0xc]  }
0x4c: {  	[tilespmem:s8], [sflag:$0x1] =	stream.indirect_vreg.gather [hbm4b:s1+s3], $0x80, v3, vm0, $0xb8;
	[tilespmem:$0x18A00] =	vst v63  }
0x4d: {  	v3 =	vld [tilespmem:$0x30];
	_ =	sdelay $0x4  }
0x4e: {  	v42 =	vshll.u32 v3, $0x1  }
0x4f: {  	v3 =	vand.u32 $0x7, v3;
	v4 =	vand.u32 $0xFFFFFFF0, v42  }
0x50: {  	v3 =	vor.u32 v3, v4  }
0x51: {  	v4 =	vperm.xlane v3, v0;
	_ =	sdelay $0x1  }
0x52: {  	v3 =	vperm.xlane v3, v2;
	v4 =	vadd.s32 v1, v4;
	_ =	sdelay $0x1  }
0x53: {  	v3 =	vadd.s32 v1, v3;
	_ =	sdelay $0x1  }
0x54: {  	s7 =	rddreg [dreg:$0xd]  }
0x55: {  	[tilespmem:s7], [sflag:$0x1] =	stream.indirect_vreg.gather [hbm4b:s1+s3], $0x80, v4, vm0, $0xb8;
	[tilespmem:$0x18A00] =	vst v63  }
0x56: {  	s8 =	rddreg [dreg:$0xe]  }
0x57: {  	[tilespmem:s8], [sflag:$0x1] =	stream.indirect_vreg.gather [hbm4b:s1+s3], $0x80, v3, vm0, $0xb8;
	[tilespmem:$0x18A00] =	vst v63  }
0x58: {  	v3 =	vld [tilespmem:$0x40];
	_ =	sdelay $0x4  }
0x59: {  	v43 =	vshll.u32 v3, $0x1  }
0x5a: {  	v3 =	vand.u32 $0x7, v3;
	v4 =	vand.u32 $0xFFFFFFF0, v43  }
0x5b: {  	v3 =	vor.u32 v3, v4  }
0x5c: {  	v4 =	vperm.xlane v3, v0;
	_ =	sdelay $0x1  }
0x5d: {  	v3 =	vperm.xlane v3, v2;
	v4 =	vadd.s32 v1, v4;
	_ =	sdelay $0x1  }
0x5e: {  	v3 =	vadd.s32 v1, v3;
	_ =	sdelay $0x1  }
0x5f: {  	s7 =	rddreg [dreg:$0xf]  }
0x60: {  	[tilespmem:s7], [sflag:$0x1] =	stream.indirect_vreg.gather [hbm4b:s1+s3], $0x80, v4, vm0, $0xb8;
	[tilespmem:$0x18A00] =	vst v63  }
0x61: {  	s8 =	rddreg [dreg:$0x10]  }
0x62: {  	[tilespmem:s8], [sflag:$0x1] =	stream.indirect_vreg.gather [hbm4b:s1+s3], $0x80, v3, vm0, $0xb8;
	[tilespmem:$0x18A00] =	vst v63  }
0x63: {  	v3 =	vld [tilespmem:$0x50];
	_ =	sdelay $0x4  }
0x64: {  	v44 =	vshll.u32 v3, $0x1  }
0x65: {  	v3 =	vand.u32 $0x7, v3;
	v4 =	vand.u32 $0xFFFFFFF0, v44  }
0x66: {  	v3 =	vor.u32 v3, v4  }
0x67: {  	v4 =	vperm.xlane v3, v0;
	_ =	sdelay $0x1  }
0x68: {  	v3 =	vperm.xlane v3, v2;
	v4 =	vadd.s32 v1, v4;
	_ =	sdelay $0x1  }
0x69: {  	v3 =	vadd.s32 v1, v3;
	_ =	sdelay $0x1  }
0x6a: {  	s7 =	rddreg [dreg:$0x11]  }
0x6b: {  	[tilespmem:s7], [sflag:$0x1] =	stream.indirect_vreg.gather [hbm4b:s1+s3], $0x80, v4, vm0, $0xb8;
	[tilespmem:$0x18A00] =	vst v63  }
0x6c: {  	s8 =	rddreg [dreg:$0x12]  }
0x6d: {  	[tilespmem:s8], [sflag:$0x1] =	stream.indirect_vreg.gather [hbm4b:s1+s3], $0x80, v3, vm0, $0xb8;
	[tilespmem:$0x18A00] =	vst v63  }
0x6e: {  	v3 =	vld [tilespmem:$0x60];
	_ =	sdelay $0x4  }
0x6f: {  	v45 =	vshll.u32 v3, $0x1  }
0x70: {  	v3 =	vand.u32 $0x7, v3;
	v4 =	vand.u32 $0xFFFFFFF0, v45  }
0x71: {  	v3 =	vor.u32 v3, v4  }
0x72: {  	v4 =	vperm.xlane v3, v0;
	_ =	sdelay $0x1  }
0x73: {  	v3 =	vperm.xlane v3, v2;
	v4 =	vadd.s32 v1, v4;
	_ =	sdelay $0x1  }
0x74: {  	v3 =	vadd.s32 v1, v3;
	_ =	sdelay $0x1  }
0x75: {  	s7 =	rddreg [dreg:$0x13]  }
0x76: {  	[tilespmem:s7], [sflag:$0x1] =	stream.indirect_vreg.gather [hbm4b:s1+s3], $0x80, v4, vm0, $0xb8;
	[tilespmem:$0x18A00] =	vst v63  }
0x77: {  	s8 =	rddreg [dreg:$0x14]  }
0x78: {  	[tilespmem:s8], [sflag:$0x1] =	stream.indirect_vreg.gather [hbm4b:s1+s3], $0x80, v3, vm0, $0xb8;
	[tilespmem:$0x18A00] =	vst v63  }
0x79: {  	v3 =	vld [tilespmem:$0x70];
	_ =	sdelay $0x4  }
0x7a: {  	v46 =	vshll.u32 v3, $0x1  }
0x7b: {  	v3 =	vand.u32 $0x7, v3;
	v4 =	vand.u32 $0xFFFFFFF0, v46  }
0x7c: {  	v3 =	vor.u32 v3, v4  }
0x7d: {  	v4 =	vperm.xlane v3, v0;
	_ =	sdelay $0x1  }
0x7e: {  	v3 =	vperm.xlane v3, v2;
	v4 =	vadd.s32 v1, v4;
	_ =	sdelay $0x1  }
0x7f: {  	v3 =	vadd.s32 v1, v3;
	_ =	sdelay $0x1  }
0x80: {  	s7 =	rddreg [dreg:$0x15]  }
0x81: {  	[tilespmem:s7], [sflag:$0x1] =	stream.indirect_vreg.gather [hbm4b:s1+s3], $0x80, v4, vm0, $0xb8;
	[tilespmem:$0x18A00] =	vst v63  }
0x82: {  	s8 =	rddreg [dreg:$0x16]  }
0x83: {  	[tilespmem:s8], [sflag:$0x1] =	stream.indirect_vreg.gather [hbm4b:s1+s3], $0x80, v3, vm0, $0xb8;
	[tilespmem:$0x18A00] =	vst v63  }
0x84: {  	v3 =	vld [tilespmem:$0x80];
	_ =	sdelay $0x4  }
0x85: {  	v47 =	vshll.u32 v3, $0x1  }
0x86: {  	v3 =	vand.u32 $0x7, v3;
	v4 =	vand.u32 $0xFFFFFFF0, v47  }
0x87: {  	v3 =	vor.u32 v3, v4  }
0x88: {  	v4 =	vperm.xlane v3, v0;
	_ =	sdelay $0x1  }
0x89: {  	v3 =	vperm.xlane v3, v2;
	v4 =	vadd.s32 v1, v4;
	_ =	sdelay $0x1  }
0x8a: {  	v3 =	vadd.s32 v1, v3;
	_ =	sdelay $0x1  }
0x8b: {  	s7 =	rddreg [dreg:$0x17]  }
0x8c: {  	[tilespmem:s7], [sflag:$0x1] =	stream.indirect_vreg.gather [hbm4b:s1+s3], $0x80, v4, vm0, $0xb8;
	[tilespmem:$0x18A00] =	vst v63  }
0x8d: {  	s8 =	rddreg [dreg:$0x18]  }
0x8e: {  	[tilespmem:s8], [sflag:$0x1] =	stream.indirect_vreg.gather [hbm4b:s1+s3], $0x80, v3, vm0, $0xb8;
	[tilespmem:$0x18A00] =	vst v63  }
0x8f: {  	v3 =	vld [tilespmem:$0x90];
	_ =	sdelay $0x4  }
0x90: {  	v48 =	vshll.u32 v3, $0x1  }
0x91: {  	v3 =	vand.u32 $0x7, v3;
	v4 =	vand.u32 $0xFFFFFFF0, v48  }
0x92: {  	v3 =	vor.u32 v3, v4  }
0x93: {  	v4 =	vperm.xlane v3, v0;
	_ =	sdelay $0x1  }
0x94: {  	v3 =	vperm.xlane v3, v2;
	v4 =	vadd.s32 v1, v4;
	_ =	sdelay $0x1  }
0x95: {  	v3 =	vadd.s32 v1, v3;
	_ =	sdelay $0x1  }
0x96: {  	s7 =	rddreg [dreg:$0x19]  }
0x97: {  	[tilespmem:s7], [sflag:$0x1] =	stream.indirect_vreg.gather [hbm4b:s1+s3], $0x80, v4, vm0, $0xb8;
	[tilespmem:$0x18A00] =	vst v63  }
0x98: {  	s8 =	rddreg [dreg:$0x1a]  }
0x99: {  	[tilespmem:s8], [sflag:$0x1] =	stream.indirect_vreg.gather [hbm4b:s1+s3], $0x80, v3, vm0, $0xb8;
	[tilespmem:$0x18A00] =	vst v63  }
0x9a: {  	v3 =	vld [tilespmem:$0xA0];
	_ =	sdelay $0x4  }
0x9b: {  	v49 =	vshll.u32 v3, $0x1  }
0x9c: {  	v3 =	vand.u32 $0x7, v3;
	v4 =	vand.u32 $0xFFFFFFF0, v49  }
0x9d: {  	v3 =	vor.u32 v3, v4  }
0x9e: {  	v4 =	vperm.xlane v3, v0;
	_ =	sdelay $0x1  }
0x9f: {  	v3 =	vperm.xlane v3, v2;
	v4 =	vadd.s32 v1, v4;
	_ =	sdelay $0x1  }
0xa0: {  	v3 =	vadd.s32 v1, v3;
	_ =	sdelay $0x1  }
0xa1: {  	s7 =	rddreg [dreg:$0x1b]  }
0xa2: {  	[tilespmem:s7], [sflag:$0x1] =	stream.indirect_vreg.gather [hbm4b:s1+s3], $0x80, v4, vm0, $0xb8;
	[tilespmem:$0x18A00] =	vst v63  }
0xa3: {  	s8 =	rddreg [dreg:$0x1c]  }
0xa4: {  	[tilespmem:s8], [sflag:$0x1] =	stream.indirect_vreg.gather [hbm4b:s1+s3], $0x80, v3, vm0, $0xb8;
	[tilespmem:$0x18A00] =	vst v63  }
0xa5: {  	v3 =	vld [tilespmem:$0xB0];
	_ =	sdelay $0x4  }
0xa6: {  	v50 =	vshll.u32 v3, $0x1  }
0xa7: {  	v3 =	vand.u32 $0x7, v3;
	v4 =	vand.u32 $0xFFFFFFF0, v50  }
0xa8: {  	v3 =	vor.u32 v3, v4  }
0xa9: {  	v4 =	vperm.xlane v3, v0;
	_ =	sdelay $0x1  }
0xaa: {  	v3 =	vperm.xlane v3, v2;
	v4 =	vadd.s32 v1, v4;
	_ =	sdelay $0x1  }
0xab: {  	v3 =	vadd.s32 v1, v3;
	_ =	sdelay $0x1  }
0xac: {  	s7 =	rddreg [dreg:$0x1d]  }
0xad: {  	[tilespmem:s7], [sflag:$0x1] =	stream.indirect_vreg.gather [hbm4b:s1+s3], $0x80, v4, vm0, $0xb8;
	[tilespmem:$0x18A00] =	vst v63  }
0xae: {  	s8 =	rddreg [dreg:$0x1e]  }
0xaf: {  	[tilespmem:s8], [sflag:$0x1] =	stream.indirect_vreg.gather [hbm4b:s1+s3], $0x80, v3, vm0, $0xb8;
	[tilespmem:$0x18A00] =	vst v63  }
0xb0: {  	v3 =	vld [tilespmem:$0xC0];
	_ =	sdelay $0x4  }
0xb1: {  	v51 =	vshll.u32 v3, $0x1  }
0xb2: {  	v3 =	vand.u32 $0x7, v3;
	v4 =	vand.u32 $0xFFFFFFF0, v51  }
0xb3: {  	v3 =	vor.u32 v3, v4  }
0xb4: {  	v4 =	vperm.xlane v3, v0;
	_ =	sdelay $0x1  }
0xb5: {  	v3 =	vperm.xlane v3, v2;
	v4 =	vadd.s32 v1, v4;
	_ =	sdelay $0x1  }
0xb6: {  	v3 =	vadd.s32 v1, v3;
	_ =	sdelay $0x1  }
0xb7: {  	s7 =	rddreg [dreg:$0x1f]  }
0xb8: {  	[tilespmem:s7], [sflag:$0x1] =	stream.indirect_vreg.gather [hbm4b:s1+s3], $0x80, v4, vm0, $0xb8;
	[tilespmem:$0x18A00] =	vst v63  }
0xb9: {  	s8 =	simm.s32 $0xCA00  }
0xba: {  	[tilespmem:s8], [sflag:$0x1] =	stream.indirect_vreg.gather [hbm4b:s1+s3], $0x80, v3, vm0, $0xb8;
	[tilespmem:$0x18A00] =	vst v63  }
0xbb: {  	v3 =	vld [tilespmem:$0xD0];
	_ =	sdelay $0x4  }
0xbc: {  	v52 =	vshll.u32 v3, $0x1  }
0xbd: {  	v3 =	vand.u32 $0x7, v3;
	v4 =	vand.u32 $0xFFFFFFF0, v52  }
0xbe: {  	v3 =	vor.u32 v3, v4  }
0xbf: {  	v4 =	vperm.xlane v3, v0;
	_ =	sdelay $0x1  }
0xc0: {  	v3 =	vperm.xlane v3, v2;
	v4 =	vadd.s32 v1, v4;
	_ =	sdelay $0x1  }
0xc1: {  	v3 =	vadd.s32 v1, v3;
	_ =	sdelay $0x1  }
0xc2: {  	s7 =	simm.s32 $0xD200  }
0xc3: {  	[tilespmem:s7], [sflag:$0x1] =	stream.indirect_vreg.gather [hbm4b:s1+s3], $0x80, v4, vm0, $0xb8;
	[tilespmem:$0x18A00] =	vst v63  }
0xc4: {  	_ = 	snop  }
0xc5: {  	[tilespmem:s9], [sflag:$0x1] =	stream.indirect_vreg.gather [hbm4b:s1+s3], $0x80, v3, vm0, $0xb8;
	[tilespmem:$0x18A00] =	vst v63  }
0xc6: {  	v3 =	vld [tilespmem:$0xE0];
	_ =	sdelay $0x4  }
0xc7: {  	v53 =	vshll.u32 v3, $0x1  }
0xc8: {  	v3 =	vand.u32 $0x7, v3;
	v4 =	vand.u32 $0xFFFFFFF0, v53  }
0xc9: {  	v3 =	vor.u32 v3, v4  }
0xca: {  	v4 =	vperm.xlane v3, v0;
	_ =	sdelay $0x1  }
0xcb: {  	v3 =	vperm.xlane v3, v2;
	v4 =	vadd.s32 v1, v4;
	_ =	sdelay $0x1  }
0xcc: {  	v3 =	vadd.s32 v1, v3;
	_ =	sdelay $0x2  }
0xcd: {  	[tilespmem:s10], [sflag:$0x1] =	stream.indirect_vreg.gather [hbm4b:s1+s3], $0x80, v4, vm0, $0xb8;
	[tilespmem:$0x18A00] =	vst v63  }
0xce: {  	_ = 	snop  }
0xcf: {  	[tilespmem:s11], [sflag:$0x1] =	stream.indirect_vreg.gather [hbm4b:s1+s3], $0x80, v3, vm0, $0xb8;
	[tilespmem:$0x18A00] =	vst v63  }
0xd0: {  	v3 =	vld [tilespmem:$0xF0];
	_ =	sdelay $0x4  }
0xd1: {  	v54 =	vshll.u32 v3, $0x1  }
0xd2: {  	v3 =	vand.u32 $0x7, v3;
	v4 =	vand.u32 $0xFFFFFFF0, v54  }
0xd3: {  	v3 =	vor.u32 v3, v4  }
0xd4: {  	v4 =	vperm.xlane v3, v0;
	_ =	sdelay $0x1  }
0xd5: {  	v3 =	vperm.xlane v3, v2;
	v4 =	vadd.s32 v1, v4;
	_ =	sdelay $0x1  }
0xd6: {  	v3 =	vadd.s32 v1, v3;
	_ =	sdelay $0x2  }
0xd7: {  	[tilespmem:s12], [sflag:$0x1] =	stream.indirect_vreg.gather [hbm4b:s1+s3], $0x80, v4, vm0, $0xb8;
	[tilespmem:$0x18A00] =	vst v63  }
0xd8: {  	_ = 	snop  }
0xd9: {  	[tilespmem:s13], [sflag:$0x1] =	stream.indirect_vreg.gather [hbm4b:s1+s3], $0x80, v3, vm0, $0xb8;
	[tilespmem:$0x18A00] =	vst v63  }
0xda: {  	v3 =	vld [tilespmem:$0x100];
	_ =	sdelay $0x4  }
0xdb: {  	v55 =	vshll.u32 v3, $0x1  }
0xdc: {  	v3 =	vand.u32 $0x7, v3;
	v4 =	vand.u32 $0xFFFFFFF0, v55  }
0xdd: {  	v3 =	vor.u32 v3, v4  }
0xde: {  	v4 =	vperm.xlane v3, v0;
	_ =	sdelay $0x1  }
0xdf: {  	v3 =	vperm.xlane v3, v2;
	v4 =	vadd.s32 v1, v4;
	_ =	sdelay $0x1  }
0xe0: {  	v3 =	vadd.s32 v1, v3;
	_ =	sdelay $0x2  }
0xe1: {  	[tilespmem:s14], [sflag:$0x1] =	stream.indirect_vreg.gather [hbm4b:s1+s3], $0x80, v4, vm0, $0xb8;
	[tilespmem:$0x18A00] =	vst v63  }
0xe2: {  	_ = 	snop  }
0xe3: {  	[tilespmem:s15], [sflag:$0x1] =	stream.indirect_vreg.gather [hbm4b:s1+s3], $0x80, v3, vm0, $0xb8;
	[tilespmem:$0x18A00] =	vst v63  }
0xe4: {  	v3 =	vld [tilespmem:$0x110];
	_ =	sdelay $0x4  }
0xe5: {  	v56 =	vshll.u32 v3, $0x1  }
0xe6: {  	v3 =	vand.u32 $0x7, v3;
	v4 =	vand.u32 $0xFFFFFFF0, v56  }
0xe7: {  	v3 =	vor.u32 v3, v4  }
0xe8: {  	v4 =	vperm.xlane v3, v0;
	_ =	sdelay $0x1  }
0xe9: {  	v3 =	vperm.xlane v3, v2;
	v4 =	vadd.s32 v1, v4;
	_ =	sdelay $0x1  }
0xea: {  	v3 =	vadd.s32 v1, v3;
	_ =	sdelay $0x2  }
0xeb: {  	[tilespmem:s16], [sflag:$0x1] =	stream.indirect_vreg.gather [hbm4b:s1+s3], $0x80, v4, vm0, $0xb8;
	[tilespmem:$0x18A00] =	vst v63  }
0xec: {  	_ = 	snop  }
0xed: {  	[tilespmem:s17], [sflag:$0x1] =	stream.indirect_vreg.gather [hbm4b:s1+s3], $0x80, v3, vm0, $0xb8;
	[tilespmem:$0x18A00] =	vst v63  }
0xee: {  	v3 =	vld [tilespmem:$0x120];
	_ =	sdelay $0x4  }
0xef: {  	v57 =	vshll.u32 v3, $0x1  }
0xf0: {  	v3 =	vand.u32 $0x7, v3;
	v4 =	vand.u32 $0xFFFFFFF0, v57  }
0xf1: {  	v3 =	vor.u32 v3, v4  }
0xf2: {  	v4 =	vperm.xlane v3, v0;
	_ =	sdelay $0x1  }
0xf3: {  	v3 =	vperm.xlane v3, v2;
	v4 =	vadd.s32 v1, v4;
	_ =	sdelay $0x1  }
0xf4: {  	v3 =	vadd.s32 v1, v3;
	_ =	sdelay $0x2  }
0xf5: {  	[tilespmem:s18], [sflag:$0x1] =	stream.indirect_vreg.gather [hbm4b:s1+s3], $0x80, v4, vm0, $0xb8;
	[tilespmem:$0x18A00] =	vst v63  }
0xf6: {  	_ = 	snop  }
0xf7: {  	[tilespmem:s19], [sflag:$0x1] =	stream.indirect_vreg.gather [hbm4b:s1+s3], $0x80, v3, vm0, $0xb8;
	[tilespmem:$0x18A00] =	vst v63  }
0xf8: {  	v3 =	vld [tilespmem:$0x130];
	_ =	sdelay $0x4  }
0xf9: {  	v58 =	vshll.u32 v3, $0x1  }
0xfa: {  	v3 =	vand.u32 $0x7, v3;
	v4 =	vand.u32 $0xFFFFFFF0, v58  }
0xfb: {  	v3 =	vor.u32 v3, v4  }
0xfc: {  	v4 =	vperm.xlane v3, v0;
	_ =	sdelay $0x1  }
0xfd: {  	v3 =	vperm.xlane v3, v2;
	v4 =	vadd.s32 v1, v4;
	_ =	sdelay $0x1  }
0xfe: {  	v3 =	vadd.s32 v1, v3;
	_ =	sdelay $0x2  }
0xff: {  	[tilespmem:s20], [sflag:$0x1] =	stream.indirect_vreg.gather [hbm4b:s1+s3], $0x80, v4, vm0, $0xb8;
	[tilespmem:$0x18A00] =	vst v63  }
0x100: {  	_ = 	snop  }
0x101: {  	[tilespmem:s21], [sflag:$0x1] =	stream.indirect_vreg.gather [hbm4b:s1+s3], $0x80, v3, vm0, $0xb8;
	[tilespmem:$0x18A00] =	vst v63  }
0x102: {  	v3 =	vld [tilespmem:$0x140];
	_ =	sdelay $0x4  }
0x103: {  	v59 =	vshll.u32 v3, $0x1  }
0x104: {  	v3 =	vand.u32 $0x7, v3;
	v4 =	vand.u32 $0xFFFFFFF0, v59  }
0x105: {  	v3 =	vor.u32 v3, v4  }
0x106: {  	v4 =	vperm.xlane v3, v0;
	_ =	sdelay $0x1  }
0x107: {  	v3 =	vperm.xlane v3, v2;
	v4 =	vadd.s32 v1, v4;
	_ =	sdelay $0x1  }
0x108: {  	v3 =	vadd.s32 v1, v3;
	_ =	sdelay $0x2  }
0x109: {  	[tilespmem:s22], [sflag:$0x1] =	stream.indirect_vreg.gather [hbm4b:s1+s3], $0x80, v4, vm0, $0xb8;
	[tilespmem:$0x18A00] =	vst v63  }
0x10a: {  	_ = 	snop  }
0x10b: {  	[tilespmem:s23], [sflag:$0x1] =	stream.indirect_vreg.gather [hbm4b:s1+s3], $0x80, v3, vm0, $0xb8;
	[tilespmem:$0x18A00] =	vst v63  }
0x10c: {  	v3 =	vld [tilespmem:$0x150];
	_ =	sdelay $0x4  }
0x10d: {  	v60 =	vshll.u32 v3, $0x1  }
0x10e: {  	v3 =	vand.u32 $0x7, v3;
	v4 =	vand.u32 $0xFFFFFFF0, v60  }
0x10f: {  	v3 =	vor.u32 v3, v4  }
0x110: {  	v4 =	vperm.xlane v3, v0;
	_ =	sdelay $0x1  }
0x111: {  	v3 =	vperm.xlane v3, v2;
	v4 =	vadd.s32 v1, v4;
	_ =	sdelay $0x1  }
0x112: {  	v3 =	vadd.s32 v1, v3;
	_ =	sdelay $0x2  }
0x113: {  	[tilespmem:s24], [sflag:$0x1] =	stream.indirect_vreg.gather [hbm4b:s1+s3], $0x80, v4, vm0, $0xb8;
	[tilespmem:$0x18A00] =	vst v63  }
0x114: {  	_ = 	snop  }
0x115: {  	[tilespmem:s25], [sflag:$0x1] =	stream.indirect_vreg.gather [hbm4b:s1+s3], $0x80, v3, vm0, $0xb8;
	[tilespmem:$0x18A00] =	vst v63  }
0x116: {  	v3 =	vld [tilespmem:$0x160];
	_ =	sdelay $0x4  }
0x117: {  	v61 =	vshll.u32 v3, $0x1  }
0x118: {  	v3 =	vand.u32 $0x7, v3;
	v4 =	vand.u32 $0xFFFFFFF0, v61  }
0x119: {  	v3 =	vor.u32 v3, v4  }
0x11a: {  	v4 =	vperm.xlane v3, v0;
	_ =	sdelay $0x1  }
0x11b: {  	v3 =	vperm.xlane v3, v2;
	v4 =	vadd.s32 v1, v4;
	_ =	sdelay $0x1  }
0x11c: {  	v3 =	vadd.s32 v1, v3;
	_ =	sdelay $0x2  }
0x11d: {  	[tilespmem:s26], [sflag:$0x1] =	stream.indirect_vreg.gather [hbm4b:s1+s3], $0x80, v4, vm0, $0xb8;
	[tilespmem:$0x18A00] =	vst v63  }
0x11e: {  	_ = 	snop  }
0x11f: {  	[tilespmem:s28], [sflag:$0x1] =	stream.indirect_vreg.gather [hbm4b:s1+s3], $0x80, v3, vm0, $0xb8;
	[tilespmem:$0x18A00] =	vst v63  }
0x120: {  	v3 =	vld [tilespmem:$0x170];
	_ =	sdelay $0x4  }
0x121: {  	v62 =	vshll.u32 v3, $0x1  }
0x122: {  	v3 =	vand.u32 $0x7, v3;
	v4 =	vand.u32 $0xFFFFFFF0, v62  }
0x123: {  	v3 =	vor.u32 v3, v4  }
0x124: {  	v4 =	vperm.xlane v3, v0;
	_ =	sdelay $0x1  }
0x125: {  	v3 =	vperm.xlane v3, v2;
	v4 =	vadd.s32 v1, v4;
	_ =	sdelay $0x1  }
0x126: {  	v3 =	vadd.s32 v1, v3;
	_ =	sdelay $0x2  }
0x127: {  	[tilespmem:s29], [sflag:$0x1] =	stream.indirect_vreg.gather [hbm4b:s1+s3], $0x80, v4, vm0, $0xb8;
	[tilespmem:$0x18A00] =	vst v63  }
0x128: {  	_ = 	snop  }
0x129: {  	[tilespmem:s30], [sflag:$0x1] =	stream.indirect_vreg.gather [hbm4b:s1+s3], $0x80, v3, vm0, $0xb8;
	[tilespmem:$0x18A00] =	vst v63  }
0x12a: {  	v3 =	vld.msk [tilespmem:$0x180], $0xff;
	_ =	sdelay $0x4  }
0x12b: {  	v63 =	vshll.u32 v3, $0x1  }
0x12c: {  	v3 =	vand.u32 $0x7, v3;
	v4 =	vand.u32 $0xFFFFFFF0, v63  }
0x12d: {  	v3 =	vor.u32 v3, v4  }
0x12e: {  	v3 =	vperm.xlane v3, v0;
	_ =	sdelay $0x1  }
0x12f: {  	v3 =	vadd.s32 v1, v3;
	_ =	sdelay $0x4  }
0x130: {  	[tilespmem:s31], [sflag:$0x1] =	stream.indirect_vreg.gather [hbm4b:s1+s3], $0x80, v3, vm0, $0xb8;
	[tilespmem:$0x18A00] =	vst v63  }
0x131: {  	_ =	swait.ge [sflag:s2], $0x18800  }
0x132: {  	p0 =	sne.s32 s4, $0x1;
	[sflag:s2] =	ssyncset.done $0x0  }
.Ltmp0:
0x133: {  	s8 =	rddreg [dreg:$0x5];
	[sflag:s2] =	ssyncadd.s32 $0xFFFE7800;
	(pc) =	sbr.rel @p0 .LBB2_1-.Ltmp0, $4  }
0x134: {  	[hbm4b:s8+s3] =	stream.linear.scatter [tilespmem:s6], [sflag:$0x2], $0x18800, $0x38;
	[tilespmem:$0x18A00] =	vst v63  }
0x135: {  	_ =	swait.ge [sflag:s5], $0x18800  }
0x136: {  	[sflag:s5] =	ssyncset.done $0x0  }
0x137: {  	s4 =	sadd.s32 $0xFFFFFFFF, s4;
	[sflag:s5] =	ssyncadd.s32 $0xFFFE7800  }
0x138: {  	_ =	sfence.sel $0x180000  }
0x139: {  	[bflag:$0x0] =	sbarrier.arrive $0xFFFF  }
0x13a: {  	_ =	strace $0x9000004A  }
0x13b: {  	s0 =	stileid.u32;
	[bflag:$0x2] =	sbarrier.arrive $0xFFFF  }
0x13c: {  	p0 =	sne.s32 s0, $0x0;
	s0 =	rddreg [dreg:$0x3]  }
0x13d: {  	s0 =	sadd.s32 @!p0 $0x100000, s0  }
0x13e: {  	[sflag:s0] =	ssyncadd.tile.s32 @!p0 $0x1;
	_ =	shalt  }
.Lfunc_end2:
_tile_overlayer_lowered:
.L_overlay_start_2:
0x13f: {  	(tag) =	ssettag $0x2  }
0x140: {  	s0 =	rddreg [dreg:$0x0];
	s2 =	stileid.u32  }
0x141: {  	s1 =	rddreg [dreg:$0x1];
	p0 =	sne.s32 s2, $0x0  }
0x142: {  	s3 =	rddreg [dreg:$0x2];
	[bflag:$0x3] =	sbarrier.arrive $0xFFFF;
	s2 =	simm.s32 @!p0 $0x1C02  }
0x143: {  	[timem:s3], [sflag:s2] =	dma.local @!p0 [hbm:s0], s1  }
0x144: {  	s0 =	simm.s32 @!p0 $0x2  }
0x145: {  	_ =	swait.ge @!p0 [sflag:s0], s1  }
0x146: {  	s1 =	ssub.s32 @!p0 $0x0, s1;
	[sflag:s0] =	ssyncset.done @!p0 $0x0  }
0x147: {  	[sflag:s0] =	ssyncadd.s32 @!p0 s1  }
0x148: {  	[bflag:$0x3] =	sbarrier.arrive $0xFFFF  }
0x149: {  	_ =	shalt  }

// kernel: kernel.8.cloned.1.call-start
scs
__scs_entry_jumppad:
0x0: {  	(pc) =	sbr.rel $0x88, $3  }
0x1: {  	(tag) =	ssettag $0x0;
	lr =	simm.s32 $0x1  }
0x2: {  	[smem:$0x3F95] =	sst lr;
	_ =	strace $0xD0000000  }
0x3: {  	_ = 	snop  }
0x4: {  	_ = 	snop  }
0x5: {  	_ = 	snop  }
0x6: {  	_ = 	snop  }
0x7: {  	_ = 	snop  }
__scs_overlays_trampoline_lowered:
0x8: {  	[smem:$0x3FA4] =	sst s0  }
0x9: {  	[smem:$0x3FA5] =	sst s1  }
0xa: {  	[smem:$0x3FA6] =	sst s2  }
0xb: {  	[smem:$0x3FA7] =	sst s3  }
0xc: {  	[smem:$0x3FA8] =	sst s4  }
0xd: {  	[smem:$0x3FA9] =	sst s5  }
0xe: {  	[smem:$0x3FAA] =	sst s6  }
0xf: {  	[smem:$0x3FAB] =	sst s7  }
0x10: {  	[smem:$0x3FAC] =	sst s8  }
0x11: {  	[smem:$0x3FAD] =	sst s9;
	s0 =	simm.s32 @!p0 $0x0  }
0x12: {  	s1 =	sld [smem:$0x3F93];
	s0 =	simm.s32 @p0 $0x1  }
0x13: {  	[smem:$0x3FAE] =	sst s0;
	s0 =	simm.s32 @!p1 $0x0  }
0x14: {  	s2 =	sld [smem:$0x3F92];
	s0 =	simm.s32 @p1 $0x1  }
0x15: {  	[smem:$0x3FAF] =	sst s0;
	s0 =	simm.s32 @!p2 $0x0  }
0x16: {  	s3 =	sld [smem:$0x3FDB];
	s0 =	simm.s32 @p2 $0x1  }
0x17: {  	s4 =	simm.s32 $0x1BF5;
	[smem:$0x3FB1] =	sst s0  }
0x18: {  	s0 =	sld [smem:$0x3F94];
	_ =	swait.ge [sflag:s4], $0x0  }
0x19: {  	s7 =	sld [smem:$0x3F95]  }
0x1a: {  	s8 =	sadd.s32 $0xFFFFE003, lr  }
0x1b: {  	s9 =	sadd.s32 $0xFFFFFEF7, lr;
	s5 =	simm.s32 $0xFFFFFFFF;
	p2 =	slt.u32 s8, $0xFFFFF086  }
0x1c: {  	p1 =	slt.u32 s9, $0xF7A;
	s5 =	simm.s32 @!p2 $0x0  }
0x1d: {  	s5 =	simm.s32 @p1 $0x1;
	p0 =	seq.s32 s7, s2  }
0x1e: {  	s7 =	smul.u32 @!p0 $0xF7A, s2;
	p2 =	seq.s32 @!p0 s5, $0x0  }
0x1f: {  	s9 =	smul.u32 $0xF7A, s1;
	s8 =	simm.s32 @!p0 $0x1BF5;
	p2 =	por !p2, p0  }
0x20: {  	[sflag:s8] =	ssyncset.s32 @!p0 $0xFFFFF086;
	s6 =	sadd.s32 @!p0 s3, s7;
	s7 =	simm.s32 @!p0 $0x108  }
0x21: {  	s3 =	sadd.s32 s3, s9;
	s6 =	sadd.s32 @!p0 $0x88, s6;
	s7 =	simm.s32 @p2 $0x1082  }
0x22: {  	[simem:s7], [sflag:s8] =	dma.local @!p0 [hbm:s6], $0xF7A  }
0x23: {  	s9 =	sor.u32 $0xD0000000, s2;
	s6 =	simm.s32 $0x108;
	_ =	swait.ge @!p0 [sflag:s8], $0x0  }
0x24: {  	s3 =	sadd.s32 $0x88, s3;
	s6 =	simm.s32 @!p1 $0x1082;
	[sflag:s4] =	ssyncset.s32 $0xFFFFF086  }
0x25: {  	[simem:s6], [sflag:s4] =	dma.local [hbm:s3], $0xF7A  }
0x26: {  	[smem:$0x3F95] =	sst s1;
	(tag) =	ssettag s2;
	_ =	strace s9  }
0x27: {  	s1 =	sld [smem:$0x3FA5]  }
0x28: {  	s2 =	sld [smem:$0x3FA6]  }
0x29: {  	s4 =	sld [smem:$0x3FA8]  }
0x2a: {  	p0 =	seq.s32 s5, $0x0;
	s5 =	sld [smem:$0x3FA9]  }
0x2b: {  	s6 =	sld [smem:$0x3FAA]  }
0x2c: {  	s7 =	sld [smem:$0x3FAB]  }
0x2d: {  	s3 =	simm.s32 $0x108;
	s8 =	sld [smem:$0x3FAC]  }
0x2e: {  	s3 =	simm.s32 @!p0 $0x1082;
	s9 =	sld [smem:$0x3FAD]  }
0x2f: {  	lr =	sadd.s32 s0, s3;
	s0 =	sld [smem:$0x3FA4]  }
0x30: {  	s3 =	sld [smem:$0x3FA7]  }
0x31: {  	[smem:$0x3FB0] =	sst s10  }
0x32: {  	s10 =	sld [smem:$0x3FAE];
	_ =	sdelay $0x3  }
0x33: {  	p0 =	seq.s32 s10, $0x1;
	s10 =	sld [smem:$0x3FB0];
	_ =	sdelay $0x3  }
0x34: {  	[smem:$0x3FB0] =	sst s10  }
0x35: {  	s10 =	sld [smem:$0x3FAF];
	_ =	sdelay $0x3  }
0x36: {  	p1 =	seq.s32 s10, $0x1;
	s10 =	sld [smem:$0x3FB0];
	_ =	sdelay $0x3  }
0x37: {  	[smem:$0x3FB0] =	sst s10  }
0x38: {  	s10 =	sld [smem:$0x3FB1]  }
0x39: {  	_ = 	snop;
	(pc) =	sbr.ind lr, $3  }
0x3a: {  	_ = 	snop  }
0x3b: {  	_ = 	snop  }
0x3c: {  	p2 =	seq.s32 s10, $0x1;
	s10 =	sld [smem:$0x3FB0]  }
0x3d: {  	_ =	shalt  }
0x3e: {  	_ =	shalt  }
0x3f: {  	_ =	shalt  }
0x40: {  	_ =	shalt  }
0x41: {  	_ =	shalt  }
0x42: {  	_ =	shalt  }
0x43: {  	_ =	shalt  }
0x44: {  	_ =	shalt  }
0x45: {  	_ =	shalt  }
0x46: {  	_ =	shalt  }
0x47: {  	_ =	shalt  }
0x48: {  	_ =	shalt  }
0x49: {  	_ =	shalt  }
0x4a: {  	_ =	shalt  }
0x4b: {  	_ =	shalt  }
0x4c: {  	_ =	shalt  }
0x4d: {  	_ =	shalt  }
0x4e: {  	_ =	shalt  }
0x4f: {  	_ =	shalt  }
0x50: {  	_ =	shalt  }
0x51: {  	_ =	shalt  }
0x52: {  	_ =	shalt  }
0x53: {  	_ =	shalt  }
0x54: {  	_ =	shalt  }
0x55: {  	_ =	shalt  }
0x56: {  	_ =	shalt  }
0x57: {  	_ =	shalt  }
0x58: {  	_ =	shalt  }
0x59: {  	_ =	shalt  }
0x5a: {  	_ =	shalt  }
0x5b: {  	_ =	shalt  }
0x5c: {  	_ =	shalt  }
0x5d: {  	_ =	shalt  }
0x5e: {  	_ =	shalt  }
0x5f: {  	_ =	shalt  }
0x60: {  	_ =	shalt  }
0x61: {  	_ =	shalt  }
0x62: {  	_ =	shalt  }
0x63: {  	_ =	shalt  }
0x64: {  	_ =	shalt  }
0x65: {  	_ =	shalt  }
0x66: {  	_ =	shalt  }
0x67: {  	_ =	shalt  }
0x68: {  	_ =	shalt  }
0x69: {  	_ =	shalt  }
0x6a: {  	_ =	shalt  }
0x6b: {  	_ =	shalt  }
0x6c: {  	_ =	shalt  }
0x6d: {  	_ =	shalt  }
0x6e: {  	_ =	shalt  }
0x6f: {  	_ =	shalt  }
0x70: {  	_ =	shalt  }
0x71: {  	_ =	shalt  }
0x72: {  	_ =	shalt  }
0x73: {  	_ =	shalt  }
0x74: {  	_ =	shalt  }
0x75: {  	_ =	shalt  }
0x76: {  	_ =	shalt  }
0x77: {  	_ =	shalt  }
0x78: {  	_ =	shalt  }
0x79: {  	_ =	shalt  }
0x7a: {  	_ =	shalt  }
0x7b: {  	_ =	shalt  }
0x7c: {  	_ =	shalt  }
0x7d: {  	_ =	shalt  }
0x7e: {  	_ =	shalt  }
0x7f: {  	_ =	shalt  }
0x80: {  	_ =	shalt  }
0x81: {  	_ =	shalt  }
0x82: {  	_ =	shalt  }
0x83: {  	_ =	shalt  }
0x84: {  	_ =	shalt  }
0x85: {  	_ =	shalt  }
0x86: {  	_ =	shalt  }
0x87: {  	_ =	shalt  }
.Lfunc_end0:
.L_simem_size_0:
called_computation_lowered:
.L_overlay_start_0:
0x88: {  	s2 =	sld [smem:$0x3FD9]  }
0x89: {  	s3 =	sld [smem:$0x3FFE];
	_ =	sdelay $0x1  }
0x8a: {  	s1 =	srdreg.scid  }
0x8b: {  	s0 =	sand.u32 $0x1, s1  }
0x8c: {  	s16 =	sshll.u32 s0, $0xA;
	s2 =	sadd.s32 s3, s2  }
0x8d: {  	s2 =	sadd.s32 s2, s16  }
0x8e: {  	[smem:$0x3FBC] =	sst s2  }
0x8f: {  	_ = 	snop  }
0x90: {  	(tm) =	ssettm $0x1  }
0x91: {  	s17 =	sld [smem:$0x3FFB];
	_ =	sdelay $0x3  }
0x92: {  	_ =	strace s17  }
0x93: {  	s2 =	sld [smem:$0x3FFC];
	_ =	sdelay $0x3  }
0x94: {  	_ =	strace s2  }
0x95: {  	s2 =	sld [smem:$0x3FFD];
	_ =	sdelay $0x3  }
0x96: {  	_ =	strace s2  }
0x97: {  	_ =	strace $0x8FFFFFFF  }
0x98: {  	s18 =	sld [smem:$0x3FDB];
	_ =	sdelay $0x1  }
0x99: {  	s19 =	simm.s32 $_scs_section_size  }
0x9a: {  	s4 =	simm.s32 $_size__tile_overlayer_lowered;
	s5 =	simm.s32 $_tile_overlayer_lowered  }
0x9b: {  	s22 =	simm.s32 $0x1BFF;
	s21 =	sshll.u32 s5, $0x1;
	s2 =	sadd.s32 s19, s18  }
0x9c: {  	s6 =	simm.s32 $0x0;
	s20 =	sshll.u32 s4, $0x1;
	s4 =	sadd.s32 s21, s2  }
0x9d: {  	[timem:s6], [sflag:s22] =	dma.local [hbm:s4], s20  }
0x9e: {  	_ =	swait.ge [sflag:s22], s20  }
0x9f: {  	s3 =	ssub.s32 $0x0, s20;
	[sflag:s22] =	ssyncset.done $0x0  }
0xa0: {  	[sflag:s22] =	ssyncadd.s32 s3;
	_ =	sdelay $0x1  }
0xa1: {  	s23 =	simm.s32 $0x1B8B  }
0xa2: {  	_ =	swait.ge [sflag:s23], $0x1  }
0xa3: {  	[sflag:s23] =	ssyncset.done $0x0  }
0xa4: {  	s25 =	simm.s32 $0x1B8E;
	s24 =	sld [smem:$0x3FFE];
	[sflag:s23] =	ssyncadd.s32 $0xFFFFFFFF  }
0xa5: {  	s26 =	simm.s32 $execute0_lowered;
	[smem:$0x3FD2] =	sst s25  }
0xa6: {  	s4 =	sshll.u32 s26, $0x1;
	_ =	strace $0x80000046;
	[dreg:$0x1] =	wrdreg $0xFFFFFFFF  }
0xa7: {  	s28 =	simm.s32 $_size_execute0_lowered;
	s2 =	sadd.s32 s2, s4;
	[dreg:$0x0] =	wrdreg $0x0  }
0xa8: {  	s4 =	sshll.u32 s28, $0x1;
	[dreg:$0x2] =	wrdreg s2  }
0xa9: {  	[dreg:$0x3] =	wrdreg s4  }
0xaa: {  	[dreg:$0x4] =	wrdreg $0xC0  }
0xab: {  	_ =	task [dreg:s6], $0x5FFFF  }
0xac: {  	[dreg:$0x1] =	wrdreg $0xFFFFFFFF  }
0xad: {  	[dreg:$0x0] =	wrdreg $0x60  }
0xae: {  	[dreg:$0x2] =	wrdreg s24  }
0xaf: {  	[dreg:$0x3] =	wrdreg $0x9  }
0xb0: {  	_ =	task.clear_ibuf [dreg:s6], $0x4FFFF;
	_ =	strace $0x90000046  }
0xb1: {  	s29 =	simm.s32 $0x9;
	_ =	strace $0x80000048  }
0xb2: {  	_ =	swait.ge [sflag:s29], $0x1  }
0xb3: {  	[sflag:s29] =	ssyncadd.s32 $0xFFFFFFFF  }
0xb4: {  	_ =	strace $0x90000048  }
0xb5: {  	_ =	sfence  }
0xb6: {  	s30 =	sld [smem:$0x0];
	_ =	sdelay $0x2  }
0xb7: {  	s31 =	sshll.u32 s1, $0xD;
	s1 =	sshrl.u32 s1, $0x2  }
0xb8: {  	s3 =	sand.u32 $0x4000, s31;
	s1 =	sadd.s32 s1, s30  }
0xb9: {  	s0 =	sor.u32 s3, s0;
	s1 =	sshll.u32 s1, $0x11  }
0xba: {  	s0 =	sor.u32 s1, s0  }
0xbb: {  	s0 =	sadd.s32 $0x8F2B, s0  }
0xbc: {  	[sflag:s0] =	ssyncadd.remote.s32 $0x1  }
0xbd: {  	_ =	sfence.sel $0xFFFF  }
0xbe: {  	[dreg:$0x0] =	wrdreg $0xFFFFFFFF;
	(pc) =	sbr.abs _section_cstart, $3  }
0xbf: {  	[dreg:$0x1] =	wrdreg $0xFFFFFFFF  }
0xc0: {  	_ =	task.clear_ibuf [dreg:s6], $0x2FFFF;
	_ =	strace $0x9FFFFFFF  }
0xc1: {  	(tm) =	ssettm $0x7FFFFFFF  }
tec
execute0_lowered:
.L_overlay_start_1:
0x0: {  	(tag) =	ssettag $0x1  }
0x1: {  	s0 =	srdreg.scid  }
0x2: {  	s2 =	stileid.u32;
	s1 =	sand.u32 $0x1, s0  }
0x3: {  	s19 =	sshll.u32 s2, $0x1;
	s0 =	rddreg [dreg:$0x0];
	s2 =	simm.s32 $0x0  }
0x4: {  	s24 =	simm.s32 $0x9A00;
	[smem:$0x7FF] =	sst s2  }
0x5: {  	s25 =	simm.s32 $0x9E00;
	_ =	strace $0x80000047;
	[dreg:$0x6] =	wrdreg s24  }
0x6: {  	s26 =	simm.s32 $0xA600;
	[dreg:$0x7] =	wrdreg s25  }
0x7: {  	s7 =	simm.s32 $0xBE00;
	[dreg:$0x8] =	wrdreg s26  }
0x8: {  	s8 =	simm.s32 $0xC200;
	[dreg:$0xc] =	wrdreg s7  }
0x9: {  	s9 =	simm.s32 $0xCA00;
	[dreg:$0xd] =	wrdreg s8  }
0xa: {  	s10 =	simm.s32 $0xCE00;
	[dreg:$0xe] =	wrdreg s9  }
0xb: {  	s11 =	simm.s32 $0xD600;
	[dreg:$0xf] =	wrdreg s10  }
0xc: {  	s12 =	simm.s32 $0xDA00;
	[dreg:$0x10] =	wrdreg s11  }
0xd: {  	s13 =	simm.s32 $0xE200;
	[dreg:$0x11] =	wrdreg s12  }
0xe: {  	s14 =	simm.s32 $0xE600;
	[dreg:$0x12] =	wrdreg s13  }
0xf: {  	s15 =	simm.s32 $0xEE00;
	[dreg:$0x13] =	wrdreg s14  }
0x10: {  	s16 =	simm.s32 $0xF200;
	[dreg:$0x14] =	wrdreg s15  }
0x11: {  	s17 =	simm.s32 $0xFA00;
	[dreg:$0x15] =	wrdreg s16  }
0x12: {  	s18 =	simm.s32 $0xFE00;
	[dreg:$0x16] =	wrdreg s17  }
0x13: {  	s3 =	sor.u32 s1, s19;
	s19 =	simm.s32 $0x10600;
	[dreg:$0x17] =	wrdreg s18  }
0x14: {  	[dreg:$0x18] =	wrdreg s19;
	s24 =	simm.s32 $0x12A00  }
0x15: {  	s25 =	simm.s32 $0x12E00;
	[dreg:$0x1d] =	wrdreg s24  }
0x16: {  	s7 =	simm.s32 $0x13A00;
	[dreg:$0x1e] =	wrdreg s25  }
0x17: {  	s8 =	simm.s32 $0x14200;
	[smem:$0x7EA] =	sst s7  }
0x18: {  	s9 =	simm.s32 $0x14600;
	[smem:$0x7EB] =	sst s8  }
0x19: {  	s10 =	simm.s32 $0x14E00;
	[smem:$0x7EC] =	sst s9  }
0x1a: {  	s28 =	simm.s32 $0x5200;
	s11 =	simm.s32 $0x15200;
	[smem:$0x7ED] =	sst s10  }
0x1b: {  	s29 =	simm.s32 $0x5600;
	s12 =	simm.s32 $0x15A00;
	[smem:$0x7EE] =	sst s11  }
0x1c: {  	s30 =	simm.s32 $0x5E00;
	s13 =	simm.s32 $0x15E00;
	[smem:$0x7EF] =	sst s12  }
0x1d: {  	s31 =	simm.s32 $0x6200;
	s14 =	simm.s32 $0x16600;
	[smem:$0x7F0] =	sst s13  }
0x1e: {  	s6 =	sadd.s32 $0x8A00, s0;
	s15 =	simm.s32 $0x16A00;
	[smem:$0x7F1] =	sst s14  }
0x1f: {  	s1 =	ssub.s32 $0x2, s1;
	s16 =	simm.s32 $0x17200;
	[smem:$0x7F2] =	sst s15  }
0x20: {  	s20 =	smul.u32 $0x180, s3;
	s17 =	simm.s32 $0x17600;
	[smem:$0x7F3] =	sst s16  }
0x21: {  	s3 =	sshll.u32 s3, $0x6;
	s18 =	simm.s32 $0x17E00;
	[smem:$0x7F4] =	sst s17  }
0x22: {  	s26 =	sshrl.u32 s1, $0x1;
	s19 =	simm.s32 $0x18200;
	[smem:$0x7F5] =	sst s18  }
0x23: {  	s3 =	sadd.s32 s3, s0;
	s1 =	ssub.s32 s1, s26;
	[smem:$0x7F6] =	sst s19  }
0x24: {  	s24 =	simm.s32 $0x1A200;
	s25 =	simm.s32 $0x1A600;
	s26 =	simm.s32 $0x1AE00  }
0x25: {  	s9 =	simm.s32 $0x1;
	s10 =	simm.s32 $0x4;
	s15 =	simm.s32 $0xA00  }
0x26: {  	s16 =	simm.s32 $0xE00;
	s17 =	simm.s32 $0x1600;
	[smem:$0x7FB] =	sst s24  }
0x27: {  	s18 =	simm.s32 $0x1A00;
	s4 =	sshrl.u32 s20, $0x3;
	[smem:$0x7FC] =	sst s25  }
0x28: {  	s3 =	sadd.s32 $0x2200, s3;
	[smem:$0x7FD] =	sst s26;
	s5 =	smul.u32 $0xC00, s4  }
0x29: {  	s20 =	simm.s32 $0x10A00;
	s4 =	smul.u32 $0x180, s4;
	[dreg:$0x2] =	wrdreg s3  }
0x2a: {  	s19 =	simm.s32 $0x2200;
	[dreg:$0x19] =	wrdreg s20;
	s20 =	simm.s32 $0x18A00  }
0x2b: {  	s11 =	simm.s32 $0x8200;
	[smem:$0x7F7] =	sst s20;
	s4 =	sadd.s32 s6, s4  }
0x2c: {  	s12 =	simm.s32 $0x8600;
	s22 =	sadd.s32 $0x2400, s4;
	[smem:$0x7E9] =	sst s4  }
0x2d: {  	s8 =	simm.s32 $0x8E00;
	s23 =	sadd.s32 $0x3600, s4;
	[dreg:$0x4] =	wrdreg s22  }
0x2e: {  	s5 =	sshrl.u32 s5, $0x3;
	s4 =	simm.s32 $0xAA00;
	[dreg:$0x5] =	wrdreg s23  }
0x2f: {  	s5 =	sadd.s32 s6, s5;
	s6 =	simm.s32 $0xB600;
	[dreg:$0x9] =	wrdreg s4  }
0x30: {  	s24 =	simm.s32 $0x3E00;
	s21 =	sadd.s32 $0x1200, s5;
	[dreg:$0xb] =	wrdreg s6  }
0x31: {  	s25 =	simm.s32 $0x4600;
	s5 =	simm.s32 $0xB200;
	[dreg:$0x3] =	wrdreg s21  }
0x32: {  	s26 =	simm.s32 $0x4A00;
	s22 =	simm.s32 $0x11600;
	[dreg:$0xa] =	wrdreg s5  }
0x33: {  	s20 =	simm.s32 $0x2600;
	s23 =	simm.s32 $0x11E00;
	[dreg:$0x1b] =	wrdreg s22  }
0x34: {  	s4 =	sadd.s32 $0x2A00, s0;
	s6 =	simm.s32 $0x13600;
	[dreg:$0x1c] =	wrdreg s23  }
0x35: {  	s21 =	simm.s32 $0x11200;
	[dreg:$0x1f] =	wrdreg s6;
	s5 =	sadd.s32 $0x2B00, s0  }
0x36: {  	s6 =	smax.u32 s1, $0x1;
	s22 =	simm.s32 $0x19600;
	[dreg:$0x1a] =	wrdreg s21  }
0x37: {  	v2 =	vlaneseq.u32;
	s23 =	simm.s32 $0x19A00;
	s1 =	simm.s32 $0x200;
	[smem:$0x7F9] =	sst s22  }
0x38: {  	vm0 =	vmmov $0xffff;
	vm1 =	vmmov $0xff;
	v1 =	vshrl.u32 v2, $0x3;
	s21 =	simm.s32 $0x18E00;
	[smem:$0x7FA] =	sst s23;
	s22 =	simm.s32 $0x3200  }
0x39: {  	v0 =	vand.u32 $0x7, v2;
	v2 =	vor.u32 $0x8, v2;
	v1 =	vmul.u32 $0x8, v1;
	s23 =	simm.s32 $0x3A00;
	[smem:$0x7F8] =	sst s21;
	s21 =	simm.s32 $0x2E00  }
.LBB2_1:
0x3a: {  	s13 =	rddreg [dreg:$0x2];
	s0 =	simm.s32 $0x5  }
0x3b: {  	[tilespmem:s2], [sflag:$0x5] =	stream.linear.gather [hbm4b:s13+s2], $0x200, $0x38;
	[tilespmem:$0x1B200] =	vst v63  }
0x3c: {  	_ =	swait.ge [sflag:s0], $0x200  }
0x3d: {  	[sflag:s0] =	ssyncset.done $0x0  }
0x3e: {  	[sflag:s0] =	ssyncadd.s32 $0xFFFFFE00  }
0x3f: {  	v3 =	vld [tilespmem:$0x0];
	_ =	sdelay $0x4  }
0x40: {  	v4 =	vshrl.u32 v3, $0x3  }
0x41: {  	v4 =	vmul.u32 $0x18, v4  }
0x42: {  	v3 =	vand.u32 $0x7, v3  }
0x43: {  	v3 =	vor.u32 v3, v4  }
0x44: {  	v4 =	vperm.xlane v3, v0;
	_ =	sdelay $0x1  }
0x45: {  	v4 =	vadd.s32 v1, v4;
	_ =	sdelay $0x1  }
0x46: {  	v3 =	vperm.xlane v3, v2;
	_ =	sdelay $0x1  }
0x47: {  	v3 =	vadd.s32 v1, v3  }
0x48: {  	[tilespmem:s1], [sflag:$0x1] =	stream.indirect_vreg.gather [hbm4b:s4+s2], $0x80, v4, vm0, $0xb8;
	[tilespmem:$0x1B200] =	vst v63  }
0x49: {  	_ = 	snop  }
0x4a: {  	[tilespmem:s15], [sflag:$0x1] =	stream.indirect_vreg.gather [hbm4b:s5+s2], $0x80, v4, vm1, $0xb8;
	[tilespmem:$0x1B200] =	vst v63  }
0x4b: {  	_ = 	snop  }
0x4c: {  	[tilespmem:s16], [sflag:$0x1] =	stream.indirect_vreg.gather [hbm4b:s4+s2], $0x80, v3, vm0, $0xb8;
	[tilespmem:$0x1B200] =	vst v63  }
0x4d: {  	_ = 	snop  }
0x4e: {  	[tilespmem:s17], [sflag:$0x1] =	stream.indirect_vreg.gather [hbm4b:s5+s2], $0x80, v3, vm1, $0xb8;
	[tilespmem:$0x1B200] =	vst v63  }
0x4f: {  	v3 =	vld [tilespmem:$0x10];
	_ =	sdelay $0x4  }
0x50: {  	v41 =	vshrl.u32 v3, $0x3  }
0x51: {  	v4 =	vmul.u32 $0x18, v41  }
0x52: {  	v3 =	vand.u32 $0x7, v3  }
0x53: {  	v3 =	vor.u32 v3, v4  }
0x54: {  	v4 =	vperm.xlane v3, v0;
	_ =	sdelay $0x1  }
0x55: {  	v4 =	vadd.s32 v1, v4;
	_ =	sdelay $0x1  }
0x56: {  	v3 =	vperm.xlane v3, v2;
	_ =	sdelay $0x1  }
0x57: {  	v3 =	vadd.s32 v1, v3  }
0x58: {  	[tilespmem:s18], [sflag:$0x1] =	stream.indirect_vreg.gather [hbm4b:s4+s2], $0x80, v4, vm0, $0xb8;
	[tilespmem:$0x1B200] =	vst v63  }
0x59: {  	_ = 	snop  }
0x5a: {  	[tilespmem:s19], [sflag:$0x1] =	stream.indirect_vreg.gather [hbm4b:s5+s2], $0x80, v4, vm1, $0xb8;
	[tilespmem:$0x1B200] =	vst v63  }
0x5b: {  	_ = 	snop  }
0x5c: {  	[tilespmem:s20], [sflag:$0x1] =	stream.indirect_vreg.gather [hbm4b:s4+s2], $0x80, v3, vm0, $0xb8;
	[tilespmem:$0x1B200] =	vst v63  }
0x5d: {  	_ = 	snop  }
0x5e: {  	[tilespmem:s21], [sflag:$0x1] =	stream.indirect_vreg.gather [hbm4b:s5+s2], $0x80, v3, vm1, $0xb8;
	[tilespmem:$0x1B200] =	vst v63  }
0x5f: {  	v3 =	vld [tilespmem:$0x20];
	_ =	sdelay $0x4  }
0x60: {  	v42 =	vshrl.u32 v3, $0x3  }
0x61: {  	v4 =	vmul.u32 $0x18, v42  }
0x62: {  	v3 =	vand.u32 $0x7, v3  }
0x63: {  	v3 =	vor.u32 v3, v4  }
0x64: {  	v4 =	vperm.xlane v3, v0;
	_ =	sdelay $0x1  }
0x65: {  	v4 =	vadd.s32 v1, v4;
	_ =	sdelay $0x1  }
0x66: {  	v3 =	vperm.xlane v3, v2;
	_ =	sdelay $0x1  }
0x67: {  	v3 =	vadd.s32 v1, v3  }
0x68: {  	[tilespmem:s22], [sflag:$0x1] =	stream.indirect_vreg.gather [hbm4b:s4+s2], $0x80, v4, vm0, $0xb8;
	[tilespmem:$0x1B200] =	vst v63  }
0x69: {  	_ = 	snop  }
0x6a: {  	[tilespmem:s23], [sflag:$0x1] =	stream.indirect_vreg.gather [hbm4b:s5+s2], $0x80, v4, vm1, $0xb8;
	[tilespmem:$0x1B200] =	vst v63  }
0x6b: {  	_ = 	snop  }
0x6c: {  	[tilespmem:s24], [sflag:$0x1] =	stream.indirect_vreg.gather [hbm4b:s4+s2], $0x80, v3, vm0, $0xb8;
	[tilespmem:$0x1B200] =	vst v63  }
0x6d: {  	_ = 	snop  }
0x6e: {  	[tilespmem:s25], [sflag:$0x1] =	stream.indirect_vreg.gather [hbm4b:s5+s2], $0x80, v3, vm1, $0xb8;
	[tilespmem:$0x1B200] =	vst v63  }
0x6f: {  	v3 =	vld [tilespmem:$0x30];
	_ =	sdelay $0x4  }
0x70: {  	v43 =	vshrl.u32 v3, $0x3  }
0x71: {  	v4 =	vmul.u32 $0x18, v43  }
0x72: {  	v3 =	vand.u32 $0x7, v3  }
0x73: {  	v3 =	vor.u32 v3, v4  }
0x74: {  	v4 =	vperm.xlane v3, v0;
	_ =	sdelay $0x1  }
0x75: {  	v4 =	vadd.s32 v1, v4;
	_ =	sdelay $0x1  }
0x76: {  	v3 =	vperm.xlane v3, v2;
	_ =	sdelay $0x1  }
0x77: {  	v3 =	vadd.s32 v1, v3  }
0x78: {  	[tilespmem:s26], [sflag:$0x1] =	stream.indirect_vreg.gather [hbm4b:s4+s2], $0x80, v4, vm0, $0xb8;
	[tilespmem:$0x1B200] =	vst v63  }
0x79: {  	_ = 	snop  }
0x7a: {  	[tilespmem:s28], [sflag:$0x1] =	stream.indirect_vreg.gather [hbm4b:s5+s2], $0x80, v4, vm1, $0xb8;
	[tilespmem:$0x1B200] =	vst v63  }
0x7b: {  	_ = 	snop  }
0x7c: {  	[tilespmem:s29], [sflag:$0x1] =	stream.indirect_vreg.gather [hbm4b:s4+s2], $0x80, v3, vm0, $0xb8;
	[tilespmem:$0x1B200] =	vst v63  }
0x7d: {  	_ = 	snop  }
0x7e: {  	[tilespmem:s30], [sflag:$0x1] =	stream.indirect_vreg.gather [hbm4b:s5+s2], $0x80, v3, vm1, $0xb8;
	[tilespmem:$0x1B200] =	vst v63  }
0x7f: {  	v3 =	vld [tilespmem:$0x40];
	_ =	sdelay $0x4  }
0x80: {  	v44 =	vshrl.u32 v3, $0x3  }
0x81: {  	v4 =	vmul.u32 $0x18, v44  }
0x82: {  	v3 =	vand.u32 $0x7, v3  }
0x83: {  	v3 =	vor.u32 v3, v4  }
0x84: {  	v4 =	vperm.xlane v3, v0;
	_ =	sdelay $0x1  }
0x85: {  	v4 =	vadd.s32 v1, v4;
	_ =	sdelay $0x1  }
0x86: {  	v3 =	vperm.xlane v3, v2;
	_ =	sdelay $0x1  }
0x87: {  	v3 =	vadd.s32 v1, v3  }
0x88: {  	[tilespmem:s31], [sflag:$0x1] =	stream.indirect_vreg.gather [hbm4b:s4+s2], $0x80, v4, vm0, $0xb8;
	[tilespmem:$0x1B200] =	vst v63  }
0x89: {  	s7 =	simm.s32 $0x6A00  }
0x8a: {  	[tilespmem:s7], [sflag:$0x1] =	stream.indirect_vreg.gather [hbm4b:s5+s2], $0x80, v4, vm1, $0xb8;
	[tilespmem:$0x1B200] =	vst v63  }
0x8b: {  	s13 =	simm.s32 $0x6E00  }
0x8c: {  	[tilespmem:s13], [sflag:$0x1] =	stream.indirect_vreg.gather [hbm4b:s4+s2], $0x80, v3, vm0, $0xb8;
	[tilespmem:$0x1B200] =	vst v63  }
0x8d: {  	s14 =	simm.s32 $0x7600  }
0x8e: {  	[tilespmem:s14], [sflag:$0x1] =	stream.indirect_vreg.gather [hbm4b:s5+s2], $0x80, v3, vm1, $0xb8;
	[tilespmem:$0x1B200] =	vst v63  }
0x8f: {  	v3 =	vld [tilespmem:$0x50];
	_ =	sdelay $0x4  }
0x90: {  	v45 =	vshrl.u32 v3, $0x3  }
0x91: {  	v4 =	vmul.u32 $0x18, v45  }
0x92: {  	v3 =	vand.u32 $0x7, v3  }
0x93: {  	v3 =	vor.u32 v3, v4  }
0x94: {  	v4 =	vperm.xlane v3, v0;
	_ =	sdelay $0x1  }
0x95: {  	v4 =	vadd.s32 v1, v4;
	_ =	sdelay $0x1  }
0x96: {  	v3 =	vperm.xlane v3, v2;
	_ =	sdelay $0x1  }
0x97: {  	s7 =	simm.s32 $0x7A00;
	v3 =	vadd.s32 v1, v3  }
0x98: {  	[tilespmem:s7], [sflag:$0x1] =	stream.indirect_vreg.gather [hbm4b:s4+s2], $0x80, v4, vm0, $0xb8;
	[tilespmem:$0x1B200] =	vst v63  }
0x99: {  	_ = 	snop  }
0x9a: {  	[tilespmem:s11], [sflag:$0x1] =	stream.indirect_vreg.gather [hbm4b:s5+s2], $0x80, v4, vm1, $0xb8;
	[tilespmem:$0x1B200] =	vst v63  }
0x9b: {  	_ = 	snop  }
0x9c: {  	[tilespmem:s12], [sflag:$0x1] =	stream.indirect_vreg.gather [hbm4b:s4+s2], $0x80, v3, vm0, $0xb8;
	[tilespmem:$0x1B200] =	vst v63  }
0x9d: {  	_ = 	snop  }
0x9e: {  	[tilespmem:s8], [sflag:$0x1] =	stream.indirect_vreg.gather [hbm4b:s5+s2], $0x80, v3, vm1, $0xb8;
	[tilespmem:$0x1B200] =	vst v63  }
0x9f: {  	v3 =	vld [tilespmem:$0x80];
	_ =	sdelay $0x4  }
0xa0: {  	v46 =	vshrl.u32 v3, $0x3  }
0xa1: {  	v4 =	vmul.u32 $0x18, v46  }
0xa2: {  	v3 =	vand.u32 $0x7, v3  }
0xa3: {  	v3 =	vor.u32 v3, v4  }
0xa4: {  	v4 =	vperm.xlane v3, v0;
	_ =	sdelay $0x1  }
0xa5: {  	v4 =	vadd.s32 v1, v4;
	_ =	sdelay $0x1  }
0xa6: {  	v3 =	vperm.xlane v3, v2;
	_ =	sdelay $0x1  }
0xa7: {  	s3 =	simm.s32 $0x9200;
	v3 =	vadd.s32 v1, v3  }
0xa8: {  	[tilespmem:s3], [sflag:$0x2] =	stream.indirect_vreg.gather [hbm4b:s4+s2], $0x80, v4, vm0, $0xb8;
	[tilespmem:$0x1B200] =	vst v63  }
0xa9: {  	s0 =	rddreg [dreg:$0x6]  }
0xaa: {  	[tilespmem:s0], [sflag:$0x2] =	stream.indirect_vreg.gather [hbm4b:s5+s2], $0x80, v4, vm1, $0xb8;
	[tilespmem:$0x1B200] =	vst v63  }
0xab: {  	s14 =	rddreg [dreg:$0x7]  }
0xac: {  	[tilespmem:s14], [sflag:$0x2] =	stream.indirect_vreg.gather [hbm4b:s4+s2], $0x80, v3, vm0, $0xb8;
	[tilespmem:$0x1B200] =	vst v63  }
0xad: {  	s0 =	rddreg [dreg:$0x8]  }
0xae: {  	[tilespmem:s0], [sflag:$0x2] =	stream.indirect_vreg.gather [hbm4b:s5+s2], $0x80, v3, vm1, $0xb8;
	[tilespmem:$0x1B200] =	vst v63  }
0xaf: {  	v3 =	vld [tilespmem:$0x90];
	_ =	sdelay $0x4  }
0xb0: {  	v47 =	vshrl.u32 v3, $0x3  }
0xb1: {  	v4 =	vmul.u32 $0x18, v47  }
0xb2: {  	v3 =	vand.u32 $0x7, v3  }
0xb3: {  	v3 =	vor.u32 v3, v4  }
0xb4: {  	v4 =	vperm.xlane v3, v0;
	_ =	sdelay $0x1  }
0xb5: {  	v4 =	vadd.s32 v1, v4;
	_ =	sdelay $0x1  }
0xb6: {  	v3 =	vperm.xlane v3, v2;
	_ =	sdelay $0x1  }
0xb7: {  	s14 =	rddreg [dreg:$0x9];
	v3 =	vadd.s32 v1, v3  }
0xb8: {  	[tilespmem:s14], [sflag:$0x2] =	stream.indirect_vreg.gather [hbm4b:s4+s2], $0x80, v4, vm0, $0xb8;
	[tilespmem:$0x1B200] =	vst v63  }
0xb9: {  	s0 =	rddreg [dreg:$0xa]  }
0xba: {  	[tilespmem:s0], [sflag:$0x2] =	stream.indirect_vreg.gather [hbm4b:s5+s2], $0x80, v4, vm1, $0xb8;
	[tilespmem:$0x1B200] =	vst v63  }
0xbb: {  	s13 =	rddreg [dreg:$0xb]  }
0xbc: {  	[tilespmem:s13], [sflag:$0x2] =	stream.indirect_vreg.gather [hbm4b:s4+s2], $0x80, v3, vm0, $0xb8;
	[tilespmem:$0x1B200] =	vst v63  }
0xbd: {  	s0 =	rddreg [dreg:$0xc]  }
0xbe: {  	[tilespmem:s0], [sflag:$0x2] =	stream.indirect_vreg.gather [hbm4b:s5+s2], $0x80, v3, vm1, $0xb8;
	[tilespmem:$0x1B200] =	vst v63  }
0xbf: {  	v3 =	vld [tilespmem:$0xA0];
	_ =	sdelay $0x4  }
0xc0: {  	v48 =	vshrl.u32 v3, $0x3  }
0xc1: {  	v4 =	vmul.u32 $0x18, v48  }
0xc2: {  	v3 =	vand.u32 $0x7, v3  }
0xc3: {  	v3 =	vor.u32 v3, v4  }
0xc4: {  	v4 =	vperm.xlane v3, v0;
	_ =	sdelay $0x1  }
0xc5: {  	v4 =	vadd.s32 v1, v4;
	_ =	sdelay $0x1  }
0xc6: {  	v3 =	vperm.xlane v3, v2;
	_ =	sdelay $0x1  }
0xc7: {  	s14 =	rddreg [dreg:$0xd];
	v3 =	vadd.s32 v1, v3  }
0xc8: {  	[tilespmem:s14], [sflag:$0x2] =	stream.indirect_vreg.gather [hbm4b:s4+s2], $0x80, v4, vm0, $0xb8;
	[tilespmem:$0x1B200] =	vst v63  }
0xc9: {  	s0 =	rddreg [dreg:$0xe]  }
0xca: {  	[tilespmem:s0], [sflag:$0x2] =	stream.indirect_vreg.gather [hbm4b:s5+s2], $0x80, v4, vm1, $0xb8;
	[tilespmem:$0x1B200] =	vst v63  }
0xcb: {  	s13 =	rddreg [dreg:$0xf]  }
0xcc: {  	[tilespmem:s13], [sflag:$0x2] =	stream.indirect_vreg.gather [hbm4b:s4+s2], $0x80, v3, vm0, $0xb8;
	[tilespmem:$0x1B200] =	vst v63  }
0xcd: {  	s0 =	rddreg [dreg:$0x10]  }
0xce: {  	[tilespmem:s0], [sflag:$0x2] =	stream.indirect_vreg.gather [hbm4b:s5+s2], $0x80, v3, vm1, $0xb8;
	[tilespmem:$0x1B200] =	vst v63  }
0xcf: {  	v3 =	vld [tilespmem:$0xB0];
	_ =	sdelay $0x4  }
0xd0: {  	v49 =	vshrl.u32 v3, $0x3  }
0xd1: {  	v4 =	vmul.u32 $0x18, v49  }
0xd2: {  	v3 =	vand.u32 $0x7, v3  }
0xd3: {  	v3 =	vor.u32 v3, v4  }
0xd4: {  	v4 =	vperm.xlane v3, v0;
	_ =	sdelay $0x1  }
0xd5: {  	v4 =	vadd.s32 v1, v4;
	_ =	sdelay $0x1  }
0xd6: {  	v3 =	vperm.xlane v3, v2;
	_ =	sdelay $0x1  }
0xd7: {  	s14 =	rddreg [dreg:$0x11];
	v3 =	vadd.s32 v1, v3  }
0xd8: {  	[tilespmem:s14], [sflag:$0x2] =	stream.indirect_vreg.gather [hbm4b:s4+s2], $0x80, v4, vm0, $0xb8;
	[tilespmem:$0x1B200] =	vst v63  }
0xd9: {  	s0 =	rddreg [dreg:$0x12]  }
0xda: {  	[tilespmem:s0], [sflag:$0x2] =	stream.indirect_vreg.gather [hbm4b:s5+s2], $0x80, v4, vm1, $0xb8;
	[tilespmem:$0x1B200] =	vst v63  }
0xdb: {  	s13 =	rddreg [dreg:$0x13]  }
0xdc: {  	[tilespmem:s13], [sflag:$0x2] =	stream.indirect_vreg.gather [hbm4b:s4+s2], $0x80, v3, vm0, $0xb8;
	[tilespmem:$0x1B200] =	vst v63  }
0xdd: {  	s0 =	rddreg [dreg:$0x14]  }
0xde: {  	[tilespmem:s0], [sflag:$0x2] =	stream.indirect_vreg.gather [hbm4b:s5+s2], $0x80, v3, vm1, $0xb8;
	[tilespmem:$0x1B200] =	vst v63  }
0xdf: {  	v3 =	vld [tilespmem:$0xC0];
	_ =	sdelay $0x4  }
0xe0: {  	v50 =	vshrl.u32 v3, $0x3  }
0xe1: {  	v4 =	vmul.u32 $0x18, v50  }
0xe2: {  	v3 =	vand.u32 $0x7, v3  }
0xe3: {  	v3 =	vor.u32 v3, v4  }
0xe4: {  	v4 =	vperm.xlane v3, v0;
	_ =	sdelay $0x1  }
0xe5: {  	v4 =	vadd.s32 v1, v4;
	_ =	sdelay $0x1  }
0xe6: {  	v3 =	vperm.xlane v3, v2;
	_ =	sdelay $0x1  }
0xe7: {  	s14 =	rddreg [dreg:$0x15];
	v3 =	vadd.s32 v1, v3  }
0xe8: {  	[tilespmem:s14], [sflag:$0x2] =	stream.indirect_vreg.gather [hbm4b:s4+s2], $0x80, v4, vm0, $0xb8;
	[tilespmem:$0x1B200] =	vst v63  }
0xe9: {  	s0 =	rddreg [dreg:$0x16]  }
0xea: {  	[tilespmem:s0], [sflag:$0x2] =	stream.indirect_vreg.gather [hbm4b:s5+s2], $0x80, v4, vm1, $0xb8;
	[tilespmem:$0x1B200] =	vst v63  }
0xeb: {  	s13 =	rddreg [dreg:$0x17]  }
0xec: {  	[tilespmem:s13], [sflag:$0x2] =	stream.indirect_vreg.gather [hbm4b:s4+s2], $0x80, v3, vm0, $0xb8;
	[tilespmem:$0x1B200] =	vst v63  }
0xed: {  	s0 =	rddreg [dreg:$0x18]  }
0xee: {  	[tilespmem:s0], [sflag:$0x2] =	stream.indirect_vreg.gather [hbm4b:s5+s2], $0x80, v3, vm1, $0xb8;
	[tilespmem:$0x1B200] =	vst v63  }
0xef: {  	v3 =	vld [tilespmem:$0xD0];
	_ =	sdelay $0x4  }
0xf0: {  	v51 =	vshrl.u32 v3, $0x3  }
0xf1: {  	v4 =	vmul.u32 $0x18, v51  }
0xf2: {  	v3 =	vand.u32 $0x7, v3  }
0xf3: {  	v3 =	vor.u32 v3, v4  }
0xf4: {  	v4 =	vperm.xlane v3, v0;
	_ =	sdelay $0x1  }
0xf5: {  	v4 =	vadd.s32 v1, v4;
	_ =	sdelay $0x1  }
0xf6: {  	v3 =	vperm.xlane v3, v2;
	_ =	sdelay $0x1  }
0xf7: {  	s14 =	rddreg [dreg:$0x19];
	v3 =	vadd.s32 v1, v3  }
0xf8: {  	[tilespmem:s14], [sflag:$0x2] =	stream.indirect_vreg.gather [hbm4b:s4+s2], $0x80, v4, vm0, $0xb8;
	[tilespmem:$0x1B200] =	vst v63  }
0xf9: {  	s0 =	rddreg [dreg:$0x1a]  }
0xfa: {  	[tilespmem:s0], [sflag:$0x2] =	stream.indirect_vreg.gather [hbm4b:s5+s2], $0x80, v4, vm1, $0xb8;
	[tilespmem:$0x1B200] =	vst v63  }
0xfb: {  	s13 =	rddreg [dreg:$0x1b]  }
0xfc: {  	[tilespmem:s13], [sflag:$0x2] =	stream.indirect_vreg.gather [hbm4b:s4+s2], $0x80, v3, vm0, $0xb8;
	[tilespmem:$0x1B200] =	vst v63  }
0xfd: {  	s0 =	rddreg [dreg:$0x1c]  }
0xfe: {  	[tilespmem:s0], [sflag:$0x2] =	stream.indirect_vreg.gather [hbm4b:s5+s2], $0x80, v3, vm1, $0xb8;
	[tilespmem:$0x1B200] =	vst v63  }
0xff: {  	v3 =	vld [tilespmem:$0x100];
	_ =	sdelay $0x4  }
0x100: {  	v52 =	vshrl.u32 v3, $0x3  }
0x101: {  	v4 =	vmul.u32 $0x18, v52  }
0x102: {  	v3 =	vand.u32 $0x7, v3  }
0x103: {  	v3 =	vor.u32 v3, v4  }
0x104: {  	v4 =	vperm.xlane v3, v0;
	_ =	sdelay $0x1  }
0x105: {  	v4 =	vadd.s32 v1, v4;
	_ =	sdelay $0x1  }
0x106: {  	v3 =	vperm.xlane v3, v2;
	_ =	sdelay $0x1  }
0x107: {  	s0 =	simm.s32 $0x12200;
	v3 =	vadd.s32 v1, v3  }
0x108: {  	[tilespmem:s0], [sflag:$0x3] =	stream.indirect_vreg.gather [hbm4b:s4+s2], $0x80, v4, vm0, $0xb8;
	[tilespmem:$0x1B200] =	vst v63  }
0x109: {  	s13 =	rddreg [dreg:$0x1d]  }
0x10a: {  	[tilespmem:s13], [sflag:$0x3] =	stream.indirect_vreg.gather [hbm4b:s5+s2], $0x80, v4, vm1, $0xb8;
	[tilespmem:$0x1B200] =	vst v63  }
0x10b: {  	s14 =	rddreg [dreg:$0x1e]  }
0x10c: {  	[tilespmem:s14], [sflag:$0x3] =	stream.indirect_vreg.gather [hbm4b:s4+s2], $0x80, v3, vm0, $0xb8;
	[tilespmem:$0x1B200] =	vst v63  }
0x10d: {  	s13 =	rddreg [dreg:$0x1f]  }
0x10e: {  	[tilespmem:s13], [sflag:$0x3] =	stream.indirect_vreg.gather [hbm4b:s5+s2], $0x80, v3, vm1, $0xb8;
	[tilespmem:$0x1B200] =	vst v63  }
0x10f: {  	v3 =	vld [tilespmem:$0x110];
	_ =	sdelay $0x4  }
0x110: {  	v53 =	vshrl.u32 v3, $0x3  }
0x111: {  	v4 =	vmul.u32 $0x18, v53  }
0x112: {  	v3 =	vand.u32 $0x7, v3  }
0x113: {  	v3 =	vor.u32 v3, v4  }
0x114: {  	v4 =	vperm.xlane v3, v0;
	_ =	sdelay $0x1  }
0x115: {  	v4 =	vadd.s32 v1, v4;
	_ =	sdelay $0x1  }
0x116: {  	s13 =	sld [smem:$0x7EA];
	v3 =	vperm.xlane v3, v2;
	_ =	sdelay $0x1  }
0x117: {  	s14 =	sld [smem:$0x7EB];
	v3 =	vadd.s32 v1, v3  }
0x118: {  	[tilespmem:s13], [sflag:$0x3] =	stream.indirect_vreg.gather [hbm4b:s4+s2], $0x80, v4, vm0, $0xb8;
	[tilespmem:$0x1B200] =	vst v63  }
0x119: {  	s13 =	sld [smem:$0x7EC]  }
0x11a: {  	[tilespmem:s14], [sflag:$0x3] =	stream.indirect_vreg.gather [hbm4b:s5+s2], $0x80, v4, vm1, $0xb8;
	[tilespmem:$0x1B200] =	vst v63  }
0x11b: {  	s14 =	sld [smem:$0x7ED]  }
0x11c: {  	[tilespmem:s13], [sflag:$0x3] =	stream.indirect_vreg.gather [hbm4b:s4+s2], $0x80, v3, vm0, $0xb8;
	[tilespmem:$0x1B200] =	vst v63  }
0x11d: {  	_ = 	snop  }
0x11e: {  	[tilespmem:s14], [sflag:$0x3] =	stream.indirect_vreg.gather [hbm4b:s5+s2], $0x80, v3, vm1, $0xb8;
	[tilespmem:$0x1B200] =	vst v63  }
0x11f: {  	v3 =	vld [tilespmem:$0x120];
	_ =	sdelay $0x4  }
0x120: {  	v54 =	vshrl.u32 v3, $0x3  }
0x121: {  	v4 =	vmul.u32 $0x18, v54  }
0x122: {  	v3 =	vand.u32 $0x7, v3  }
0x123: {  	v3 =	vor.u32 v3, v4  }
0x124: {  	v4 =	vperm.xlane v3, v0;
	_ =	sdelay $0x1  }
0x125: {  	v4 =	vadd.s32 v1, v4;
	_ =	sdelay $0x1  }
0x126: {  	s13 =	sld [smem:$0x7EE];
	v3 =	vperm.xlane v3, v2;
	_ =	sdelay $0x1  }
0x127: {  	s14 =	sld [smem:$0x7EF];
	v3 =	vadd.s32 v1, v3  }
0x128: {  	[tilespmem:s13], [sflag:$0x3] =	stream.indirect_vreg.gather [hbm4b:s4+s2], $0x80, v4, vm0, $0xb8;
	[tilespmem:$0x1B200] =	vst v63  }
0x129: {  	s13 =	sld [smem:$0x7F0]  }
0x12a: {  	[tilespmem:s14], [sflag:$0x3] =	stream.indirect_vreg.gather [hbm4b:s5+s2], $0x80, v4, vm1, $0xb8;
	[tilespmem:$0x1B200] =	vst v63  }
0x12b: {  	s14 =	sld [smem:$0x7F1]  }
0x12c: {  	[tilespmem:s13], [sflag:$0x3] =	stream.indirect_vreg.gather [hbm4b:s4+s2], $0x80, v3, vm0, $0xb8;
	[tilespmem:$0x1B200] =	vst v63  }
0x12d: {  	_ = 	snop  }
0x12e: {  	[tilespmem:s14], [sflag:$0x3] =	stream.indirect_vreg.gather [hbm4b:s5+s2], $0x80, v3, vm1, $0xb8;
	[tilespmem:$0x1B200] =	vst v63  }
0x12f: {  	v3 =	vld [tilespmem:$0x130];
	_ =	sdelay $0x4  }
0x130: {  	v55 =	vshrl.u32 v3, $0x3  }
0x131: {  	v4 =	vmul.u32 $0x18, v55  }
0x132: {  	v3 =	vand.u32 $0x7, v3  }
0x133: {  	v3 =	vor.u32 v3, v4  }
0x134: {  	v4 =	vperm.xlane v3, v0;
	_ =	sdelay $0x1  }
0x135: {  	v4 =	vadd.s32 v1, v4;
	_ =	sdelay $0x1  }
0x136: {  	s13 =	sld [smem:$0x7F2];
	v3 =	vperm.xlane v3, v2;
	_ =	sdelay $0x1  }
0x137: {  	s14 =	sld [smem:$0x7F3];
	v3 =	vadd.s32 v1, v3  }
0x138: {  	[tilespmem:s13], [sflag:$0x3] =	stream.indirect_vreg.gather [hbm4b:s4+s2], $0x80, v4, vm0, $0xb8;
	[tilespmem:$0x1B200] =	vst v63  }
0x139: {  	s13 =	sld [smem:$0x7F4]  }
0x13a: {  	[tilespmem:s14], [sflag:$0x3] =	stream.indirect_vreg.gather [hbm4b:s5+s2], $0x80, v4, vm1, $0xb8;
	[tilespmem:$0x1B200] =	vst v63  }
0x13b: {  	s14 =	sld [smem:$0x7F5]  }
0x13c: {  	[tilespmem:s13], [sflag:$0x3] =	stream.indirect_vreg.gather [hbm4b:s4+s2], $0x80, v3, vm0, $0xb8;
	[tilespmem:$0x1B200] =	vst v63  }
0x13d: {  	_ = 	snop  }
0x13e: {  	[tilespmem:s14], [sflag:$0x3] =	stream.indirect_vreg.gather [hbm4b:s5+s2], $0x80, v3, vm1, $0xb8;
	[tilespmem:$0x1B200] =	vst v63  }
0x13f: {  	v3 =	vld [tilespmem:$0x140];
	_ =	sdelay $0x4  }
0x140: {  	v56 =	vshrl.u32 v3, $0x3  }
0x141: {  	v4 =	vmul.u32 $0x18, v56  }
0x142: {  	v3 =	vand.u32 $0x7, v3  }
0x143: {  	v3 =	vor.u32 v3, v4  }
0x144: {  	v4 =	vperm.xlane v3, v0;
	_ =	sdelay $0x1  }
0x145: {  	v4 =	vadd.s32 v1, v4;
	_ =	sdelay $0x1  }
0x146: {  	s13 =	sld [smem:$0x7F6];
	v3 =	vperm.xlane v3, v2;
	_ =	sdelay $0x1  }
0x147: {  	s14 =	sld [smem:$0x7F7];
	v3 =	vadd.s32 v1, v3  }
0x148: {  	[tilespmem:s13], [sflag:$0x3] =	stream.indirect_vreg.gather [hbm4b:s4+s2], $0x80, v4, vm0, $0xb8;
	[tilespmem:$0x1B200] =	vst v63  }
0x149: {  	s13 =	sld [smem:$0x7F8]  }
0x14a: {  	[tilespmem:s14], [sflag:$0x3] =	stream.indirect_vreg.gather [hbm4b:s5+s2], $0x80, v4, vm1, $0xb8;
	[tilespmem:$0x1B200] =	vst v63  }
0x14b: {  	s14 =	sld [smem:$0x7F9]  }
0x14c: {  	[tilespmem:s13], [sflag:$0x3] =	stream.indirect_vreg.gather [hbm4b:s4+s2], $0x80, v3, vm0, $0xb8;
	[tilespmem:$0x1B200] =	vst v63  }
0x14d: {  	_ = 	snop  }
0x14e: {  	[tilespmem:s14], [sflag:$0x3] =	stream.indirect_vreg.gather [hbm4b:s5+s2], $0x80, v3, vm1, $0xb8;
	[tilespmem:$0x1B200] =	vst v63  }
0x14f: {  	v3 =	vld [tilespmem:$0x150];
	_ =	sdelay $0x4  }
0x150: {  	v57 =	vshrl.u32 v3, $0x3  }
0x151: {  	v4 =	vmul.u32 $0x18, v57  }
0x152: {  	v3 =	vand.u32 $0x7, v3  }
0x153: {  	v3 =	vor.u32 v3, v4  }
0x154: {  	v4 =	vperm.xlane v3, v0;
	_ =	sdelay $0x1  }
0x155: {  	v4 =	vadd.s32 v1, v4;
	_ =	sdelay $0x1  }
0x156: {  	s13 =	sld [smem:$0x7FA];
	v3 =	vperm.xlane v3, v2;
	_ =	sdelay $0x1  }
0x157: {  	s14 =	sld [smem:$0x7FB];
	v3 =	vadd.s32 v1, v3  }
0x158: {  	[tilespmem:s13], [sflag:$0x3] =	stream.indirect_vreg.gather [hbm4b:s4+s2], $0x80, v4, vm0, $0xb8;
	[tilespmem:$0x1B200] =	vst v63  }
0x159: {  	s13 =	sld [smem:$0x7FC]  }
0x15a: {  	[tilespmem:s14], [sflag:$0x3] =	stream.indirect_vreg.gather [hbm4b:s5+s2], $0x80, v4, vm1, $0xb8;
	[tilespmem:$0x1B200] =	vst v63  }
0x15b: {  	s14 =	sld [smem:$0x7FD]  }
0x15c: {  	[tilespmem:s13], [sflag:$0x3] =	stream.indirect_vreg.gather [hbm4b:s4+s2], $0x80, v3, vm0, $0xb8;
	[tilespmem:$0x1B200] =	vst v63  }
0x15d: {  	_ = 	snop  }
0x15e: {  	[tilespmem:s14], [sflag:$0x3] =	stream.indirect_vreg.gather [hbm4b:s5+s2], $0x80, v3, vm1, $0xb8;
	[tilespmem:$0x1B200] =	vst v63  }
0x15f: {  	_ =	swait.ge [sflag:s9], $0x9000  }
0x160: {  	s14 =	sld [smem:$0x7E9]  }
0x161: {  	[sflag:s9] =	ssyncset.done $0x0  }
0x162: {  	[sflag:s9] =	ssyncadd.s32 $0xFFFF7000  }
0x163: {  	[hbm4b:s14+s2] =	stream.linear.scatter [tilespmem:s1], [sflag:$0x4], $0x9000, $0x38;
	[tilespmem:$0x1B200] =	vst v63  }
0x164: {  	_ =	swait.ge [sflag:s10], $0x9000  }
0x165: {  	[sflag:s10] =	ssyncset.done $0x0  }
0x166: {  	[sflag:s10] =	ssyncadd.s32 $0xFFFF7000  }
0x167: {  	v3 =	vld [tilespmem:$0x180];
	_ =	sdelay $0x4  }
0x168: {  	v58 =	vshrl.u32 v3, $0x3  }
0x169: {  	v4 =	vmul.u32 $0x18, v58  }
0x16a: {  	v3 =	vand.u32 $0x7, v3  }
0x16b: {  	v3 =	vor.u32 v3, v4  }
0x16c: {  	v4 =	vperm.xlane v3, v0;
	_ =	sdelay $0x1  }
0x16d: {  	v4 =	vadd.s32 v1, v4;
	_ =	sdelay $0x1  }
0x16e: {  	v3 =	vperm.xlane v3, v2;
	_ =	sdelay $0x1  }
0x16f: {  	v3 =	vadd.s32 v1, v3  }
0x170: {  	[tilespmem:s1], [sflag:$0x1] =	stream.indirect_vreg.gather [hbm4b:s4+s2], $0x80, v4, vm0, $0xb8;
	[tilespmem:$0x1B200] =	vst v63  }
0x171: {  	_ = 	snop  }
0x172: {  	[tilespmem:s15], [sflag:$0x1] =	stream.indirect_vreg.gather [hbm4b:s5+s2], $0x80, v4, vm1, $0xb8;
	[tilespmem:$0x1B200] =	vst v63  }
0x173: {  	_ = 	snop  }
0x174: {  	[tilespmem:s16], [sflag:$0x1] =	stream.indirect_vreg.gather [hbm4b:s4+s2], $0x80, v3, vm0, $0xb8;
	[tilespmem:$0x1B200] =	vst v63  }
0x175: {  	_ = 	snop  }
0x176: {  	[tilespmem:s17], [sflag:$0x1] =	stream.indirect_vreg.gather [hbm4b:s5+s2], $0x80, v3, vm1, $0xb8;
	[tilespmem:$0x1B200] =	vst v63  }
0x177: {  	v3 =	vld [tilespmem:$0x190];
	_ =	sdelay $0x4  }
0x178: {  	v59 =	vshrl.u32 v3, $0x3  }
0x179: {  	v4 =	vmul.u32 $0x18, v59  }
0x17a: {  	v3 =	vand.u32 $0x7, v3  }
0x17b: {  	v3 =	vor.u32 v3, v4  }
0x17c: {  	v4 =	vperm.xlane v3, v0;
	_ =	sdelay $0x1  }
0x17d: {  	v4 =	vadd.s32 v1, v4;
	_ =	sdelay $0x1  }
0x17e: {  	v3 =	vperm.xlane v3, v2;
	_ =	sdelay $0x1  }
0x17f: {  	v3 =	vadd.s32 v1, v3  }
0x180: {  	[tilespmem:s18], [sflag:$0x1] =	stream.indirect_vreg.gather [hbm4b:s4+s2], $0x80, v4, vm0, $0xb8;
	[tilespmem:$0x1B200] =	vst v63  }
0x181: {  	_ = 	snop  }
0x182: {  	[tilespmem:s19], [sflag:$0x1] =	stream.indirect_vreg.gather [hbm4b:s5+s2], $0x80, v4, vm1, $0xb8;
	[tilespmem:$0x1B200] =	vst v63  }
0x183: {  	_ = 	snop  }
0x184: {  	[tilespmem:s20], [sflag:$0x1] =	stream.indirect_vreg.gather [hbm4b:s4+s2], $0x80, v3, vm0, $0xb8;
	[tilespmem:$0x1B200] =	vst v63  }
0x185: {  	_ = 	snop  }
0x186: {  	[tilespmem:s21], [sflag:$0x1] =	stream.indirect_vreg.gather [hbm4b:s5+s2], $0x80, v3, vm1, $0xb8;
	[tilespmem:$0x1B200] =	vst v63  }
0x187: {  	v3 =	vld [tilespmem:$0x1A0];
	_ =	sdelay $0x4  }
0x188: {  	v60 =	vshrl.u32 v3, $0x3  }
0x189: {  	v4 =	vmul.u32 $0x18, v60  }
0x18a: {  	v3 =	vand.u32 $0x7, v3  }
0x18b: {  	v3 =	vor.u32 v3, v4  }
0x18c: {  	v4 =	vperm.xlane v3, v0;
	_ =	sdelay $0x1  }
0x18d: {  	v4 =	vadd.s32 v1, v4;
	_ =	sdelay $0x1  }
0x18e: {  	v3 =	vperm.xlane v3, v2;
	_ =	sdelay $0x1  }
0x18f: {  	v3 =	vadd.s32 v1, v3  }
0x190: {  	[tilespmem:s22], [sflag:$0x1] =	stream.indirect_vreg.gather [hbm4b:s4+s2], $0x80, v4, vm0, $0xb8;
	[tilespmem:$0x1B200] =	vst v63  }
0x191: {  	_ = 	snop  }
0x192: {  	[tilespmem:s23], [sflag:$0x1] =	stream.indirect_vreg.gather [hbm4b:s5+s2], $0x80, v4, vm1, $0xb8;
	[tilespmem:$0x1B200] =	vst v63  }
0x193: {  	_ = 	snop  }
0x194: {  	[tilespmem:s24], [sflag:$0x1] =	stream.indirect_vreg.gather [hbm4b:s4+s2], $0x80, v3, vm0, $0xb8;
	[tilespmem:$0x1B200] =	vst v63  }
0x195: {  	_ = 	snop  }
0x196: {  	[tilespmem:s25], [sflag:$0x1] =	stream.indirect_vreg.gather [hbm4b:s5+s2], $0x80, v3, vm1, $0xb8;
	[tilespmem:$0x1B200] =	vst v63  }
0x197: {  	v3 =	vld [tilespmem:$0x1B0];
	_ =	sdelay $0x4  }
0x198: {  	v61 =	vshrl.u32 v3, $0x3  }
0x199: {  	v4 =	vmul.u32 $0x18, v61  }
0x19a: {  	v3 =	vand.u32 $0x7, v3  }
0x19b: {  	v3 =	vor.u32 v3, v4  }
0x19c: {  	v4 =	vperm.xlane v3, v0;
	_ =	sdelay $0x1  }
0x19d: {  	v4 =	vadd.s32 v1, v4;
	_ =	sdelay $0x1  }
0x19e: {  	v3 =	vperm.xlane v3, v2;
	_ =	sdelay $0x1  }
0x19f: {  	v3 =	vadd.s32 v1, v3  }
0x1a0: {  	[tilespmem:s26], [sflag:$0x1] =	stream.indirect_vreg.gather [hbm4b:s4+s2], $0x80, v4, vm0, $0xb8;
	[tilespmem:$0x1B200] =	vst v63  }
0x1a1: {  	_ = 	snop  }
0x1a2: {  	[tilespmem:s28], [sflag:$0x1] =	stream.indirect_vreg.gather [hbm4b:s5+s2], $0x80, v4, vm1, $0xb8;
	[tilespmem:$0x1B200] =	vst v63  }
0x1a3: {  	_ = 	snop  }
0x1a4: {  	[tilespmem:s29], [sflag:$0x1] =	stream.indirect_vreg.gather [hbm4b:s4+s2], $0x80, v3, vm0, $0xb8;
	[tilespmem:$0x1B200] =	vst v63  }
0x1a5: {  	_ = 	snop  }
0x1a6: {  	[tilespmem:s30], [sflag:$0x1] =	stream.indirect_vreg.gather [hbm4b:s5+s2], $0x80, v3, vm1, $0xb8;
	[tilespmem:$0x1B200] =	vst v63  }
0x1a7: {  	v3 =	vld [tilespmem:$0x1C0];
	_ =	sdelay $0x4  }
0x1a8: {  	v62 =	vshrl.u32 v3, $0x3  }
0x1a9: {  	v4 =	vmul.u32 $0x18, v62  }
0x1aa: {  	v3 =	vand.u32 $0x7, v3  }
0x1ab: {  	v3 =	vor.u32 v3, v4  }
0x1ac: {  	v4 =	vperm.xlane v3, v0;
	_ =	sdelay $0x1  }
0x1ad: {  	v4 =	vadd.s32 v1, v4;
	_ =	sdelay $0x1  }
0x1ae: {  	v3 =	vperm.xlane v3, v2;
	_ =	sdelay $0x1  }
0x1af: {  	v3 =	vadd.s32 v1, v3  }
0x1b0: {  	[tilespmem:s31], [sflag:$0x1] =	stream.indirect_vreg.gather [hbm4b:s4+s2], $0x80, v4, vm0, $0xb8;
	[tilespmem:$0x1B200] =	vst v63  }
0x1b1: {  	s14 =	simm.s32 $0x6A00  }
0x1b2: {  	[tilespmem:s14], [sflag:$0x1] =	stream.indirect_vreg.gather [hbm4b:s5+s2], $0x80, v4, vm1, $0xb8;
	[tilespmem:$0x1B200] =	vst v63  }
0x1b3: {  	s14 =	simm.s32 $0x6E00  }
0x1b4: {  	[tilespmem:s14], [sflag:$0x1] =	stream.indirect_vreg.gather [hbm4b:s4+s2], $0x80, v3, vm0, $0xb8;
	[tilespmem:$0x1B200] =	vst v63  }
0x1b5: {  	s14 =	simm.s32 $0x7600  }
0x1b6: {  	[tilespmem:s14], [sflag:$0x1] =	stream.indirect_vreg.gather [hbm4b:s5+s2], $0x80, v3, vm1, $0xb8;
	[tilespmem:$0x1B200] =	vst v63  }
0x1b7: {  	v3 =	vld [tilespmem:$0x1D0];
	_ =	sdelay $0x4  }
0x1b8: {  	v63 =	vshrl.u32 v3, $0x3  }
0x1b9: {  	v4 =	vmul.u32 $0x18, v63  }
0x1ba: {  	v3 =	vand.u32 $0x7, v3  }
0x1bb: {  	v3 =	vor.u32 v3, v4  }
0x1bc: {  	v4 =	vperm.xlane v3, v0;
	_ =	sdelay $0x1  }
0x1bd: {  	v4 =	vadd.s32 v1, v4;
	_ =	sdelay $0x1  }
0x1be: {  	v3 =	vperm.xlane v3, v2;
	_ =	sdelay $0x1  }
0x1bf: {  	v3 =	vadd.s32 v1, v3  }
0x1c0: {  	[tilespmem:s7], [sflag:$0x1] =	stream.indirect_vreg.gather [hbm4b:s4+s2], $0x80, v4, vm0, $0xb8;
	[tilespmem:$0x1B200] =	vst v63  }
0x1c1: {  	_ = 	snop  }
0x1c2: {  	[tilespmem:s11], [sflag:$0x1] =	stream.indirect_vreg.gather [hbm4b:s5+s2], $0x80, v4, vm1, $0xb8;
	[tilespmem:$0x1B200] =	vst v63  }
0x1c3: {  	_ = 	snop  }
0x1c4: {  	[tilespmem:s12], [sflag:$0x1] =	stream.indirect_vreg.gather [hbm4b:s4+s2], $0x80, v3, vm0, $0xb8;
	[tilespmem:$0x1B200] =	vst v63  }
0x1c5: {  	s13 =	simm.s32 $0x2  }
0x1c6: {  	[tilespmem:s8], [sflag:$0x1] =	stream.indirect_vreg.gather [hbm4b:s5+s2], $0x80, v3, vm1, $0xb8;
	[tilespmem:$0x1B200] =	vst v63  }
0x1c7: {  	_ =	swait.ge [sflag:s13], $0x9000  }
0x1c8: {  	[sflag:s13] =	ssyncset.done $0x0  }
0x1c9: {  	s14 =	rddreg [dreg:$0x3];
	[sflag:s13] =	ssyncadd.s32 $0xFFFF7000  }
0x1ca: {  	[hbm4b:s14+s2] =	stream.linear.scatter [tilespmem:s3], [sflag:$0x4], $0x9000, $0x38;
	[tilespmem:$0x1B200] =	vst v63  }
0x1cb: {  	s14 =	simm.s32 $0x3  }
0x1cc: {  	_ =	swait.ge [sflag:s14], $0x9000  }
0x1cd: {  	[sflag:s14] =	ssyncset.done $0x0  }
0x1ce: {  	s7 =	rddreg [dreg:$0x4];
	[sflag:s14] =	ssyncadd.s32 $0xFFFF7000  }
0x1cf: {  	[hbm4b:s7+s2] =	stream.linear.scatter [tilespmem:s0], [sflag:$0x4], $0x9000, $0x38;
	[tilespmem:$0x1B200] =	vst v63  }
0x1d0: {  	_ =	swait.ge [sflag:s9], $0x9000  }
0x1d1: {  	[sflag:s9] =	ssyncset.done $0x0  }
0x1d2: {  	s14 =	rddreg [dreg:$0x5];
	[sflag:s9] =	ssyncadd.s32 $0xFFFF7000  }
0x1d3: {  	[hbm4b:s14+s2] =	stream.linear.scatter [tilespmem:s1], [sflag:$0x4], $0x9000, $0x38;
	[tilespmem:$0x1B200] =	vst v63  }
0x1d4: {  	_ =	swait.ge [sflag:s10], $0x9000  }
0x1d5: {  	[sflag:s10] =	ssyncset.done $0x0  }
0x1d6: {  	[sflag:s10] =	ssyncadd.s32 $0xFFFF7000  }
0x1d7: {  	p0 =	sne.s32 s6, $0x1;
	_ =	swait.ge [sflag:s10], $0x9000  }
.Ltmp0:
0x1d8: {  	[sflag:s10] =	ssyncset.done $0x0;
	(pc) =	sbr.rel @p0 .LBB2_1-.Ltmp0, $4  }
0x1d9: {  	[sflag:s10] =	ssyncadd.s32 $0xFFFF7000  }
0x1da: {  	_ =	swait.ge [sflag:s10], $0x9000  }
0x1db: {  	[sflag:s10] =	ssyncset.done $0x0  }
0x1dc: {  	s6 =	sadd.s32 $0xFFFFFFFF, s6;
	[sflag:s10] =	ssyncadd.s32 $0xFFFF7000  }
0x1dd: {  	_ =	sfence.sel $0x180000  }
0x1de: {  	[bflag:$0x0] =	sbarrier.arrive $0xFFFF  }
0x1df: {  	_ =	strace $0x90000047  }
0x1e0: {  	s0 =	stileid.u32;
	[bflag:$0x2] =	sbarrier.arrive $0xFFFF  }
0x1e1: {  	p0 =	sne.s32 s0, $0x0;
	s0 =	rddreg [dreg:$0x1]  }
0x1e2: {  	s0 =	sadd.s32 @!p0 $0x100000, s0  }
0x1e3: {  	[sflag:s0] =	ssyncadd.tile.s32 @!p0 $0x1;
	_ =	shalt  }
.Lfunc_end2:
_tile_overlayer_lowered:
.L_overlay_start_2:
0x1e4: {  	(tag) =	ssettag $0x2  }
0x1e5: {  	s0 =	rddreg [dreg:$0x0];
	s2 =	stileid.u32  }
0x1e6: {  	s1 =	rddreg [dreg:$0x1];
	p0 =	sne.s32 s2, $0x0  }
0x1e7: {  	s3 =	rddreg [dreg:$0x2];
	[bflag:$0x3] =	sbarrier.arrive $0xFFFF;
	s2 =	simm.s32 @!p0 $0x1C05  }
0x1e8: {  	[timem:s3], [sflag:s2] =	dma.local @!p0 [hbm:s0], s1  }
0x1e9: {  	s0 =	simm.s32 @!p0 $0x5  }
0x1ea: {  	_ =	swait.ge @!p0 [sflag:s0], s1  }
0x1eb: {  	s1 =	ssub.s32 @!p0 $0x0, s1;
	[sflag:s0] =	ssyncset.done @!p0 $0x0  }
0x1ec: {  	[sflag:s0] =	ssyncadd.s32 @!p0 s1  }
0x1ed: {  	[bflag:$0x3] =	sbarrier.arrive $0xFFFF  }
0x1ee: {  	_ =	shalt  }

</sc_bundles>
